<compile_context>
chip_gen: v7x
topology: tpu7x:2x2x1
jax: 0.10.2.dev20260603
libtpu: 0.0.44.dev20260713+nightly
codegen_flags: <defaults>
</compile_context>

<pallas_src>
import functools

import jax
import jax.numpy as jnp
from jax import lax
from jax.experimental import pallas as pl
from jax.experimental.pallas import tpu as pltpu
from jax.experimental.pallas import tpu_sc as plsc

N_NODES = 10000
N_EDGES = 320000
D_IN = 128
D_HID = 16
W8 = 8

NC = 2
NS = 16
NW = NC * NS
EPW = N_EDGES // NW
CH = 2000
NCH = EPW // CH
SL_A = 624
SL_B = N_NODES - 15 * SL_A


def _tc_linear2(x, wl, wr):

    def body(x_ref, wl_ref, wr_ref, y_ref, p_ref):
        xv = x_ref[...]
        y_ref[...] = jnp.dot(xv, wl_ref[...], preferred_element_type=jnp.float32)
        p_ref[...] = jnp.dot(xv, wr_ref[...], preferred_element_type=jnp.float32)

    n = x.shape[0]
    return pl.pallas_call(
        body,
        out_shape=[
            jax.ShapeDtypeStruct((n, wl.shape[1]), jnp.float32),
            jax.ShapeDtypeStruct((n, wr.shape[1]), jnp.float32),
        ],
    )(x, wl, wr)


def _sc_aggregate1(ei, y1, zeros16, zeros8, ones8):
    mesh = plsc.VectorSubcoreMesh(core_axis_name="c", subcore_axis_name="s")

    @functools.partial(
        pl.kernel,
        out_type=[
            jax.ShapeDtypeStruct((NC * N_NODES, D_HID), jnp.float32),
            jax.ShapeDtypeStruct((NC * N_NODES, W8), jnp.float32),
        ],
        mesh=mesh,
        compiler_params=pltpu.CompilerParams(use_tc_tiling_on_sc=False),
        scratch_types=[
            pltpu.VMEM_SHARED((N_NODES, D_HID), jnp.float32),
            pltpu.VMEM_SHARED((N_NODES, W8), jnp.float32),
            pltpu.VMEM((CH,), jnp.int32),
            pltpu.VMEM((CH,), jnp.int32),
            pltpu.VMEM((CH, D_HID), jnp.float32),
            pltpu.VMEM((CH,), jnp.int32),
            pltpu.VMEM((CH,), jnp.int32),
            pltpu.VMEM((CH, D_HID), jnp.float32),
            pltpu.VMEM((CH, W8), jnp.float32),
            pltpu.VMEM((SL_B, D_HID), jnp.float32),
            pltpu.VMEM((SL_B, W8), jnp.float32),
            pltpu.SemaphoreType.DMA,
            pltpu.SemaphoreType.DMA,
            pltpu.SemaphoreType.DMA,
            pltpu.SemaphoreType.DMA,
        ],
    )
    def k(ei_hbm, y1_hbm, z16_hbm, z8_hbm, ones_hbm,
          agg_out, deg_out, agg_sh, deg_sh,
          src_v0, dst_v0, rows_v0, src_v1, dst_v1, rows_v1,
          ones_v, st16_v, st8_v, sem_g0, sem_g1, sem_s1, sem_s2):
        c = lax.axis_index("c")
        s = lax.axis_index("s")
        wid = s * NC + c

        pltpu.sync_copy(ones_hbm, ones_v)

        @pl.when(s < 15)
        def _():
            n0 = s * SL_A
            pltpu.sync_copy(z16_hbm.at[pl.ds(0, SL_A)], st16_v.at[pl.ds(0, SL_A)])
            pltpu.sync_copy(st16_v.at[pl.ds(0, SL_A)], agg_sh.at[pl.ds(n0, SL_A)])
            pltpu.sync_copy(z8_hbm.at[pl.ds(0, SL_A)], st8_v.at[pl.ds(0, SL_A)])
            pltpu.sync_copy(st8_v.at[pl.ds(0, SL_A)], deg_sh.at[pl.ds(n0, SL_A)])

        @pl.when(s == 15)
        def _():
            pltpu.sync_copy(z16_hbm, st16_v)
            pltpu.sync_copy(st16_v, agg_sh.at[pl.ds(15 * SL_A, SL_B)])
            pltpu.sync_copy(z8_hbm, st8_v)
            pltpu.sync_copy(st8_v, deg_sh.at[pl.ds(15 * SL_A, SL_B)])

        plsc.subcore_barrier()

        base = wid * EPW
        srcb = [src_v0, src_v1]
        dstb = [dst_v0, dst_v1]
        rowb = [rows_v0, rows_v1]
        semg = [sem_g0, sem_g1]

        def load_idx(j):
            off = pl.multiple_of(base + j * CH, 8)
            pltpu.sync_copy(ei_hbm.at[0, pl.ds(off, CH)], srcb[j % 2])
            pltpu.sync_copy(ei_hbm.at[1, pl.ds(off, CH)], dstb[j % 2])

        load_idx(0)
        gathers = {0: pltpu.async_copy(y1_hbm.at[srcb[0]], rowb[0], sem_g0)}
        scatters = {}
        for j in range(NCH):
            if j >= 1:
                for d in scatters.pop(j - 1):
                    d.wait()
            if j + 1 < NCH:
                load_idx(j + 1)
            gathers.pop(j).wait()
            scatters[j] = (
                pltpu.async_copy(rowb[j % 2], agg_sh.at[dstb[j % 2]], sem_s1,
                                 add=True),
                pltpu.async_copy(ones_v, deg_sh.at[dstb[j % 2]], sem_s2,
                                 add=True),
            )
            if j + 1 < NCH:
                gathers[j + 1] = pltpu.async_copy(
                    y1_hbm.at[srcb[(j + 1) % 2]], rowb[(j + 1) % 2],
                    semg[(j + 1) % 2])
        for d in scatters.pop(NCH - 1):
            d.wait()
        plsc.subcore_barrier()

        @pl.when(s < 15)
        def _():
            n0 = s * SL_A
            r0 = c * N_NODES + n0
            pltpu.sync_copy(agg_sh.at[pl.ds(n0, SL_A)], st16_v.at[pl.ds(0, SL_A)])
            pltpu.sync_copy(st16_v.at[pl.ds(0, SL_A)], agg_out.at[pl.ds(r0, SL_A)])
            pltpu.sync_copy(deg_sh.at[pl.ds(n0, SL_A)], st8_v.at[pl.ds(0, SL_A)])
            pltpu.sync_copy(st8_v.at[pl.ds(0, SL_A)], deg_out.at[pl.ds(r0, SL_A)])

        @pl.when(s == 15)
        def _():
            n0 = 15 * SL_A
            r0 = c * N_NODES + n0
            pltpu.sync_copy(agg_sh.at[pl.ds(n0, SL_B)], st16_v)
            pltpu.sync_copy(st16_v, agg_out.at[pl.ds(r0, SL_B)])
            pltpu.sync_copy(deg_sh.at[pl.ds(n0, SL_B)], st8_v)
            pltpu.sync_copy(st8_v, deg_out.at[pl.ds(r0, SL_B)])

    return k(ei, y1, zeros16, zeros8, ones8)


def _sc_aggregate2(ei, y2b, zeros8):
    mesh = plsc.VectorSubcoreMesh(core_axis_name="c", subcore_axis_name="s")

    @functools.partial(
        pl.kernel,
        out_type=jax.ShapeDtypeStruct((NC * N_NODES, W8), jnp.float32),
        mesh=mesh,
        compiler_params=pltpu.CompilerParams(use_tc_tiling_on_sc=False),
        scratch_types=[
            pltpu.VMEM_SHARED((N_NODES, W8), jnp.float32),
            pltpu.VMEM((CH,), jnp.int32),
            pltpu.VMEM((CH,), jnp.int32),
            pltpu.VMEM((CH, W8), jnp.float32),
            pltpu.VMEM((CH,), jnp.int32),
            pltpu.VMEM((CH,), jnp.int32),
            pltpu.VMEM((CH, W8), jnp.float32),
            pltpu.VMEM((SL_B, W8), jnp.float32),
            pltpu.SemaphoreType.DMA,
            pltpu.SemaphoreType.DMA,
            pltpu.SemaphoreType.DMA,
        ],
    )
    def k(ei_hbm, y2_hbm, z8_hbm, agg_out, agg_sh,
          src_v0, dst_v0, rows_v0, src_v1, dst_v1, rows_v1,
          st8_v, sem_g0, sem_g1, sem_s1):
        c = lax.axis_index("c")
        s = lax.axis_index("s")
        wid = s * NC + c

        @pl.when(s < 15)
        def _():
            pltpu.sync_copy(z8_hbm.at[pl.ds(0, SL_A)], st8_v.at[pl.ds(0, SL_A)])
            pltpu.sync_copy(st8_v.at[pl.ds(0, SL_A)],
                            agg_sh.at[pl.ds(s * SL_A, SL_A)])

        @pl.when(s == 15)
        def _():
            pltpu.sync_copy(z8_hbm, st8_v)
            pltpu.sync_copy(st8_v, agg_sh.at[pl.ds(15 * SL_A, SL_B)])

        plsc.subcore_barrier()

        base = wid * EPW
        srcb = [src_v0, src_v1]
        dstb = [dst_v0, dst_v1]
        rowb = [rows_v0, rows_v1]
        semg = [sem_g0, sem_g1]

        def load_idx(j):
            off = pl.multiple_of(base + j * CH, 8)
            pltpu.sync_copy(ei_hbm.at[0, pl.ds(off, CH)], srcb[j % 2])
            pltpu.sync_copy(ei_hbm.at[1, pl.ds(off, CH)], dstb[j % 2])

        load_idx(0)
        gathers = {0: pltpu.async_copy(y2_hbm.at[srcb[0]], rowb[0], sem_g0)}
        scatters = {}
        for j in range(NCH):
            if j >= 1:
                scatters.pop(j - 1).wait()
            if j + 1 < NCH:
                load_idx(j + 1)
            gathers.pop(j).wait()
            scatters[j] = pltpu.async_copy(
                rowb[j % 2], agg_sh.at[dstb[j % 2]], sem_s1, add=True)
            if j + 1 < NCH:
                gathers[j + 1] = pltpu.async_copy(
                    y2_hbm.at[srcb[(j + 1) % 2]], rowb[(j + 1) % 2],
                    semg[(j + 1) % 2])
        scatters.pop(NCH - 1).wait()
        plsc.subcore_barrier()

        @pl.when(s < 15)
        def _():
            n0 = s * SL_A
            pltpu.sync_copy(agg_sh.at[pl.ds(n0, SL_A)], st8_v.at[pl.ds(0, SL_A)])
            pltpu.sync_copy(st8_v.at[pl.ds(0, SL_A)],
                            agg_out.at[pl.ds(c * N_NODES + n0, SL_A)])

        @pl.when(s == 15)
        def _():
            n0 = 15 * SL_A
            pltpu.sync_copy(agg_sh.at[pl.ds(n0, SL_B)], st8_v)
            pltpu.sync_copy(st8_v, agg_out.at[pl.ds(c * N_NODES + n0, SL_B)])

    return k(ei, y2b, zeros8)


def _tc_layer_mid(aggp, degp, p1, b1l, w2l, w2r, b2l):

    def body(aggp_ref, degp_ref, p1_ref, b1l_ref, w2l_ref, w2r_ref, b2l_ref,
             y2_ref, p2b_ref, degc_ref):
        agg = aggp_ref[0:N_NODES, :] + aggp_ref[N_NODES:2 * N_NODES, :]
        deg = degp_ref[0:N_NODES, 0:1] + degp_ref[N_NODES:2 * N_NODES, 0:1]
        dinv = 1.0 / jnp.maximum(deg, 1.0)
        h = jnp.maximum(agg * dinv + b1l_ref[...] + p1_ref[...], 0.0)
        y2 = jnp.sum(h * w2l_ref[...], axis=1, keepdims=True)
        y2_ref[...] = jnp.broadcast_to(y2, (N_NODES, W8))
        p2b_ref[...] = jnp.sum(h * w2r_ref[...], axis=1, keepdims=True) + b2l_ref[...]
        degc_ref[...] = dinv

    return pl.pallas_call(
        body,
        out_shape=[
            jax.ShapeDtypeStruct((N_NODES, W8), jnp.float32),
            jax.ShapeDtypeStruct((N_NODES, 1), jnp.float32),
            jax.ShapeDtypeStruct((N_NODES, 1), jnp.float32),
        ],
    )(aggp, degp, p1, b1l, w2l, w2r, b2l)


def _tc_final(agg2p, degc, p2b):
    def body(a_ref, d_ref, p_ref, o_ref):
        a = a_ref[0:N_NODES, 0:1] + a_ref[N_NODES:2 * N_NODES, 0:1]
        o_ref[...] = a * d_ref[...] + p_ref[...]

    return pl.pallas_call(
        body,
        out_shape=jax.ShapeDtypeStruct((N_NODES, 1), jnp.float32),
    )(agg2p, degc, p2b)


def kernel(x, edge_index, W1l, b1l, W1r, W2l, b2l, W2r):
    ei = edge_index.astype(jnp.int32)

    zeros16 = jnp.zeros((SL_B, D_HID), jnp.float32)
    zeros8 = jnp.zeros((SL_B, W8), jnp.float32)
    ones8 = jnp.ones((CH, W8), jnp.float32)

    y1, p1 = _tc_linear2(x, W1l.T, W1r.T)
    aggp, degp = _sc_aggregate1(ei, y1, zeros16, zeros8, ones8)
    y2b, p2b, degc = _tc_layer_mid(
        aggp, degp, p1, b1l.reshape(1, D_HID), W2l, W2r, b2l.reshape(1, 1))
    agg2p = _sc_aggregate2(ei, y2b, zeros8)
    out = _tc_final(agg2p, degc, p2b)
    return out

# --- scband reference (transcript-rebuilt; emitter-appended) ---
"""Pipeline reference for scband-graph-sage-41841571397936 (READ-ONLY COPY).

The authoritative reference and input builder live on the scoring server;
editing this copy changes nothing except your own understanding.
"""

import jax, jax.numpy as jnp
import numpy as np

N_NODES = 10000
N_EDGES = 320000
D_IN = 128
D_HID = 16
D_OUT = 1


def setup_inputs(seed: int = 0) -> dict:
    key = jax.random.key(seed)
    ks = jax.random.split(key, 8)
    x = jax.random.normal(ks[0], (N_NODES, D_IN), dtype=jnp.float32)
    edge_index = jax.random.randint(ks[1], (2, N_EDGES), 0, N_NODES, dtype=jnp.int64)
    # SAGEConv params: lin_l (applied to aggregated neighbors, with bias), lin_r (applied to root, no bias)
    s1 = 1.0 / np.sqrt(D_IN)
    s2 = 1.0 / np.sqrt(D_HID)
    W1l = jax.random.uniform(ks[2], (D_HID, D_IN), jnp.float32, -s1, s1)
    b1l = jnp.zeros((D_HID,), jnp.float32)
    W1r = jax.random.uniform(ks[3], (D_HID, D_IN), jnp.float32, -s1, s1)
    W2l = jax.random.uniform(ks[4], (D_OUT, D_HID), jnp.float32, -s2, s2)
    b2l = jnp.zeros((D_OUT,), jnp.float32)
    W2r = jax.random.uniform(ks[5], (D_OUT, D_HID), jnp.float32, -s2, s2)
    return {"x": x, "edge_index": edge_index, "W1l": W1l, "b1l": b1l, "W1r": W1r,
            "W2l": W2l, "b2l": b2l, "W2r": W2r}


def _sage_conv(x, edge_index, Wl, bl, Wr):
    src = edge_index[0]
    dst = edge_index[1]
    msg = jnp.take(x, src, axis=0)                       # gather source node features
    agg = jax.ops.segment_sum(msg, dst, num_segments=N_NODES)  # scatter-add to dst
    deg = jax.ops.segment_sum(jnp.ones((msg.shape[0],), jnp.float32), dst, num_segments=N_NODES)
    agg = agg / jnp.clip(deg, 1.0, None)[:, None]        # mean aggregation
    return agg @ Wl.T + bl + x @ Wr.T


def reference(x, edge_index, W1l, b1l, W1r, W2l, b2l, W2r):
    h = _sage_conv(x, edge_index, W1l, b1l, W1r)
    h = jax.nn.relu(h)
    # dropout is identity at inference
    out = _sage_conv(h, edge_index, W2l, b2l, W2r)
    return out

if __name__ == "__main__":
    import jax
    _d = setup_inputs()
    print(jax.jit(kernel)(*tuple(_d.values())))

</pallas_src>

<mosaic_0001>
#map = affine_map<(d0, d1) -> (0, 0)>
module attributes {stable_mosaic.version = 14 : i64} {
  func.func @k(%arg0: i32, %arg1: i32, %arg2: memref<2x320000xi32, #tpu.memory_space<hbm>>, %arg3: memref<10000x8xf32, #tpu.memory_space<hbm>>, %arg4: memref<640x8xf32, #tpu.memory_space<hbm>>, %arg5: memref<20000x8xf32, #tpu.memory_space<hbm>>, %arg6: memref<10000x8xf32, #tpu.memory_space<vmem_shared>>, %arg7: memref<2000xi32, #tpu.memory_space<vmem>>, %arg8: memref<2000xi32, #tpu.memory_space<vmem>>, %arg9: memref<2000x8xf32, #tpu.memory_space<vmem>>, %arg10: memref<2000xi32, #tpu.memory_space<vmem>>, %arg11: memref<2000xi32, #tpu.memory_space<vmem>>, %arg12: memref<2000x8xf32, #tpu.memory_space<vmem>>, %arg13: memref<640x8xf32, #tpu.memory_space<vmem>>, %arg14: memref<!tpu.dma_semaphore, #tpu.memory_space<semaphore_mem>>, %arg15: memref<!tpu.dma_semaphore, #tpu.memory_space<semaphore_mem>>, %arg16: memref<!tpu.dma_semaphore, #tpu.memory_space<semaphore_mem>>) attributes {dimension_semantics = [#tpu.dimension_semantics<core_parallel>, #tpu.dimension_semantics<subcore_parallel>], iteration_bounds = array<i64: 2, 16>, scalar_prefetch = 0 : i64, scratch_operands = 11 : i64, tpu.core_type = #tpu.core_type<sc_vector_subcore>, window_params = [{transform_indices = #map}, {transform_indices = #map}, {transform_indices = #map}, {transform_indices = #map}]} {
    %mul3A = arith.constant 2 : i32
    %mul3A_0 = arith.muli %arg1, %mul3A : i32
    %add3A = arith.addi %mul3A_0, %arg0 : i32
    %lt3A = arith.constant 15 : i32
    %lt3A_1 = arith.cmpi slt, %arg1, %lt3A : i32
    %convert_element_type3A = arith.extui %lt3A_1 : i1 to i32
    %cond3A = arith.constant 0 : i32
    %cond3A_2 = arith.cmpi ne, %convert_element_type3A, %cond3A : i32
    scf.if %cond3A_2 {
      "tpu.region"() ({
        %run_scoped3A_103 = tpu.sem_alloc : memref<!tpu.dma_semaphore, #tpu.memory_space<semaphore_mem>>
        %dma_start3A_104 = arith.constant 0 : i32
        %dma_start3A_105 = arith.constant 0 : i32
        %dma_start3A_106 = tpu.memref_slice %arg13[%dma_start3A_104, %dma_start3A_105] : memref<640x8xf32, #tpu.memory_space<vmem>> -> memref<624x8xf32, #tpu.memory_space<vmem>>
        %dma_start3A_107 = arith.constant 0 : i32
        %dma_start3A_108 = arith.constant 0 : i32
        %dma_start3A_109 = tpu.memref_slice %arg4[%dma_start3A_107, %dma_start3A_108] : memref<640x8xf32, #tpu.memory_space<hbm>> -> memref<624x8xf32, #tpu.memory_space<hbm>>
        %dma_start3A_110 = arith.constant 0 : i32
        %dma_start3A_111 = arith.constant 0 : i32
        %dma_start3A_112 = tpu.memref_slice %arg13[%dma_start3A_110, %dma_start3A_111] : memref<640x8xf32, #tpu.memory_space<vmem>> -> memref<624x8xf32, #tpu.memory_space<vmem>>
        %dma_start3A_113 = arith.constant 0 : i32
        %dma_start3A_114 = arith.constant 0 : i32
        %dma_start3A_115 = tpu.memref_slice %arg4[%dma_start3A_113, %dma_start3A_114] : memref<640x8xf32, #tpu.memory_space<hbm>> -> memref<624x8xf32, #tpu.memory_space<hbm>>
        tpu.enqueue_dma source(%dma_start3A_115 : memref<624x8xf32, #tpu.memory_space<hbm>>) target(%dma_start3A_112 : memref<624x8xf32, #tpu.memory_space<vmem>>) target_semaphore(%run_scoped3A_103 : memref<!tpu.dma_semaphore, #tpu.memory_space<semaphore_mem>>)
        %dma_wait3A_116 = arith.constant 0 : i32
        %dma_wait3A_117 = arith.constant 0 : i32
        %dma_wait3A_118 = tpu.memref_slice %arg13[%dma_wait3A_116, %dma_wait3A_117] : memref<640x8xf32, #tpu.memory_space<vmem>> -> memref<624x8xf32, #tpu.memory_space<vmem>>
        %dma_wait3A_119 = arith.constant 0 : i32
        %dma_wait3A_120 = arith.constant 0 : i32
        %dma_wait3A_121 = tpu.memref_slice %arg4[%dma_wait3A_119, %dma_wait3A_120] : memref<640x8xf32, #tpu.memory_space<hbm>> -> memref<624x8xf32, #tpu.memory_space<hbm>>
        %dma_wait3A_122 = arith.constant 0 : i32
        %dma_wait3A_123 = arith.constant 0 : i32
        %dma_wait3A_124 = tpu.memref_slice %arg13[%dma_wait3A_122, %dma_wait3A_123] : memref<640x8xf32, #tpu.memory_space<vmem>> -> memref<624x8xf32, #tpu.memory_space<vmem>>
        %dma_wait3A_125 = arith.constant 0 : i32
        %dma_wait3A_126 = arith.constant 0 : i32
        %dma_wait3A_127 = tpu.memref_slice %arg4[%dma_wait3A_125, %dma_wait3A_126] : memref<640x8xf32, #tpu.memory_space<hbm>> -> memref<624x8xf32, #tpu.memory_space<hbm>>
        tpu.wait_dma2 semaphore(%run_scoped3A_103 : memref<!tpu.dma_semaphore, #tpu.memory_space<semaphore_mem>>) src(%dma_wait3A_127 : memref<624x8xf32, #tpu.memory_space<hbm>>) dst(%dma_wait3A_124 : memref<624x8xf32, #tpu.memory_space<vmem>>)
        tpu.yield
      }) : () -> ()
      %mul3A_101 = arith.constant 624 : i32
      %mul3A_102 = arith.muli %arg1, %mul3A_101 : i32
      "tpu.region"() ({
        %run_scoped3A_103 = tpu.sem_alloc : memref<!tpu.dma_semaphore, #tpu.memory_space<semaphore_mem>>
        %dma_start3A_104 = arith.constant 0 : i32
        %dma_start3A_105 = arith.constant 0 : i32
        %dma_start3A_106 = tpu.memref_slice %arg13[%dma_start3A_104, %dma_start3A_105] : memref<640x8xf32, #tpu.memory_space<vmem>> -> memref<624x8xf32, #tpu.memory_space<vmem>>
        %dma_start3A_107 = arith.constant 0 : i32
        %dma_start3A_108 = tpu.memref_slice %arg6[%mul3A_102, %dma_start3A_107] : memref<10000x8xf32, #tpu.memory_space<vmem_shared>> -> memref<624x8xf32, #tpu.memory_space<vmem_shared>>
        %dma_start3A_109 = arith.constant 0 : i32
        %dma_start3A_110 = tpu.memref_slice %arg6[%mul3A_102, %dma_start3A_109] : memref<10000x8xf32, #tpu.memory_space<vmem_shared>> -> memref<624x8xf32, #tpu.memory_space<vmem_shared>>
        %dma_start3A_111 = arith.constant 0 : i32
        %dma_start3A_112 = arith.constant 0 : i32
        %dma_start3A_113 = tpu.memref_slice %arg13[%dma_start3A_111, %dma_start3A_112] : memref<640x8xf32, #tpu.memory_space<vmem>> -> memref<624x8xf32, #tpu.memory_space<vmem>>
        tpu.enqueue_dma source(%dma_start3A_113 : memref<624x8xf32, #tpu.memory_space<vmem>>) target(%dma_start3A_110 : memref<624x8xf32, #tpu.memory_space<vmem_shared>>) target_semaphore(%run_scoped3A_103 : memref<!tpu.dma_semaphore, #tpu.memory_space<semaphore_mem>>)
        %dma_wait3A_114 = arith.constant 0 : i32
        %dma_wait3A_115 = arith.constant 0 : i32
        %dma_wait3A_116 = tpu.memref_slice %arg13[%dma_wait3A_114, %dma_wait3A_115] : memref<640x8xf32, #tpu.memory_space<vmem>> -> memref<624x8xf32, #tpu.memory_space<vmem>>
        %dma_wait3A_117 = arith.constant 0 : i32
        %dma_wait3A_118 = tpu.memref_slice %arg6[%mul3A_102, %dma_wait3A_117] : memref<10000x8xf32, #tpu.memory_space<vmem_shared>> -> memref<624x8xf32, #tpu.memory_space<vmem_shared>>
        %dma_wait3A_119 = arith.constant 0 : i32
        %dma_wait3A_120 = tpu.memref_slice %arg6[%mul3A_102, %dma_wait3A_119] : memref<10000x8xf32, #tpu.memory_space<vmem_shared>> -> memref<624x8xf32, #tpu.memory_space<vmem_shared>>
        %dma_wait3A_121 = arith.constant 0 : i32
        %dma_wait3A_122 = arith.constant 0 : i32
        %dma_wait3A_123 = tpu.memref_slice %arg13[%dma_wait3A_121, %dma_wait3A_122] : memref<640x8xf32, #tpu.memory_space<vmem>> -> memref<624x8xf32, #tpu.memory_space<vmem>>
        tpu.wait_dma2 semaphore(%run_scoped3A_103 : memref<!tpu.dma_semaphore, #tpu.memory_space<semaphore_mem>>) src(%dma_wait3A_123 : memref<624x8xf32, #tpu.memory_space<vmem>>) dst(%dma_wait3A_120 : memref<624x8xf32, #tpu.memory_space<vmem_shared>>)
        tpu.yield
      }) : () -> ()
    } else {
    }
    %eq3A = arith.constant 15 : i32
    %eq3A_3 = arith.cmpi eq, %arg1, %eq3A : i32
    %convert_element_type3A_4 = arith.extui %eq3A_3 : i1 to i32
    %cond3A_5 = arith.constant 0 : i32
    %cond3A_6 = arith.cmpi ne, %convert_element_type3A_4, %cond3A_5 : i32
    scf.if %cond3A_6 {
      "tpu.region"() ({
        %run_scoped3A_101 = tpu.sem_alloc : memref<!tpu.dma_semaphore, #tpu.memory_space<semaphore_mem>>
        tpu.enqueue_dma source(%arg4 : memref<640x8xf32, #tpu.memory_space<hbm>>) target(%arg13 : memref<640x8xf32, #tpu.memory_space<vmem>>) target_semaphore(%run_scoped3A_101 : memref<!tpu.dma_semaphore, #tpu.memory_space<semaphore_mem>>)
        tpu.wait_dma2 semaphore(%run_scoped3A_101 : memref<!tpu.dma_semaphore, #tpu.memory_space<semaphore_mem>>) src(%arg4 : memref<640x8xf32, #tpu.memory_space<hbm>>) dst(%arg13 : memref<640x8xf32, #tpu.memory_space<vmem>>)
        tpu.yield
      }) : () -> ()
      "tpu.region"() ({
        %run_scoped3A_101 = tpu.sem_alloc : memref<!tpu.dma_semaphore, #tpu.memory_space<semaphore_mem>>
        %dma_start3A_102 = arith.constant 9360 : i32
        %dma_start3A_103 = arith.constant 0 : i32
        %dma_start3A_104 = tpu.memref_slice %arg6[%dma_start3A_102, %dma_start3A_103] : memref<10000x8xf32, #tpu.memory_space<vmem_shared>> -> memref<640x8xf32, #tpu.memory_space<vmem_shared>>
        %dma_start3A_105 = arith.constant 9360 : i32
        %dma_start3A_106 = arith.constant 0 : i32
        %dma_start3A_107 = tpu.memref_slice %arg6[%dma_start3A_105, %dma_start3A_106] : memref<10000x8xf32, #tpu.memory_space<vmem_shared>> -> memref<640x8xf32, #tpu.memory_space<vmem_shared>>
        tpu.enqueue_dma source(%arg13 : memref<640x8xf32, #tpu.memory_space<vmem>>) target(%dma_start3A_107 : memref<640x8xf32, #tpu.memory_space<vmem_shared>>) target_semaphore(%run_scoped3A_101 : memref<!tpu.dma_semaphore, #tpu.memory_space<semaphore_mem>>)
        %dma_wait3A_108 = arith.constant 9360 : i32
        %dma_wait3A_109 = arith.constant 0 : i32
        %dma_wait3A_110 = tpu.memref_slice %arg6[%dma_wait3A_108, %dma_wait3A_109] : memref<10000x8xf32, #tpu.memory_space<vmem_shared>> -> memref<640x8xf32, #tpu.memory_space<vmem_shared>>
        %dma_wait3A_111 = arith.constant 9360 : i32
        %dma_wait3A_112 = arith.constant 0 : i32
        %dma_wait3A_113 = tpu.memref_slice %arg6[%dma_wait3A_111, %dma_wait3A_112] : memref<10000x8xf32, #tpu.memory_space<vmem_shared>> -> memref<640x8xf32, #tpu.memory_space<vmem_shared>>
        tpu.wait_dma2 semaphore(%run_scoped3A_101 : memref<!tpu.dma_semaphore, #tpu.memory_space<semaphore_mem>>) src(%arg13 : memref<640x8xf32, #tpu.memory_space<vmem>>) dst(%dma_wait3A_113 : memref<640x8xf32, #tpu.memory_space<vmem_shared>>)
        tpu.yield
      }) : () -> ()
    } else {
    }
    %barrier3A = arith.constant 0 : index
    tpu.barrier barrier_id(%barrier3A)
    %mul3A_7 = arith.constant 10000 : i32
    %mul3A_8 = arith.muli %add3A, %mul3A_7 : i32
    %add3A_9 = arith.constant 0 : i32
    %add3A_10 = arith.addi %mul3A_8, %add3A_9 : i32
    %multiple_of3A = tpu.assume_multiple %add3A_10, 8 : i32
    %run_scoped3A = arith.constant 0 : i32
    "tpu.region"() ({
      %run_scoped3A_101 = tpu.sem_alloc : memref<!tpu.dma_semaphore, #tpu.memory_space<semaphore_mem>>
      %dma_start3A_102 = tpu.memref_slice %arg2[%run_scoped3A, %multiple_of3A] : memref<2x320000xi32, #tpu.memory_space<hbm>> -> memref<1x2000xi32, #tpu.memory_space<hbm>>
      %dma_start3A_103 = tpu.memref_squeeze %dma_start3A_102 : memref<1x2000xi32, #tpu.memory_space<hbm>> -> memref<2000xi32, #tpu.memory_space<hbm>>
      %dma_start3A_104 = tpu.memref_slice %arg2[%run_scoped3A, %multiple_of3A] : memref<2x320000xi32, #tpu.memory_space<hbm>> -> memref<1x2000xi32, #tpu.memory_space<hbm>>
      %dma_start3A_105 = tpu.memref_squeeze %dma_start3A_104 : memref<1x2000xi32, #tpu.memory_space<hbm>> -> memref<2000xi32, #tpu.memory_space<hbm>>
      tpu.enqueue_dma source(%dma_start3A_105 : memref<2000xi32, #tpu.memory_space<hbm>>) target(%arg7 : memref<2000xi32, #tpu.memory_space<vmem>>) target_semaphore(%run_scoped3A_101 : memref<!tpu.dma_semaphore, #tpu.memory_space<semaphore_mem>>)
      %dma_wait3A_106 = tpu.memref_slice %arg2[%run_scoped3A, %multiple_of3A] : memref<2x320000xi32, #tpu.memory_space<hbm>> -> memref<1x2000xi32, #tpu.memory_space<hbm>>
      %dma_wait3A_107 = tpu.memref_squeeze %dma_wait3A_106 : memref<1x2000xi32, #tpu.memory_space<hbm>> -> memref<2000xi32, #tpu.memory_space<hbm>>
      %dma_wait3A_108 = tpu.memref_slice %arg2[%run_scoped3A, %multiple_of3A] : memref<2x320000xi32, #tpu.memory_space<hbm>> -> memref<1x2000xi32, #tpu.memory_space<hbm>>
      %dma_wait3A_109 = tpu.memref_squeeze %dma_wait3A_108 : memref<1x2000xi32, #tpu.memory_space<hbm>> -> memref<2000xi32, #tpu.memory_space<hbm>>
      tpu.wait_dma2 semaphore(%run_scoped3A_101 : memref<!tpu.dma_semaphore, #tpu.memory_space<semaphore_mem>>) src(%dma_wait3A_109 : memref<2000xi32, #tpu.memory_space<hbm>>) dst(%arg7 : memref<2000xi32, #tpu.memory_space<vmem>>)
      tpu.yield
    }) : () -> ()
    %run_scoped3A_11 = arith.constant 1 : i32
    "tpu.region"() ({
      %run_scoped3A_101 = tpu.sem_alloc : memref<!tpu.dma_semaphore, #tpu.memory_space<semaphore_mem>>
      %dma_start3A_102 = tpu.memref_slice %arg2[%run_scoped3A_11, %multiple_of3A] : memref<2x320000xi32, #tpu.memory_space<hbm>> -> memref<1x2000xi32, #tpu.memory_space<hbm>>
      %dma_start3A_103 = tpu.memref_squeeze %dma_start3A_102 : memref<1x2000xi32, #tpu.memory_space<hbm>> -> memref<2000xi32, #tpu.memory_space<hbm>>
      %dma_start3A_104 = tpu.memref_slice %arg2[%run_scoped3A_11, %multiple_of3A] : memref<2x320000xi32, #tpu.memory_space<hbm>> -> memref<1x2000xi32, #tpu.memory_space<hbm>>
      %dma_start3A_105 = tpu.memref_squeeze %dma_start3A_104 : memref<1x2000xi32, #tpu.memory_space<hbm>> -> memref<2000xi32, #tpu.memory_space<hbm>>
      tpu.enqueue_dma source(%dma_start3A_105 : memref<2000xi32, #tpu.memory_space<hbm>>) target(%arg8 : memref<2000xi32, #tpu.memory_space<vmem>>) target_semaphore(%run_scoped3A_101 : memref<!tpu.dma_semaphore, #tpu.memory_space<semaphore_mem>>)
      %dma_wait3A_106 = tpu.memref_slice %arg2[%run_scoped3A_11, %multiple_of3A] : memref<2x320000xi32, #tpu.memory_space<hbm>> -> memref<1x2000xi32, #tpu.memory_space<hbm>>
      %dma_wait3A_107 = tpu.memref_squeeze %dma_wait3A_106 : memref<1x2000xi32, #tpu.memory_space<hbm>> -> memref<2000xi32, #tpu.memory_space<hbm>>
      %dma_wait3A_108 = tpu.memref_slice %arg2[%run_scoped3A_11, %multiple_of3A] : memref<2x320000xi32, #tpu.memory_space<hbm>> -> memref<1x2000xi32, #tpu.memory_space<hbm>>
      %dma_wait3A_109 = tpu.memref_squeeze %dma_wait3A_108 : memref<1x2000xi32, #tpu.memory_space<hbm>> -> memref<2000xi32, #tpu.memory_space<hbm>>
      tpu.wait_dma2 semaphore(%run_scoped3A_101 : memref<!tpu.dma_semaphore, #tpu.memory_space<semaphore_mem>>) src(%dma_wait3A_109 : memref<2000xi32, #tpu.memory_space<hbm>>) dst(%arg8 : memref<2000xi32, #tpu.memory_space<vmem>>)
      tpu.yield
    }) : () -> ()
    %dma_start3A = arith.constant 0 : i32
    %dma_start3A_12 = arith.constant 0 : i32
    %dma_start3A_13 = tpu.memref_slice %arg3[%dma_start3A, %dma_start3A_12] : memref<10000x8xf32, #tpu.memory_space<hbm>> -> memref<10000x8xf32, #tpu.memory_space<hbm>>
    tpu.enqueue_indirect_dma source(%dma_start3A_13 : memref<10000x8xf32, #tpu.memory_space<hbm>>) target(%arg9 : memref<2000x8xf32, #tpu.memory_space<vmem>>) offsets(%arg7 : memref<2000xi32, #tpu.memory_space<vmem>>) semaphore(%arg14 : memref<!tpu.dma_semaphore, #tpu.memory_space<semaphore_mem>>)
    %add3A_14 = arith.constant 2000 : i32
    %add3A_15 = arith.addi %mul3A_8, %add3A_14 : i32
    %multiple_of3A_16 = tpu.assume_multiple %add3A_15, 8 : i32
    %run_scoped3A_17 = arith.constant 0 : i32
    "tpu.region"() ({
      %run_scoped3A_101 = tpu.sem_alloc : memref<!tpu.dma_semaphore, #tpu.memory_space<semaphore_mem>>
      %dma_start3A_102 = tpu.memref_slice %arg2[%run_scoped3A_17, %multiple_of3A_16] : memref<2x320000xi32, #tpu.memory_space<hbm>> -> memref<1x2000xi32, #tpu.memory_space<hbm>>
      %dma_start3A_103 = tpu.memref_squeeze %dma_start3A_102 : memref<1x2000xi32, #tpu.memory_space<hbm>> -> memref<2000xi32, #tpu.memory_space<hbm>>
      %dma_start3A_104 = tpu.memref_slice %arg2[%run_scoped3A_17, %multiple_of3A_16] : memref<2x320000xi32, #tpu.memory_space<hbm>> -> memref<1x2000xi32, #tpu.memory_space<hbm>>
      %dma_start3A_105 = tpu.memref_squeeze %dma_start3A_104 : memref<1x2000xi32, #tpu.memory_space<hbm>> -> memref<2000xi32, #tpu.memory_space<hbm>>
      tpu.enqueue_dma source(%dma_start3A_105 : memref<2000xi32, #tpu.memory_space<hbm>>) target(%arg10 : memref<2000xi32, #tpu.memory_space<vmem>>) target_semaphore(%run_scoped3A_101 : memref<!tpu.dma_semaphore, #tpu.memory_space<semaphore_mem>>)
      %dma_wait3A_106 = tpu.memref_slice %arg2[%run_scoped3A_17, %multiple_of3A_16] : memref<2x320000xi32, #tpu.memory_space<hbm>> -> memref<1x2000xi32, #tpu.memory_space<hbm>>
      %dma_wait3A_107 = tpu.memref_squeeze %dma_wait3A_106 : memref<1x2000xi32, #tpu.memory_space<hbm>> -> memref<2000xi32, #tpu.memory_space<hbm>>
      %dma_wait3A_108 = tpu.memref_slice %arg2[%run_scoped3A_17, %multiple_of3A_16] : memref<2x320000xi32, #tpu.memory_space<hbm>> -> memref<1x2000xi32, #tpu.memory_space<hbm>>
      %dma_wait3A_109 = tpu.memref_squeeze %dma_wait3A_108 : memref<1x2000xi32, #tpu.memory_space<hbm>> -> memref<2000xi32, #tpu.memory_space<hbm>>
      tpu.wait_dma2 semaphore(%run_scoped3A_101 : memref<!tpu.dma_semaphore, #tpu.memory_space<semaphore_mem>>) src(%dma_wait3A_109 : memref<2000xi32, #tpu.memory_space<hbm>>) dst(%arg10 : memref<2000xi32, #tpu.memory_space<vmem>>)
      tpu.yield
    }) : () -> ()
    %run_scoped3A_18 = arith.constant 1 : i32
    "tpu.region"() ({
      %run_scoped3A_101 = tpu.sem_alloc : memref<!tpu.dma_semaphore, #tpu.memory_space<semaphore_mem>>
      %dma_start3A_102 = tpu.memref_slice %arg2[%run_scoped3A_18, %multiple_of3A_16] : memref<2x320000xi32, #tpu.memory_space<hbm>> -> memref<1x2000xi32, #tpu.memory_space<hbm>>
      %dma_start3A_103 = tpu.memref_squeeze %dma_start3A_102 : memref<1x2000xi32, #tpu.memory_space<hbm>> -> memref<2000xi32, #tpu.memory_space<hbm>>
      %dma_start3A_104 = tpu.memref_slice %arg2[%run_scoped3A_18, %multiple_of3A_16] : memref<2x320000xi32, #tpu.memory_space<hbm>> -> memref<1x2000xi32, #tpu.memory_space<hbm>>
      %dma_start3A_105 = tpu.memref_squeeze %dma_start3A_104 : memref<1x2000xi32, #tpu.memory_space<hbm>> -> memref<2000xi32, #tpu.memory_space<hbm>>
      tpu.enqueue_dma source(%dma_start3A_105 : memref<2000xi32, #tpu.memory_space<hbm>>) target(%arg11 : memref<2000xi32, #tpu.memory_space<vmem>>) target_semaphore(%run_scoped3A_101 : memref<!tpu.dma_semaphore, #tpu.memory_space<semaphore_mem>>)
      %dma_wait3A_106 = tpu.memref_slice %arg2[%run_scoped3A_18, %multiple_of3A_16] : memref<2x320000xi32, #tpu.memory_space<hbm>> -> memref<1x2000xi32, #tpu.memory_space<hbm>>
      %dma_wait3A_107 = tpu.memref_squeeze %dma_wait3A_106 : memref<1x2000xi32, #tpu.memory_space<hbm>> -> memref<2000xi32, #tpu.memory_space<hbm>>
      %dma_wait3A_108 = tpu.memref_slice %arg2[%run_scoped3A_18, %multiple_of3A_16] : memref<2x320000xi32, #tpu.memory_space<hbm>> -> memref<1x2000xi32, #tpu.memory_space<hbm>>
      %dma_wait3A_109 = tpu.memref_squeeze %dma_wait3A_108 : memref<1x2000xi32, #tpu.memory_space<hbm>> -> memref<2000xi32, #tpu.memory_space<hbm>>
      tpu.wait_dma2 semaphore(%run_scoped3A_101 : memref<!tpu.dma_semaphore, #tpu.memory_space<semaphore_mem>>) src(%dma_wait3A_109 : memref<2000xi32, #tpu.memory_space<hbm>>) dst(%arg11 : memref<2000xi32, #tpu.memory_space<vmem>>)
      tpu.yield
    }) : () -> ()
    %dma_wait3A = arith.constant 0 : i32
    %dma_wait3A_19 = arith.constant 0 : i32
    %dma_wait3A_20 = tpu.memref_slice %arg3[%dma_wait3A, %dma_wait3A_19] : memref<10000x8xf32, #tpu.memory_space<hbm>> -> memref<10000x8xf32, #tpu.memory_space<hbm>>
    tpu.wait_indirect_dma semaphore(%arg14 : memref<!tpu.dma_semaphore, #tpu.memory_space<semaphore_mem>>) src(%dma_wait3A_20 : memref<10000x8xf32, #tpu.memory_space<hbm>>) dst(%arg9 : memref<2000x8xf32, #tpu.memory_space<vmem>>)
    %dma_start3A_21 = arith.constant 0 : i32
    %dma_start3A_22 = arith.constant 0 : i32
    %dma_start3A_23 = tpu.memref_slice %arg6[%dma_start3A_21, %dma_start3A_22] : memref<10000x8xf32, #tpu.memory_space<vmem_shared>> -> memref<10000x8xf32, #tpu.memory_space<vmem_shared>>
    tpu.enqueue_indirect_dma source(%arg9 : memref<2000x8xf32, #tpu.memory_space<vmem>>) target(%dma_start3A_23 : memref<10000x8xf32, #tpu.memory_space<vmem_shared>>) offsets(%arg8 : memref<2000xi32, #tpu.memory_space<vmem>>) semaphore(%arg16 : memref<!tpu.dma_semaphore, #tpu.memory_space<semaphore_mem>>) {add = true}
    %dma_start3A_24 = arith.constant 0 : i32
    %dma_start3A_25 = arith.constant 0 : i32
    %dma_start3A_26 = tpu.memref_slice %arg3[%dma_start3A_24, %dma_start3A_25] : memref<10000x8xf32, #tpu.memory_space<hbm>> -> memref<10000x8xf32, #tpu.memory_space<hbm>>
    tpu.enqueue_indirect_dma source(%dma_start3A_26 : memref<10000x8xf32, #tpu.memory_space<hbm>>) target(%arg12 : memref<2000x8xf32, #tpu.memory_space<vmem>>) offsets(%arg10 : memref<2000xi32, #tpu.memory_space<vmem>>) semaphore(%arg15 : memref<!tpu.dma_semaphore, #tpu.memory_space<semaphore_mem>>)
    %dma_wait3A_27 = arith.constant 0 : i32
    %dma_wait3A_28 = arith.constant 0 : i32
    %dma_wait3A_29 = tpu.memref_slice %arg6[%dma_wait3A_27, %dma_wait3A_28] : memref<10000x8xf32, #tpu.memory_space<vmem_shared>> -> memref<10000x8xf32, #tpu.memory_space<vmem_shared>>
    tpu.wait_indirect_dma semaphore(%arg16 : memref<!tpu.dma_semaphore, #tpu.memory_space<semaphore_mem>>) src(%arg9 : memref<2000x8xf32, #tpu.memory_space<vmem>>) dst(%dma_wait3A_29 : memref<10000x8xf32, #tpu.memory_space<vmem_shared>>)
    %add3A_30 = arith.constant 4000 : i32
    %add3A_31 = arith.addi %mul3A_8, %add3A_30 : i32
    %multiple_of3A_32 = tpu.assume_multiple %add3A_31, 8 : i32
    %run_scoped3A_33 = arith.constant 0 : i32
    "tpu.region"() ({
      %run_scoped3A_101 = tpu.sem_alloc : memref<!tpu.dma_semaphore, #tpu.memory_space<semaphore_mem>>
      %dma_start3A_102 = tpu.memref_slice %arg2[%run_scoped3A_33, %multiple_of3A_32] : memref<2x320000xi32, #tpu.memory_space<hbm>> -> memref<1x2000xi32, #tpu.memory_space<hbm>>
      %dma_start3A_103 = tpu.memref_squeeze %dma_start3A_102 : memref<1x2000xi32, #tpu.memory_space<hbm>> -> memref<2000xi32, #tpu.memory_space<hbm>>
      %dma_start3A_104 = tpu.memref_slice %arg2[%run_scoped3A_33, %multiple_of3A_32] : memref<2x320000xi32, #tpu.memory_space<hbm>> -> memref<1x2000xi32, #tpu.memory_space<hbm>>
      %dma_start3A_105 = tpu.memref_squeeze %dma_start3A_104 : memref<1x2000xi32, #tpu.memory_space<hbm>> -> memref<2000xi32, #tpu.memory_space<hbm>>
      tpu.enqueue_dma source(%dma_start3A_105 : memref<2000xi32, #tpu.memory_space<hbm>>) target(%arg7 : memref<2000xi32, #tpu.memory_space<vmem>>) target_semaphore(%run_scoped3A_101 : memref<!tpu.dma_semaphore, #tpu.memory_space<semaphore_mem>>)
      %dma_wait3A_106 = tpu.memref_slice %arg2[%run_scoped3A_33, %multiple_of3A_32] : memref<2x320000xi32, #tpu.memory_space<hbm>> -> memref<1x2000xi32, #tpu.memory_space<hbm>>
      %dma_wait3A_107 = tpu.memref_squeeze %dma_wait3A_106 : memref<1x2000xi32, #tpu.memory_space<hbm>> -> memref<2000xi32, #tpu.memory_space<hbm>>
      %dma_wait3A_108 = tpu.memref_slice %arg2[%run_scoped3A_33, %multiple_of3A_32] : memref<2x320000xi32, #tpu.memory_space<hbm>> -> memref<1x2000xi32, #tpu.memory_space<hbm>>
      %dma_wait3A_109 = tpu.memref_squeeze %dma_wait3A_108 : memref<1x2000xi32, #tpu.memory_space<hbm>> -> memref<2000xi32, #tpu.memory_space<hbm>>
      tpu.wait_dma2 semaphore(%run_scoped3A_101 : memref<!tpu.dma_semaphore, #tpu.memory_space<semaphore_mem>>) src(%dma_wait3A_109 : memref<2000xi32, #tpu.memory_space<hbm>>) dst(%arg7 : memref<2000xi32, #tpu.memory_space<vmem>>)
      tpu.yield
    }) : () -> ()
    %run_scoped3A_34 = arith.constant 1 : i32
    "tpu.region"() ({
      %run_scoped3A_101 = tpu.sem_alloc : memref<!tpu.dma_semaphore, #tpu.memory_space<semaphore_mem>>
      %dma_start3A_102 = tpu.memref_slice %arg2[%run_scoped3A_34, %multiple_of3A_32] : memref<2x320000xi32, #tpu.memory_space<hbm>> -> memref<1x2000xi32, #tpu.memory_space<hbm>>
      %dma_start3A_103 = tpu.memref_squeeze %dma_start3A_102 : memref<1x2000xi32, #tpu.memory_space<hbm>> -> memref<2000xi32, #tpu.memory_space<hbm>>
      %dma_start3A_104 = tpu.memref_slice %arg2[%run_scoped3A_34, %multiple_of3A_32] : memref<2x320000xi32, #tpu.memory_space<hbm>> -> memref<1x2000xi32, #tpu.memory_space<hbm>>
      %dma_start3A_105 = tpu.memref_squeeze %dma_start3A_104 : memref<1x2000xi32, #tpu.memory_space<hbm>> -> memref<2000xi32, #tpu.memory_space<hbm>>
      tpu.enqueue_dma source(%dma_start3A_105 : memref<2000xi32, #tpu.memory_space<hbm>>) target(%arg8 : memref<2000xi32, #tpu.memory_space<vmem>>) target_semaphore(%run_scoped3A_101 : memref<!tpu.dma_semaphore, #tpu.memory_space<semaphore_mem>>)
      %dma_wait3A_106 = tpu.memref_slice %arg2[%run_scoped3A_34, %multiple_of3A_32] : memref<2x320000xi32, #tpu.memory_space<hbm>> -> memref<1x2000xi32, #tpu.memory_space<hbm>>
      %dma_wait3A_107 = tpu.memref_squeeze %dma_wait3A_106 : memref<1x2000xi32, #tpu.memory_space<hbm>> -> memref<2000xi32, #tpu.memory_space<hbm>>
      %dma_wait3A_108 = tpu.memref_slice %arg2[%run_scoped3A_34, %multiple_of3A_32] : memref<2x320000xi32, #tpu.memory_space<hbm>> -> memref<1x2000xi32, #tpu.memory_space<hbm>>
      %dma_wait3A_109 = tpu.memref_squeeze %dma_wait3A_108 : memref<1x2000xi32, #tpu.memory_space<hbm>> -> memref<2000xi32, #tpu.memory_space<hbm>>
      tpu.wait_dma2 semaphore(%run_scoped3A_101 : memref<!tpu.dma_semaphore, #tpu.memory_space<semaphore_mem>>) src(%dma_wait3A_109 : memref<2000xi32, #tpu.memory_space<hbm>>) dst(%arg8 : memref<2000xi32, #tpu.memory_space<vmem>>)
      tpu.yield
    }) : () -> ()
    %dma_wait3A_35 = arith.constant 0 : i32
    %dma_wait3A_36 = arith.constant 0 : i32
    %dma_wait3A_37 = tpu.memref_slice %arg3[%dma_wait3A_35, %dma_wait3A_36] : memref<10000x8xf32, #tpu.memory_space<hbm>> -> memref<10000x8xf32, #tpu.memory_space<hbm>>
    tpu.wait_indirect_dma semaphore(%arg15 : memref<!tpu.dma_semaphore, #tpu.memory_space<semaphore_mem>>) src(%dma_wait3A_37 : memref<10000x8xf32, #tpu.memory_space<hbm>>) dst(%arg12 : memref<2000x8xf32, #tpu.memory_space<vmem>>)
    %dma_start3A_38 = arith.constant 0 : i32
    %dma_start3A_39 = arith.constant 0 : i32
    %dma_start3A_40 = tpu.memref_slice %arg6[%dma_start3A_38, %dma_start3A_39] : memref<10000x8xf32, #tpu.memory_space<vmem_shared>> -> memref<10000x8xf32, #tpu.memory_space<vmem_shared>>
    tpu.enqueue_indirect_dma source(%arg12 : memref<2000x8xf32, #tpu.memory_space<vmem>>) target(%dma_start3A_40 : memref<10000x8xf32, #tpu.memory_space<vmem_shared>>) offsets(%arg11 : memref<2000xi32, #tpu.memory_space<vmem>>) semaphore(%arg16 : memref<!tpu.dma_semaphore, #tpu.memory_space<semaphore_mem>>) {add = true}
    %dma_start3A_41 = arith.constant 0 : i32
    %dma_start3A_42 = arith.constant 0 : i32
    %dma_start3A_43 = tpu.memref_slice %arg3[%dma_start3A_41, %dma_start3A_42] : memref<10000x8xf32, #tpu.memory_space<hbm>> -> memref<10000x8xf32, #tpu.memory_space<hbm>>
    tpu.enqueue_indirect_dma source(%dma_start3A_43 : memref<10000x8xf32, #tpu.memory_space<hbm>>) target(%arg9 : memref<2000x8xf32, #tpu.memory_space<vmem>>) offsets(%arg7 : memref<2000xi32, #tpu.memory_space<vmem>>) semaphore(%arg14 : memref<!tpu.dma_semaphore, #tpu.memory_space<semaphore_mem>>)
    %dma_wait3A_44 = arith.constant 0 : i32
    %dma_wait3A_45 = arith.constant 0 : i32
    %dma_wait3A_46 = tpu.memref_slice %arg6[%dma_wait3A_44, %dma_wait3A_45] : memref<10000x8xf32, #tpu.memory_space<vmem_shared>> -> memref<10000x8xf32, #tpu.memory_space<vmem_shared>>
    tpu.wait_indirect_dma semaphore(%arg16 : memref<!tpu.dma_semaphore, #tpu.memory_space<semaphore_mem>>) src(%arg12 : memref<2000x8xf32, #tpu.memory_space<vmem>>) dst(%dma_wait3A_46 : memref<10000x8xf32, #tpu.memory_space<vmem_shared>>)
    %add3A_47 = arith.constant 6000 : i32
    %add3A_48 = arith.addi %mul3A_8, %add3A_47 : i32
    %multiple_of3A_49 = tpu.assume_multiple %add3A_48, 8 : i32
    %run_scoped3A_50 = arith.constant 0 : i32
    "tpu.region"() ({
      %run_scoped3A_101 = tpu.sem_alloc : memref<!tpu.dma_semaphore, #tpu.memory_space<semaphore_mem>>
      %dma_start3A_102 = tpu.memref_slice %arg2[%run_scoped3A_50, %multiple_of3A_49] : memref<2x320000xi32, #tpu.memory_space<hbm>> -> memref<1x2000xi32, #tpu.memory_space<hbm>>
      %dma_start3A_103 = tpu.memref_squeeze %dma_start3A_102 : memref<1x2000xi32, #tpu.memory_space<hbm>> -> memref<2000xi32, #tpu.memory_space<hbm>>
      %dma_start3A_104 = tpu.memref_slice %arg2[%run_scoped3A_50, %multiple_of3A_49] : memref<2x320000xi32, #tpu.memory_space<hbm>> -> memref<1x2000xi32, #tpu.memory_space<hbm>>
      %dma_start3A_105 = tpu.memref_squeeze %dma_start3A_104 : memref<1x2000xi32, #tpu.memory_space<hbm>> -> memref<2000xi32, #tpu.memory_space<hbm>>
      tpu.enqueue_dma source(%dma_start3A_105 : memref<2000xi32, #tpu.memory_space<hbm>>) target(%arg10 : memref<2000xi32, #tpu.memory_space<vmem>>) target_semaphore(%run_scoped3A_101 : memref<!tpu.dma_semaphore, #tpu.memory_space<semaphore_mem>>)
      %dma_wait3A_106 = tpu.memref_slice %arg2[%run_scoped3A_50, %multiple_of3A_49] : memref<2x320000xi32, #tpu.memory_space<hbm>> -> memref<1x2000xi32, #tpu.memory_space<hbm>>
      %dma_wait3A_107 = tpu.memref_squeeze %dma_wait3A_106 : memref<1x2000xi32, #tpu.memory_space<hbm>> -> memref<2000xi32, #tpu.memory_space<hbm>>
      %dma_wait3A_108 = tpu.memref_slice %arg2[%run_scoped3A_50, %multiple_of3A_49] : memref<2x320000xi32, #tpu.memory_space<hbm>> -> memref<1x2000xi32, #tpu.memory_space<hbm>>
      %dma_wait3A_109 = tpu.memref_squeeze %dma_wait3A_108 : memref<1x2000xi32, #tpu.memory_space<hbm>> -> memref<2000xi32, #tpu.memory_space<hbm>>
      tpu.wait_dma2 semaphore(%run_scoped3A_101 : memref<!tpu.dma_semaphore, #tpu.memory_space<semaphore_mem>>) src(%dma_wait3A_109 : memref<2000xi32, #tpu.memory_space<hbm>>) dst(%arg10 : memref<2000xi32, #tpu.memory_space<vmem>>)
      tpu.yield
    }) : () -> ()
    %run_scoped3A_51 = arith.constant 1 : i32
    "tpu.region"() ({
      %run_scoped3A_101 = tpu.sem_alloc : memref<!tpu.dma_semaphore, #tpu.memory_space<semaphore_mem>>
      %dma_start3A_102 = tpu.memref_slice %arg2[%run_scoped3A_51, %multiple_of3A_49] : memref<2x320000xi32, #tpu.memory_space<hbm>> -> memref<1x2000xi32, #tpu.memory_space<hbm>>
      %dma_start3A_103 = tpu.memref_squeeze %dma_start3A_102 : memref<1x2000xi32, #tpu.memory_space<hbm>> -> memref<2000xi32, #tpu.memory_space<hbm>>
      %dma_start3A_104 = tpu.memref_slice %arg2[%run_scoped3A_51, %multiple_of3A_49] : memref<2x320000xi32, #tpu.memory_space<hbm>> -> memref<1x2000xi32, #tpu.memory_space<hbm>>
      %dma_start3A_105 = tpu.memref_squeeze %dma_start3A_104 : memref<1x2000xi32, #tpu.memory_space<hbm>> -> memref<2000xi32, #tpu.memory_space<hbm>>
      tpu.enqueue_dma source(%dma_start3A_105 : memref<2000xi32, #tpu.memory_space<hbm>>) target(%arg11 : memref<2000xi32, #tpu.memory_space<vmem>>) target_semaphore(%run_scoped3A_101 : memref<!tpu.dma_semaphore, #tpu.memory_space<semaphore_mem>>)
      %dma_wait3A_106 = tpu.memref_slice %arg2[%run_scoped3A_51, %multiple_of3A_49] : memref<2x320000xi32, #tpu.memory_space<hbm>> -> memref<1x2000xi32, #tpu.memory_space<hbm>>
      %dma_wait3A_107 = tpu.memref_squeeze %dma_wait3A_106 : memref<1x2000xi32, #tpu.memory_space<hbm>> -> memref<2000xi32, #tpu.memory_space<hbm>>
      %dma_wait3A_108 = tpu.memref_slice %arg2[%run_scoped3A_51, %multiple_of3A_49] : memref<2x320000xi32, #tpu.memory_space<hbm>> -> memref<1x2000xi32, #tpu.memory_space<hbm>>
      %dma_wait3A_109 = tpu.memref_squeeze %dma_wait3A_108 : memref<1x2000xi32, #tpu.memory_space<hbm>> -> memref<2000xi32, #tpu.memory_space<hbm>>
      tpu.wait_dma2 semaphore(%run_scoped3A_101 : memref<!tpu.dma_semaphore, #tpu.memory_space<semaphore_mem>>) src(%dma_wait3A_109 : memref<2000xi32, #tpu.memory_space<hbm>>) dst(%arg11 : memref<2000xi32, #tpu.memory_space<vmem>>)
      tpu.yield
    }) : () -> ()
    %dma_wait3A_52 = arith.constant 0 : i32
    %dma_wait3A_53 = arith.constant 0 : i32
    %dma_wait3A_54 = tpu.memref_slice %arg3[%dma_wait3A_52, %dma_wait3A_53] : memref<10000x8xf32, #tpu.memory_space<hbm>> -> memref<10000x8xf32, #tpu.memory_space<hbm>>
    tpu.wait_indirect_dma semaphore(%arg14 : memref<!tpu.dma_semaphore, #tpu.memory_space<semaphore_mem>>) src(%dma_wait3A_54 : memref<10000x8xf32, #tpu.memory_space<hbm>>) dst(%arg9 : memref<2000x8xf32, #tpu.memory_space<vmem>>)
    %dma_start3A_55 = arith.constant 0 : i32
    %dma_start3A_56 = arith.constant 0 : i32
    %dma_start3A_57 = tpu.memref_slice %arg6[%dma_start3A_55, %dma_start3A_56] : memref<10000x8xf32, #tpu.memory_space<vmem_shared>> -> memref<10000x8xf32, #tpu.memory_space<vmem_shared>>
    tpu.enqueue_indirect_dma source(%arg9 : memref<2000x8xf32, #tpu.memory_space<vmem>>) target(%dma_start3A_57 : memref<10000x8xf32, #tpu.memory_space<vmem_shared>>) offsets(%arg8 : memref<2000xi32, #tpu.memory_space<vmem>>) semaphore(%arg16 : memref<!tpu.dma_semaphore, #tpu.memory_space<semaphore_mem>>) {add = true}
    %dma_start3A_58 = arith.constant 0 : i32
    %dma_start3A_59 = arith.constant 0 : i32
    %dma_start3A_60 = tpu.memref_slice %arg3[%dma_start3A_58, %dma_start3A_59] : memref<10000x8xf32, #tpu.memory_space<hbm>> -> memref<10000x8xf32, #tpu.memory_space<hbm>>
    tpu.enqueue_indirect_dma source(%dma_start3A_60 : memref<10000x8xf32, #tpu.memory_space<hbm>>) target(%arg12 : memref<2000x8xf32, #tpu.memory_space<vmem>>) offsets(%arg10 : memref<2000xi32, #tpu.memory_space<vmem>>) semaphore(%arg15 : memref<!tpu.dma_semaphore, #tpu.memory_space<semaphore_mem>>)
    %dma_wait3A_61 = arith.constant 0 : i32
    %dma_wait3A_62 = arith.constant 0 : i32
    %dma_wait3A_63 = tpu.memref_slice %arg6[%dma_wait3A_61, %dma_wait3A_62] : memref<10000x8xf32, #tpu.memory_space<vmem_shared>> -> memref<10000x8xf32, #tpu.memory_space<vmem_shared>>
    tpu.wait_indirect_dma semaphore(%arg16 : memref<!tpu.dma_semaphore, #tpu.memory_space<semaphore_mem>>) src(%arg9 : memref<2000x8xf32, #tpu.memory_space<vmem>>) dst(%dma_wait3A_63 : memref<10000x8xf32, #tpu.memory_space<vmem_shared>>)
    %add3A_64 = arith.constant 8000 : i32
    %add3A_65 = arith.addi %mul3A_8, %add3A_64 : i32
    %multiple_of3A_66 = tpu.assume_multiple %add3A_65, 8 : i32
    %run_scoped3A_67 = arith.constant 0 : i32
    "tpu.region"() ({
      %run_scoped3A_101 = tpu.sem_alloc : memref<!tpu.dma_semaphore, #tpu.memory_space<semaphore_mem>>
      %dma_start3A_102 = tpu.memref_slice %arg2[%run_scoped3A_67, %multiple_of3A_66] : memref<2x320000xi32, #tpu.memory_space<hbm>> -> memref<1x2000xi32, #tpu.memory_space<hbm>>
      %dma_start3A_103 = tpu.memref_squeeze %dma_start3A_102 : memref<1x2000xi32, #tpu.memory_space<hbm>> -> memref<2000xi32, #tpu.memory_space<hbm>>
      %dma_start3A_104 = tpu.memref_slice %arg2[%run_scoped3A_67, %multiple_of3A_66] : memref<2x320000xi32, #tpu.memory_space<hbm>> -> memref<1x2000xi32, #tpu.memory_space<hbm>>
      %dma_start3A_105 = tpu.memref_squeeze %dma_start3A_104 : memref<1x2000xi32, #tpu.memory_space<hbm>> -> memref<2000xi32, #tpu.memory_space<hbm>>
      tpu.enqueue_dma source(%dma_start3A_105 : memref<2000xi32, #tpu.memory_space<hbm>>) target(%arg7 : memref<2000xi32, #tpu.memory_space<vmem>>) target_semaphore(%run_scoped3A_101 : memref<!tpu.dma_semaphore, #tpu.memory_space<semaphore_mem>>)
      %dma_wait3A_106 = tpu.memref_slice %arg2[%run_scoped3A_67, %multiple_of3A_66] : memref<2x320000xi32, #tpu.memory_space<hbm>> -> memref<1x2000xi32, #tpu.memory_space<hbm>>
      %dma_wait3A_107 = tpu.memref_squeeze %dma_wait3A_106 : memref<1x2000xi32, #tpu.memory_space<hbm>> -> memref<2000xi32, #tpu.memory_space<hbm>>
      %dma_wait3A_108 = tpu.memref_slice %arg2[%run_scoped3A_67, %multiple_of3A_66] : memref<2x320000xi32, #tpu.memory_space<hbm>> -> memref<1x2000xi32, #tpu.memory_space<hbm>>
      %dma_wait3A_109 = tpu.memref_squeeze %dma_wait3A_108 : memref<1x2000xi32, #tpu.memory_space<hbm>> -> memref<2000xi32, #tpu.memory_space<hbm>>
      tpu.wait_dma2 semaphore(%run_scoped3A_101 : memref<!tpu.dma_semaphore, #tpu.memory_space<semaphore_mem>>) src(%dma_wait3A_109 : memref<2000xi32, #tpu.memory_space<hbm>>) dst(%arg7 : memref<2000xi32, #tpu.memory_space<vmem>>)
      tpu.yield
    }) : () -> ()
    %run_scoped3A_68 = arith.constant 1 : i32
    "tpu.region"() ({
      %run_scoped3A_101 = tpu.sem_alloc : memref<!tpu.dma_semaphore, #tpu.memory_space<semaphore_mem>>
      %dma_start3A_102 = tpu.memref_slice %arg2[%run_scoped3A_68, %multiple_of3A_66] : memref<2x320000xi32, #tpu.memory_space<hbm>> -> memref<1x2000xi32, #tpu.memory_space<hbm>>
      %dma_start3A_103 = tpu.memref_squeeze %dma_start3A_102 : memref<1x2000xi32, #tpu.memory_space<hbm>> -> memref<2000xi32, #tpu.memory_space<hbm>>
      %dma_start3A_104 = tpu.memref_slice %arg2[%run_scoped3A_68, %multiple_of3A_66] : memref<2x320000xi32, #tpu.memory_space<hbm>> -> memref<1x2000xi32, #tpu.memory_space<hbm>>
      %dma_start3A_105 = tpu.memref_squeeze %dma_start3A_104 : memref<1x2000xi32, #tpu.memory_space<hbm>> -> memref<2000xi32, #tpu.memory_space<hbm>>
      tpu.enqueue_dma source(%dma_start3A_105 : memref<2000xi32, #tpu.memory_space<hbm>>) target(%arg8 : memref<2000xi32, #tpu.memory_space<vmem>>) target_semaphore(%run_scoped3A_101 : memref<!tpu.dma_semaphore, #tpu.memory_space<semaphore_mem>>)
      %dma_wait3A_106 = tpu.memref_slice %arg2[%run_scoped3A_68, %multiple_of3A_66] : memref<2x320000xi32, #tpu.memory_space<hbm>> -> memref<1x2000xi32, #tpu.memory_space<hbm>>
      %dma_wait3A_107 = tpu.memref_squeeze %dma_wait3A_106 : memref<1x2000xi32, #tpu.memory_space<hbm>> -> memref<2000xi32, #tpu.memory_space<hbm>>
      %dma_wait3A_108 = tpu.memref_slice %arg2[%run_scoped3A_68, %multiple_of3A_66] : memref<2x320000xi32, #tpu.memory_space<hbm>> -> memref<1x2000xi32, #tpu.memory_space<hbm>>
      %dma_wait3A_109 = tpu.memref_squeeze %dma_wait3A_108 : memref<1x2000xi32, #tpu.memory_space<hbm>> -> memref<2000xi32, #tpu.memory_space<hbm>>
      tpu.wait_dma2 semaphore(%run_scoped3A_101 : memref<!tpu.dma_semaphore, #tpu.memory_space<semaphore_mem>>) src(%dma_wait3A_109 : memref<2000xi32, #tpu.memory_space<hbm>>) dst(%arg8 : memref<2000xi32, #tpu.memory_space<vmem>>)
      tpu.yield
    }) : () -> ()
    %dma_wait3A_69 = arith.constant 0 : i32
    %dma_wait3A_70 = arith.constant 0 : i32
    %dma_wait3A_71 = tpu.memref_slice %arg3[%dma_wait3A_69, %dma_wait3A_70] : memref<10000x8xf32, #tpu.memory_space<hbm>> -> memref<10000x8xf32, #tpu.memory_space<hbm>>
    tpu.wait_indirect_dma semaphore(%arg15 : memref<!tpu.dma_semaphore, #tpu.memory_space<semaphore_mem>>) src(%dma_wait3A_71 : memref<10000x8xf32, #tpu.memory_space<hbm>>) dst(%arg12 : memref<2000x8xf32, #tpu.memory_space<vmem>>)
    %dma_start3A_72 = arith.constant 0 : i32
    %dma_start3A_73 = arith.constant 0 : i32
    %dma_start3A_74 = tpu.memref_slice %arg6[%dma_start3A_72, %dma_start3A_73] : memref<10000x8xf32, #tpu.memory_space<vmem_shared>> -> memref<10000x8xf32, #tpu.memory_space<vmem_shared>>
    tpu.enqueue_indirect_dma source(%arg12 : memref<2000x8xf32, #tpu.memory_space<vmem>>) target(%dma_start3A_74 : memref<10000x8xf32, #tpu.memory_space<vmem_shared>>) offsets(%arg11 : memref<2000xi32, #tpu.memory_space<vmem>>) semaphore(%arg16 : memref<!tpu.dma_semaphore, #tpu.memory_space<semaphore_mem>>) {add = true}
    %dma_start3A_75 = arith.constant 0 : i32
    %dma_start3A_76 = arith.constant 0 : i32
    %dma_start3A_77 = tpu.memref_slice %arg3[%dma_start3A_75, %dma_start3A_76] : memref<10000x8xf32, #tpu.memory_space<hbm>> -> memref<10000x8xf32, #tpu.memory_space<hbm>>
    tpu.enqueue_indirect_dma source(%dma_start3A_77 : memref<10000x8xf32, #tpu.memory_space<hbm>>) target(%arg9 : memref<2000x8xf32, #tpu.memory_space<vmem>>) offsets(%arg7 : memref<2000xi32, #tpu.memory_space<vmem>>) semaphore(%arg14 : memref<!tpu.dma_semaphore, #tpu.memory_space<semaphore_mem>>)
    %dma_wait3A_78 = arith.constant 0 : i32
    %dma_wait3A_79 = arith.constant 0 : i32
    %dma_wait3A_80 = tpu.memref_slice %arg6[%dma_wait3A_78, %dma_wait3A_79] : memref<10000x8xf32, #tpu.memory_space<vmem_shared>> -> memref<10000x8xf32, #tpu.memory_space<vmem_shared>>
    tpu.wait_indirect_dma semaphore(%arg16 : memref<!tpu.dma_semaphore, #tpu.memory_space<semaphore_mem>>) src(%arg12 : memref<2000x8xf32, #tpu.memory_space<vmem>>) dst(%dma_wait3A_80 : memref<10000x8xf32, #tpu.memory_space<vmem_shared>>)
    %dma_wait3A_81 = arith.constant 0 : i32
    %dma_wait3A_82 = arith.constant 0 : i32
    %dma_wait3A_83 = tpu.memref_slice %arg3[%dma_wait3A_81, %dma_wait3A_82] : memref<10000x8xf32, #tpu.memory_space<hbm>> -> memref<10000x8xf32, #tpu.memory_space<hbm>>
    tpu.wait_indirect_dma semaphore(%arg14 : memref<!tpu.dma_semaphore, #tpu.memory_space<semaphore_mem>>) src(%dma_wait3A_83 : memref<10000x8xf32, #tpu.memory_space<hbm>>) dst(%arg9 : memref<2000x8xf32, #tpu.memory_space<vmem>>)
    %dma_start3A_84 = arith.constant 0 : i32
    %dma_start3A_85 = arith.constant 0 : i32
    %dma_start3A_86 = tpu.memref_slice %arg6[%dma_start3A_84, %dma_start3A_85] : memref<10000x8xf32, #tpu.memory_space<vmem_shared>> -> memref<10000x8xf32, #tpu.memory_space<vmem_shared>>
    tpu.enqueue_indirect_dma source(%arg9 : memref<2000x8xf32, #tpu.memory_space<vmem>>) target(%dma_start3A_86 : memref<10000x8xf32, #tpu.memory_space<vmem_shared>>) offsets(%arg8 : memref<2000xi32, #tpu.memory_space<vmem>>) semaphore(%arg16 : memref<!tpu.dma_semaphore, #tpu.memory_space<semaphore_mem>>) {add = true}
    %dma_wait3A_87 = arith.constant 0 : i32
    %dma_wait3A_88 = arith.constant 0 : i32
    %dma_wait3A_89 = tpu.memref_slice %arg6[%dma_wait3A_87, %dma_wait3A_88] : memref<10000x8xf32, #tpu.memory_space<vmem_shared>> -> memref<10000x8xf32, #tpu.memory_space<vmem_shared>>
    tpu.wait_indirect_dma semaphore(%arg16 : memref<!tpu.dma_semaphore, #tpu.memory_space<semaphore_mem>>) src(%arg9 : memref<2000x8xf32, #tpu.memory_space<vmem>>) dst(%dma_wait3A_89 : memref<10000x8xf32, #tpu.memory_space<vmem_shared>>)
    %barrier3A_90 = arith.constant 0 : index
    tpu.barrier barrier_id(%barrier3A_90)
    %lt3A_91 = arith.constant 15 : i32
    %lt3A_92 = arith.cmpi slt, %arg1, %lt3A_91 : i32
    %convert_element_type3A_93 = arith.extui %lt3A_92 : i1 to i32
    %cond3A_94 = arith.constant 0 : i32
    %cond3A_95 = arith.cmpi ne, %convert_element_type3A_93, %cond3A_94 : i32
    scf.if %cond3A_95 {
      %mul3A_101 = arith.constant 624 : i32
      %mul3A_102 = arith.muli %arg1, %mul3A_101 : i32
      "tpu.region"() ({
        %run_scoped3A_106 = tpu.sem_alloc : memref<!tpu.dma_semaphore, #tpu.memory_space<semaphore_mem>>
        %dma_start3A_107 = arith.constant 0 : i32
        %dma_start3A_108 = arith.constant 0 : i32
        %dma_start3A_109 = tpu.memref_slice %arg13[%dma_start3A_107, %dma_start3A_108] : memref<640x8xf32, #tpu.memory_space<vmem>> -> memref<624x8xf32, #tpu.memory_space<vmem>>
        %dma_start3A_110 = arith.constant 0 : i32
        %dma_start3A_111 = tpu.memref_slice %arg6[%mul3A_102, %dma_start3A_110] : memref<10000x8xf32, #tpu.memory_space<vmem_shared>> -> memref<624x8xf32, #tpu.memory_space<vmem_shared>>
        %dma_start3A_112 = arith.constant 0 : i32
        %dma_start3A_113 = arith.constant 0 : i32
        %dma_start3A_114 = tpu.memref_slice %arg13[%dma_start3A_112, %dma_start3A_113] : memref<640x8xf32, #tpu.memory_space<vmem>> -> memref<624x8xf32, #tpu.memory_space<vmem>>
        %dma_start3A_115 = arith.constant 0 : i32
        %dma_start3A_116 = tpu.memref_slice %arg6[%mul3A_102, %dma_start3A_115] : memref<10000x8xf32, #tpu.memory_space<vmem_shared>> -> memref<624x8xf32, #tpu.memory_space<vmem_shared>>
        tpu.enqueue_dma source(%dma_start3A_116 : memref<624x8xf32, #tpu.memory_space<vmem_shared>>) target(%dma_start3A_114 : memref<624x8xf32, #tpu.memory_space<vmem>>) target_semaphore(%run_scoped3A_106 : memref<!tpu.dma_semaphore, #tpu.memory_space<semaphore_mem>>)
        %dma_wait3A_117 = arith.constant 0 : i32
        %dma_wait3A_118 = arith.constant 0 : i32
        %dma_wait3A_119 = tpu.memref_slice %arg13[%dma_wait3A_117, %dma_wait3A_118] : memref<640x8xf32, #tpu.memory_space<vmem>> -> memref<624x8xf32, #tpu.memory_space<vmem>>
        %dma_wait3A_120 = arith.constant 0 : i32
        %dma_wait3A_121 = tpu.memref_slice %arg6[%mul3A_102, %dma_wait3A_120] : memref<10000x8xf32, #tpu.memory_space<vmem_shared>> -> memref<624x8xf32, #tpu.memory_space<vmem_shared>>
        %dma_wait3A_122 = arith.constant 0 : i32
        %dma_wait3A_123 = arith.constant 0 : i32
        %dma_wait3A_124 = tpu.memref_slice %arg13[%dma_wait3A_122, %dma_wait3A_123] : memref<640x8xf32, #tpu.memory_space<vmem>> -> memref<624x8xf32, #tpu.memory_space<vmem>>
        %dma_wait3A_125 = arith.constant 0 : i32
        %dma_wait3A_126 = tpu.memref_slice %arg6[%mul3A_102, %dma_wait3A_125] : memref<10000x8xf32, #tpu.memory_space<vmem_shared>> -> memref<624x8xf32, #tpu.memory_space<vmem_shared>>
        tpu.wait_dma2 semaphore(%run_scoped3A_106 : memref<!tpu.dma_semaphore, #tpu.memory_space<semaphore_mem>>) src(%dma_wait3A_126 : memref<624x8xf32, #tpu.memory_space<vmem_shared>>) dst(%dma_wait3A_124 : memref<624x8xf32, #tpu.memory_space<vmem>>)
        tpu.yield
      }) : () -> ()
      %mul3A_103 = arith.constant 10000 : i32
      %mul3A_104 = arith.muli %arg0, %mul3A_103 : i32
      %add3A_105 = arith.addi %mul3A_104, %mul3A_102 : i32
      "tpu.region"() ({
        %run_scoped3A_106 = tpu.sem_alloc : memref<!tpu.dma_semaphore, #tpu.memory_space<semaphore_mem>>
        %dma_start3A_107 = arith.constant 0 : i32
        %dma_start3A_108 = arith.constant 0 : i32
        %dma_start3A_109 = tpu.memref_slice %arg13[%dma_start3A_107, %dma_start3A_108] : memref<640x8xf32, #tpu.memory_space<vmem>> -> memref<624x8xf32, #tpu.memory_space<vmem>>
        %dma_start3A_110 = arith.constant 0 : i32
        %dma_start3A_111 = tpu.memref_slice %arg5[%add3A_105, %dma_start3A_110] : memref<20000x8xf32, #tpu.memory_space<hbm>> -> memref<624x8xf32, #tpu.memory_space<hbm>>
        %dma_start3A_112 = arith.constant 0 : i32
        %dma_start3A_113 = tpu.memref_slice %arg5[%add3A_105, %dma_start3A_112] : memref<20000x8xf32, #tpu.memory_space<hbm>> -> memref<624x8xf32, #tpu.memory_space<hbm>>
        %dma_start3A_114 = arith.constant 0 : i32
        %dma_start3A_115 = arith.constant 0 : i32
        %dma_start3A_116 = tpu.memref_slice %arg13[%dma_start3A_114, %dma_start3A_115] : memref<640x8xf32, #tpu.memory_space<vmem>> -> memref<624x8xf32, #tpu.memory_space<vmem>>
        tpu.enqueue_dma source(%dma_start3A_116 : memref<624x8xf32, #tpu.memory_space<vmem>>) target(%dma_start3A_113 : memref<624x8xf32, #tpu.memory_space<hbm>>) target_semaphore(%run_scoped3A_106 : memref<!tpu.dma_semaphore, #tpu.memory_space<semaphore_mem>>)
        %dma_wait3A_117 = arith.constant 0 : i32
        %dma_wait3A_118 = arith.constant 0 : i32
        %dma_wait3A_119 = tpu.memref_slice %arg13[%dma_wait3A_117, %dma_wait3A_118] : memref<640x8xf32, #tpu.memory_space<vmem>> -> memref<624x8xf32, #tpu.memory_space<vmem>>
        %dma_wait3A_120 = arith.constant 0 : i32
        %dma_wait3A_121 = tpu.memref_slice %arg5[%add3A_105, %dma_wait3A_120] : memref<20000x8xf32, #tpu.memory_space<hbm>> -> memref<624x8xf32, #tpu.memory_space<hbm>>
        %dma_wait3A_122 = arith.constant 0 : i32
        %dma_wait3A_123 = tpu.memref_slice %arg5[%add3A_105, %dma_wait3A_122] : memref<20000x8xf32, #tpu.memory_space<hbm>> -> memref<624x8xf32, #tpu.memory_space<hbm>>
        %dma_wait3A_124 = arith.constant 0 : i32
        %dma_wait3A_125 = arith.constant 0 : i32
        %dma_wait3A_126 = tpu.memref_slice %arg13[%dma_wait3A_124, %dma_wait3A_125] : memref<640x8xf32, #tpu.memory_space<vmem>> -> memref<624x8xf32, #tpu.memory_space<vmem>>
        tpu.wait_dma2 semaphore(%run_scoped3A_106 : memref<!tpu.dma_semaphore, #tpu.memory_space<semaphore_mem>>) src(%dma_wait3A_126 : memref<624x8xf32, #tpu.memory_space<vmem>>) dst(%dma_wait3A_123 : memref<624x8xf32, #tpu.memory_space<hbm>>)
        tpu.yield
      }) : () -> ()
    } else {
    }
    %eq3A_96 = arith.constant 15 : i32
    %eq3A_97 = arith.cmpi eq, %arg1, %eq3A_96 : i32
    %convert_element_type3A_98 = arith.extui %eq3A_97 : i1 to i32
    %cond3A_99 = arith.constant 0 : i32
    %cond3A_100 = arith.cmpi ne, %convert_element_type3A_98, %cond3A_99 : i32
    scf.if %cond3A_100 {
      "tpu.region"() ({
        %run_scoped3A_105 = tpu.sem_alloc : memref<!tpu.dma_semaphore, #tpu.memory_space<semaphore_mem>>
        %dma_start3A_106 = arith.constant 9360 : i32
        %dma_start3A_107 = arith.constant 0 : i32
        %dma_start3A_108 = tpu.memref_slice %arg6[%dma_start3A_106, %dma_start3A_107] : memref<10000x8xf32, #tpu.memory_space<vmem_shared>> -> memref<640x8xf32, #tpu.memory_space<vmem_shared>>
        %dma_start3A_109 = arith.constant 9360 : i32
        %dma_start3A_110 = arith.constant 0 : i32
        %dma_start3A_111 = tpu.memref_slice %arg6[%dma_start3A_109, %dma_start3A_110] : memref<10000x8xf32, #tpu.memory_space<vmem_shared>> -> memref<640x8xf32, #tpu.memory_space<vmem_shared>>
        tpu.enqueue_dma source(%dma_start3A_111 : memref<640x8xf32, #tpu.memory_space<vmem_shared>>) target(%arg13 : memref<640x8xf32, #tpu.memory_space<vmem>>) target_semaphore(%run_scoped3A_105 : memref<!tpu.dma_semaphore, #tpu.memory_space<semaphore_mem>>)
        %dma_wait3A_112 = arith.constant 9360 : i32
        %dma_wait3A_113 = arith.constant 0 : i32
        %dma_wait3A_114 = tpu.memref_slice %arg6[%dma_wait3A_112, %dma_wait3A_113] : memref<10000x8xf32, #tpu.memory_space<vmem_shared>> -> memref<640x8xf32, #tpu.memory_space<vmem_shared>>
        %dma_wait3A_115 = arith.constant 9360 : i32
        %dma_wait3A_116 = arith.constant 0 : i32
        %dma_wait3A_117 = tpu.memref_slice %arg6[%dma_wait3A_115, %dma_wait3A_116] : memref<10000x8xf32, #tpu.memory_space<vmem_shared>> -> memref<640x8xf32, #tpu.memory_space<vmem_shared>>
        tpu.wait_dma2 semaphore(%run_scoped3A_105 : memref<!tpu.dma_semaphore, #tpu.memory_space<semaphore_mem>>) src(%dma_wait3A_117 : memref<640x8xf32, #tpu.memory_space<vmem_shared>>) dst(%arg13 : memref<640x8xf32, #tpu.memory_space<vmem>>)
        tpu.yield
      }) : () -> ()
      %mul3A_101 = arith.constant 10000 : i32
      %mul3A_102 = arith.muli %arg0, %mul3A_101 : i32
      %add3A_103 = arith.constant 9360 : i32
      %add3A_104 = arith.addi %mul3A_102, %add3A_103 : i32
      "tpu.region"() ({
        %run_scoped3A_105 = tpu.sem_alloc : memref<!tpu.dma_semaphore, #tpu.memory_space<semaphore_mem>>
        %dma_start3A_106 = arith.constant 0 : i32
        %dma_start3A_107 = tpu.memref_slice %arg5[%add3A_104, %dma_start3A_106] : memref<20000x8xf32, #tpu.memory_space<hbm>> -> memref<640x8xf32, #tpu.memory_space<hbm>>
        %dma_start3A_108 = arith.constant 0 : i32
        %dma_start3A_109 = tpu.memref_slice %arg5[%add3A_104, %dma_start3A_108] : memref<20000x8xf32, #tpu.memory_space<hbm>> -> memref<640x8xf32, #tpu.memory_space<hbm>>
        tpu.enqueue_dma source(%arg13 : memref<640x8xf32, #tpu.memory_space<vmem>>) target(%dma_start3A_109 : memref<640x8xf32, #tpu.memory_space<hbm>>) target_semaphore(%run_scoped3A_105 : memref<!tpu.dma_semaphore, #tpu.memory_space<semaphore_mem>>)
        %dma_wait3A_110 = arith.constant 0 : i32
        %dma_wait3A_111 = tpu.memref_slice %arg5[%add3A_104, %dma_wait3A_110] : memref<20000x8xf32, #tpu.memory_space<hbm>> -> memref<640x8xf32, #tpu.memory_space<hbm>>
        %dma_wait3A_112 = arith.constant 0 : i32
        %dma_wait3A_113 = tpu.memref_slice %arg5[%add3A_104, %dma_wait3A_112] : memref<20000x8xf32, #tpu.memory_space<hbm>> -> memref<640x8xf32, #tpu.memory_space<hbm>>
        tpu.wait_dma2 semaphore(%run_scoped3A_105 : memref<!tpu.dma_semaphore, #tpu.memory_space<semaphore_mem>>) src(%arg13 : memref<640x8xf32, #tpu.memory_space<vmem>>) dst(%dma_wait3A_113 : memref<640x8xf32, #tpu.memory_space<hbm>>)
        tpu.yield
      }) : () -> ()
    } else {
    }
    return
  }
}

#map = affine_map<(d0, d1) -> (0, 0)>
module attributes {stable_mosaic.version = 14 : i64} {
  func.func @k(%arg0: i32, %arg1: i32, %arg2: memref<2x320000xi32, #tpu.memory_space<hbm>>, %arg3: memref<10000x16xf32, #tpu.memory_space<hbm>>, %arg4: memref<640x16xf32, #tpu.memory_space<hbm>>, %arg5: memref<640x8xf32, #tpu.memory_space<hbm>>, %arg6: memref<2000x8xf32, #tpu.memory_space<hbm>>, %arg7: memref<20000x16xf32, #tpu.memory_space<hbm>>, %arg8: memref<20000x8xf32, #tpu.memory_space<hbm>>, %arg9: memref<10000x16xf32, #tpu.memory_space<vmem_shared>>, %arg10: memref<10000x8xf32, #tpu.memory_space<vmem_shared>>, %arg11: memref<2000xi32, #tpu.memory_space<vmem>>, %arg12: memref<2000xi32, #tpu.memory_space<vmem>>, %arg13: memref<2000x16xf32, #tpu.memory_space<vmem>>, %arg14: memref<2000xi32, #tpu.memory_space<vmem>>, %arg15: memref<2000xi32, #tpu.memory_space<vmem>>, %arg16: memref<2000x16xf32, #tpu.memory_space<vmem>>, %arg17: memref<2000x8xf32, #tpu.memory_space<vmem>>, %arg18: memref<640x16xf32, #tpu.memory_space<vmem>>, %arg19: memref<640x8xf32, #tpu.memory_space<vmem>>, %arg20: memref<!tpu.dma_semaphore, #tpu.memory_space<semaphore_mem>>, %arg21: memref<!tpu.dma_semaphore, #tpu.memory_space<semaphore_mem>>, %arg22: memref<!tpu.dma_semaphore, #tpu.memory_space<semaphore_mem>>, %arg23: memref<!tpu.dma_semaphore, #tpu.memory_space<semaphore_mem>>) attributes {dimension_semantics = [#tpu.dimension_semantics<core_parallel>, #tpu.dimension_semantics<subcore_parallel>], iteration_bounds = array<i64: 2, 16>, scalar_prefetch = 0 : i64, scratch_operands = 15 : i64, tpu.core_type = #tpu.core_type<sc_vector_subcore>, window_params = [{transform_indices = #map}, {transform_indices = #map}, {transform_indices = #map}, {transform_indices = #map}, {transform_indices = #map}, {transform_indices = #map}, {transform_indices = #map}]} {
    %mul3A = arith.constant 2 : i32
    %mul3A_0 = arith.muli %arg1, %mul3A : i32
    %add3A = arith.addi %mul3A_0, %arg0 : i32
    "tpu.region"() ({
      %run_scoped3A_131 = tpu.sem_alloc : memref<!tpu.dma_semaphore, #tpu.memory_space<semaphore_mem>>
      tpu.enqueue_dma source(%arg6 : memref<2000x8xf32, #tpu.memory_space<hbm>>) target(%arg17 : memref<2000x8xf32, #tpu.memory_space<vmem>>) target_semaphore(%run_scoped3A_131 : memref<!tpu.dma_semaphore, #tpu.memory_space<semaphore_mem>>)
      tpu.wait_dma2 semaphore(%run_scoped3A_131 : memref<!tpu.dma_semaphore, #tpu.memory_space<semaphore_mem>>) src(%arg6 : memref<2000x8xf32, #tpu.memory_space<hbm>>) dst(%arg17 : memref<2000x8xf32, #tpu.memory_space<vmem>>)
      tpu.yield
    }) : () -> ()
    %lt3A = arith.constant 15 : i32
    %lt3A_1 = arith.cmpi slt, %arg1, %lt3A : i32
    %convert_element_type3A = arith.extui %lt3A_1 : i1 to i32
    %cond3A = arith.constant 0 : i32
    %cond3A_2 = arith.cmpi ne, %convert_element_type3A, %cond3A : i32
    scf.if %cond3A_2 {
      %mul3A_131 = arith.constant 624 : i32
      %mul3A_132 = arith.muli %arg1, %mul3A_131 : i32
      "tpu.region"() ({
        %run_scoped3A_133 = tpu.sem_alloc : memref<!tpu.dma_semaphore, #tpu.memory_space<semaphore_mem>>
        %dma_start3A_134 = arith.constant 0 : i32
        %dma_start3A_135 = arith.constant 0 : i32
        %dma_start3A_136 = tpu.memref_slice %arg18[%dma_start3A_134, %dma_start3A_135] : memref<640x16xf32, #tpu.memory_space<vmem>> -> memref<624x16xf32, #tpu.memory_space<vmem>>
        %dma_start3A_137 = arith.constant 0 : i32
        %dma_start3A_138 = arith.constant 0 : i32
        %dma_start3A_139 = tpu.memref_slice %arg4[%dma_start3A_137, %dma_start3A_138] : memref<640x16xf32, #tpu.memory_space<hbm>> -> memref<624x16xf32, #tpu.memory_space<hbm>>
        %dma_start3A_140 = arith.constant 0 : i32
        %dma_start3A_141 = arith.constant 0 : i32
        %dma_start3A_142 = tpu.memref_slice %arg18[%dma_start3A_140, %dma_start3A_141] : memref<640x16xf32, #tpu.memory_space<vmem>> -> memref<624x16xf32, #tpu.memory_space<vmem>>
        %dma_start3A_143 = arith.constant 0 : i32
        %dma_start3A_144 = arith.constant 0 : i32
        %dma_start3A_145 = tpu.memref_slice %arg4[%dma_start3A_143, %dma_start3A_144] : memref<640x16xf32, #tpu.memory_space<hbm>> -> memref<624x16xf32, #tpu.memory_space<hbm>>
        tpu.enqueue_dma source(%dma_start3A_145 : memref<624x16xf32, #tpu.memory_space<hbm>>) target(%dma_start3A_142 : memref<624x16xf32, #tpu.memory_space<vmem>>) target_semaphore(%run_scoped3A_133 : memref<!tpu.dma_semaphore, #tpu.memory_space<semaphore_mem>>)
        %dma_wait3A_146 = arith.constant 0 : i32
        %dma_wait3A_147 = arith.constant 0 : i32
        %dma_wait3A_148 = tpu.memref_slice %arg18[%dma_wait3A_146, %dma_wait3A_147] : memref<640x16xf32, #tpu.memory_space<vmem>> -> memref<624x16xf32, #tpu.memory_space<vmem>>
        %dma_wait3A_149 = arith.constant 0 : i32
        %dma_wait3A_150 = arith.constant 0 : i32
        %dma_wait3A_151 = tpu.memref_slice %arg4[%dma_wait3A_149, %dma_wait3A_150] : memref<640x16xf32, #tpu.memory_space<hbm>> -> memref<624x16xf32, #tpu.memory_space<hbm>>
        %dma_wait3A_152 = arith.constant 0 : i32
        %dma_wait3A_153 = arith.constant 0 : i32
        %dma_wait3A_154 = tpu.memref_slice %arg18[%dma_wait3A_152, %dma_wait3A_153] : memref<640x16xf32, #tpu.memory_space<vmem>> -> memref<624x16xf32, #tpu.memory_space<vmem>>
        %dma_wait3A_155 = arith.constant 0 : i32
        %dma_wait3A_156 = arith.constant 0 : i32
        %dma_wait3A_157 = tpu.memref_slice %arg4[%dma_wait3A_155, %dma_wait3A_156] : memref<640x16xf32, #tpu.memory_space<hbm>> -> memref<624x16xf32, #tpu.memory_space<hbm>>
        tpu.wait_dma2 semaphore(%run_scoped3A_133 : memref<!tpu.dma_semaphore, #tpu.memory_space<semaphore_mem>>) src(%dma_wait3A_157 : memref<624x16xf32, #tpu.memory_space<hbm>>) dst(%dma_wait3A_154 : memref<624x16xf32, #tpu.memory_space<vmem>>)
        tpu.yield
      }) : () -> ()
      "tpu.region"() ({
        %run_scoped3A_133 = tpu.sem_alloc : memref<!tpu.dma_semaphore, #tpu.memory_space<semaphore_mem>>
        %dma_start3A_134 = arith.constant 0 : i32
        %dma_start3A_135 = arith.constant 0 : i32
        %dma_start3A_136 = tpu.memref_slice %arg18[%dma_start3A_134, %dma_start3A_135] : memref<640x16xf32, #tpu.memory_space<vmem>> -> memref<624x16xf32, #tpu.memory_space<vmem>>
        %dma_start3A_137 = arith.constant 0 : i32
        %dma_start3A_138 = tpu.memref_slice %arg9[%mul3A_132, %dma_start3A_137] : memref<10000x16xf32, #tpu.memory_space<vmem_shared>> -> memref<624x16xf32, #tpu.memory_space<vmem_shared>>
        %dma_start3A_139 = arith.constant 0 : i32
        %dma_start3A_140 = tpu.memref_slice %arg9[%mul3A_132, %dma_start3A_139] : memref<10000x16xf32, #tpu.memory_space<vmem_shared>> -> memref<624x16xf32, #tpu.memory_space<vmem_shared>>
        %dma_start3A_141 = arith.constant 0 : i32
        %dma_start3A_142 = arith.constant 0 : i32
        %dma_start3A_143 = tpu.memref_slice %arg18[%dma_start3A_141, %dma_start3A_142] : memref<640x16xf32, #tpu.memory_space<vmem>> -> memref<624x16xf32, #tpu.memory_space<vmem>>
        tpu.enqueue_dma source(%dma_start3A_143 : memref<624x16xf32, #tpu.memory_space<vmem>>) target(%dma_start3A_140 : memref<624x16xf32, #tpu.memory_space<vmem_shared>>) target_semaphore(%run_scoped3A_133 : memref<!tpu.dma_semaphore, #tpu.memory_space<semaphore_mem>>)
        %dma_wait3A_144 = arith.constant 0 : i32
        %dma_wait3A_145 = arith.constant 0 : i32
        %dma_wait3A_146 = tpu.memref_slice %arg18[%dma_wait3A_144, %dma_wait3A_145] : memref<640x16xf32, #tpu.memory_space<vmem>> -> memref<624x16xf32, #tpu.memory_space<vmem>>
        %dma_wait3A_147 = arith.constant 0 : i32
        %dma_wait3A_148 = tpu.memref_slice %arg9[%mul3A_132, %dma_wait3A_147] : memref<10000x16xf32, #tpu.memory_space<vmem_shared>> -> memref<624x16xf32, #tpu.memory_space<vmem_shared>>
        %dma_wait3A_149 = arith.constant 0 : i32
        %dma_wait3A_150 = tpu.memref_slice %arg9[%mul3A_132, %dma_wait3A_149] : memref<10000x16xf32, #tpu.memory_space<vmem_shared>> -> memref<624x16xf32, #tpu.memory_space<vmem_shared>>
        %dma_wait3A_151 = arith.constant 0 : i32
        %dma_wait3A_152 = arith.constant 0 : i32
        %dma_wait3A_153 = tpu.memref_slice %arg18[%dma_wait3A_151, %dma_wait3A_152] : memref<640x16xf32, #tpu.memory_space<vmem>> -> memref<624x16xf32, #tpu.memory_space<vmem>>
        tpu.wait_dma2 semaphore(%run_scoped3A_133 : memref<!tpu.dma_semaphore, #tpu.memory_space<semaphore_mem>>) src(%dma_wait3A_153 : memref<624x16xf32, #tpu.memory_space<vmem>>) dst(%dma_wait3A_150 : memref<624x16xf32, #tpu.memory_space<vmem_shared>>)
        tpu.yield
      }) : () -> ()
      "tpu.region"() ({
        %run_scoped3A_133 = tpu.sem_alloc : memref<!tpu.dma_semaphore, #tpu.memory_space<semaphore_mem>>
        %dma_start3A_134 = arith.constant 0 : i32
        %dma_start3A_135 = arith.constant 0 : i32
        %dma_start3A_136 = tpu.memref_slice %arg19[%dma_start3A_134, %dma_start3A_135] : memref<640x8xf32, #tpu.memory_space<vmem>> -> memref<624x8xf32, #tpu.memory_space<vmem>>
        %dma_start3A_137 = arith.constant 0 : i32
        %dma_start3A_138 = arith.constant 0 : i32
        %dma_start3A_139 = tpu.memref_slice %arg5[%dma_start3A_137, %dma_start3A_138] : memref<640x8xf32, #tpu.memory_space<hbm>> -> memref<624x8xf32, #tpu.memory_space<hbm>>
        %dma_start3A_140 = arith.constant 0 : i32
        %dma_start3A_141 = arith.constant 0 : i32
        %dma_start3A_142 = tpu.memref_slice %arg19[%dma_start3A_140, %dma_start3A_141] : memref<640x8xf32, #tpu.memory_space<vmem>> -> memref<624x8xf32, #tpu.memory_space<vmem>>
        %dma_start3A_143 = arith.constant 0 : i32
        %dma_start3A_144 = arith.constant 0 : i32
        %dma_start3A_145 = tpu.memref_slice %arg5[%dma_start3A_143, %dma_start3A_144] : memref<640x8xf32, #tpu.memory_space<hbm>> -> memref<624x8xf32, #tpu.memory_space<hbm>>
        tpu.enqueue_dma source(%dma_start3A_145 : memref<624x8xf32, #tpu.memory_space<hbm>>) target(%dma_start3A_142 : memref<624x8xf32, #tpu.memory_space<vmem>>) target_semaphore(%run_scoped3A_133 : memref<!tpu.dma_semaphore, #tpu.memory_space<semaphore_mem>>)
        %dma_wait3A_146 = arith.constant 0 : i32
        %dma_wait3A_147 = arith.constant 0 : i32
        %dma_wait3A_148 = tpu.memref_slice %arg19[%dma_wait3A_146, %dma_wait3A_147] : memref<640x8xf32, #tpu.memory_space<vmem>> -> memref<624x8xf32, #tpu.memory_space<vmem>>
        %dma_wait3A_149 = arith.constant 0 : i32
        %dma_wait3A_150 = arith.constant 0 : i32
        %dma_wait3A_151 = tpu.memref_slice %arg5[%dma_wait3A_149, %dma_wait3A_150] : memref<640x8xf32, #tpu.memory_space<hbm>> -> memref<624x8xf32, #tpu.memory_space<hbm>>
        %dma_wait3A_152 = arith.constant 0 : i32
        %dma_wait3A_153 = arith.constant 0 : i32
        %dma_wait3A_154 = tpu.memref_slice %arg19[%dma_wait3A_152, %dma_wait3A_153] : memref<640x8xf32, #tpu.memory_space<vmem>> -> memref<624x8xf32, #tpu.memory_space<vmem>>
        %dma_wait3A_155 = arith.constant 0 : i32
        %dma_wait3A_156 = arith.constant 0 : i32
        %dma_wait3A_157 = tpu.memref_slice %arg5[%dma_wait3A_155, %dma_wait3A_156] : memref<640x8xf32, #tpu.memory_space<hbm>> -> memref<624x8xf32, #tpu.memory_space<hbm>>
        tpu.wait_dma2 semaphore(%run_scoped3A_133 : memref<!tpu.dma_semaphore, #tpu.memory_space<semaphore_mem>>) src(%dma_wait3A_157 : memref<624x8xf32, #tpu.memory_space<hbm>>) dst(%dma_wait3A_154 : memref<624x8xf32, #tpu.memory_space<vmem>>)
        tpu.yield
      }) : () -> ()
      "tpu.region"() ({
        %run_scoped3A_133 = tpu.sem_alloc : memref<!tpu.dma_semaphore, #tpu.memory_space<semaphore_mem>>
        %dma_start3A_134 = arith.constant 0 : i32
        %dma_start3A_135 = arith.constant 0 : i32
        %dma_start3A_136 = tpu.memref_slice %arg19[%dma_start3A_134, %dma_start3A_135] : memref<640x8xf32, #tpu.memory_space<vmem>> -> memref<624x8xf32, #tpu.memory_space<vmem>>
        %dma_start3A_137 = arith.constant 0 : i32
        %dma_start3A_138 = tpu.memref_slice %arg10[%mul3A_132, %dma_start3A_137] : memref<10000x8xf32, #tpu.memory_space<vmem_shared>> -> memref<624x8xf32, #tpu.memory_space<vmem_shared>>
        %dma_start3A_139 = arith.constant 0 : i32
        %dma_start3A_140 = tpu.memref_slice %arg10[%mul3A_132, %dma_start3A_139] : memref<10000x8xf32, #tpu.memory_space<vmem_shared>> -> memref<624x8xf32, #tpu.memory_space<vmem_shared>>
        %dma_start3A_141 = arith.constant 0 : i32
        %dma_start3A_142 = arith.constant 0 : i32
        %dma_start3A_143 = tpu.memref_slice %arg19[%dma_start3A_141, %dma_start3A_142] : memref<640x8xf32, #tpu.memory_space<vmem>> -> memref<624x8xf32, #tpu.memory_space<vmem>>
        tpu.enqueue_dma source(%dma_start3A_143 : memref<624x8xf32, #tpu.memory_space<vmem>>) target(%dma_start3A_140 : memref<624x8xf32, #tpu.memory_space<vmem_shared>>) target_semaphore(%run_scoped3A_133 : memref<!tpu.dma_semaphore, #tpu.memory_space<semaphore_mem>>)
        %dma_wait3A_144 = arith.constant 0 : i32
        %dma_wait3A_145 = arith.constant 0 : i32
        %dma_wait3A_146 = tpu.memref_slice %arg19[%dma_wait3A_144, %dma_wait3A_145] : memref<640x8xf32, #tpu.memory_space<vmem>> -> memref<624x8xf32, #tpu.memory_space<vmem>>
        %dma_wait3A_147 = arith.constant 0 : i32
        %dma_wait3A_148 = tpu.memref_slice %arg10[%mul3A_132, %dma_wait3A_147] : memref<10000x8xf32, #tpu.memory_space<vmem_shared>> -> memref<624x8xf32, #tpu.memory_space<vmem_shared>>
        %dma_wait3A_149 = arith.constant 0 : i32
        %dma_wait3A_150 = tpu.memref_slice %arg10[%mul3A_132, %dma_wait3A_149] : memref<10000x8xf32, #tpu.memory_space<vmem_shared>> -> memref<624x8xf32, #tpu.memory_space<vmem_shared>>
        %dma_wait3A_151 = arith.constant 0 : i32
        %dma_wait3A_152 = arith.constant 0 : i32
        %dma_wait3A_153 = tpu.memref_slice %arg19[%dma_wait3A_151, %dma_wait3A_152] : memref<640x8xf32, #tpu.memory_space<vmem>> -> memref<624x8xf32, #tpu.memory_space<vmem>>
        tpu.wait_dma2 semaphore(%run_scoped3A_133 : memref<!tpu.dma_semaphore, #tpu.memory_space<semaphore_mem>>) src(%dma_wait3A_153 : memref<624x8xf32, #tpu.memory_space<vmem>>) dst(%dma_wait3A_150 : memref<624x8xf32, #tpu.memory_space<vmem_shared>>)
        tpu.yield
      }) : () -> ()
    } else {
    }
    %eq3A = arith.constant 15 : i32
    %eq3A_3 = arith.cmpi eq, %arg1, %eq3A : i32
    %convert_element_type3A_4 = arith.extui %eq3A_3 : i1 to i32
    %cond3A_5 = arith.constant 0 : i32
    %cond3A_6 = arith.cmpi ne, %convert_element_type3A_4, %cond3A_5 : i32
    scf.if %cond3A_6 {
      "tpu.region"() ({
        %run_scoped3A_131 = tpu.sem_alloc : memref<!tpu.dma_semaphore, #tpu.memory_space<semaphore_mem>>
        tpu.enqueue_dma source(%arg4 : memref<640x16xf32, #tpu.memory_space<hbm>>) target(%arg18 : memref<640x16xf32, #tpu.memory_space<vmem>>) target_semaphore(%run_scoped3A_131 : memref<!tpu.dma_semaphore, #tpu.memory_space<semaphore_mem>>)
        tpu.wait_dma2 semaphore(%run_scoped3A_131 : memref<!tpu.dma_semaphore, #tpu.memory_space<semaphore_mem>>) src(%arg4 : memref<640x16xf32, #tpu.memory_space<hbm>>) dst(%arg18 : memref<640x16xf32, #tpu.memory_space<vmem>>)
        tpu.yield
      }) : () -> ()
      "tpu.region"() ({
        %run_scoped3A_131 = tpu.sem_alloc : memref<!tpu.dma_semaphore, #tpu.memory_space<semaphore_mem>>
        %dma_start3A_132 = arith.constant 9360 : i32
        %dma_start3A_133 = arith.constant 0 : i32
        %dma_start3A_134 = tpu.memref_slice %arg9[%dma_start3A_132, %dma_start3A_133] : memref<10000x16xf32, #tpu.memory_space<vmem_shared>> -> memref<640x16xf32, #tpu.memory_space<vmem_shared>>
        %dma_start3A_135 = arith.constant 9360 : i32
        %dma_start3A_136 = arith.constant 0 : i32
        %dma_start3A_137 = tpu.memref_slice %arg9[%dma_start3A_135, %dma_start3A_136] : memref<10000x16xf32, #tpu.memory_space<vmem_shared>> -> memref<640x16xf32, #tpu.memory_space<vmem_shared>>
        tpu.enqueue_dma source(%arg18 : memref<640x16xf32, #tpu.memory_space<vmem>>) target(%dma_start3A_137 : memref<640x16xf32, #tpu.memory_space<vmem_shared>>) target_semaphore(%run_scoped3A_131 : memref<!tpu.dma_semaphore, #tpu.memory_space<semaphore_mem>>)
        %dma_wait3A_138 = arith.constant 9360 : i32
        %dma_wait3A_139 = arith.constant 0 : i32
        %dma_wait3A_140 = tpu.memref_slice %arg9[%dma_wait3A_138, %dma_wait3A_139] : memref<10000x16xf32, #tpu.memory_space<vmem_shared>> -> memref<640x16xf32, #tpu.memory_space<vmem_shared>>
        %dma_wait3A_141 = arith.constant 9360 : i32
        %dma_wait3A_142 = arith.constant 0 : i32
        %dma_wait3A_143 = tpu.memref_slice %arg9[%dma_wait3A_141, %dma_wait3A_142] : memref<10000x16xf32, #tpu.memory_space<vmem_shared>> -> memref<640x16xf32, #tpu.memory_space<vmem_shared>>
        tpu.wait_dma2 semaphore(%run_scoped3A_131 : memref<!tpu.dma_semaphore, #tpu.memory_space<semaphore_mem>>) src(%arg18 : memref<640x16xf32, #tpu.memory_space<vmem>>) dst(%dma_wait3A_143 : memref<640x16xf32, #tpu.memory_space<vmem_shared>>)
        tpu.yield
      }) : () -> ()
      "tpu.region"() ({
        %run_scoped3A_131 = tpu.sem_alloc : memref<!tpu.dma_semaphore, #tpu.memory_space<semaphore_mem>>
        tpu.enqueue_dma source(%arg5 : memref<640x8xf32, #tpu.memory_space<hbm>>) target(%arg19 : memref<640x8xf32, #tpu.memory_space<vmem>>) target_semaphore(%run_scoped3A_131 : memref<!tpu.dma_semaphore, #tpu.memory_space<semaphore_mem>>)
        tpu.wait_dma2 semaphore(%run_scoped3A_131 : memref<!tpu.dma_semaphore, #tpu.memory_space<semaphore_mem>>) src(%arg5 : memref<640x8xf32, #tpu.memory_space<hbm>>) dst(%arg19 : memref<640x8xf32, #tpu.memory_space<vmem>>)
        tpu.yield
      }) : () -> ()
      "tpu.region"() ({
        %run_scoped3A_131 = tpu.sem_alloc : memref<!tpu.dma_semaphore, #tpu.memory_space<semaphore_mem>>
        %dma_start3A_132 = arith.constant 9360 : i32
        %dma_start3A_133 = arith.constant 0 : i32
        %dma_start3A_134 = tpu.memref_slice %arg10[%dma_start3A_132, %dma_start3A_133] : memref<10000x8xf32, #tpu.memory_space<vmem_shared>> -> memref<640x8xf32, #tpu.memory_space<vmem_shared>>
        %dma_start3A_135 = arith.constant 9360 : i32
        %dma_start3A_136 = arith.constant 0 : i32
        %dma_start3A_137 = tpu.memref_slice %arg10[%dma_start3A_135, %dma_start3A_136] : memref<10000x8xf32, #tpu.memory_space<vmem_shared>> -> memref<640x8xf32, #tpu.memory_space<vmem_shared>>
        tpu.enqueue_dma source(%arg19 : memref<640x8xf32, #tpu.memory_space<vmem>>) target(%dma_start3A_137 : memref<640x8xf32, #tpu.memory_space<vmem_shared>>) target_semaphore(%run_scoped3A_131 : memref<!tpu.dma_semaphore, #tpu.memory_space<semaphore_mem>>)
        %dma_wait3A_138 = arith.constant 9360 : i32
        %dma_wait3A_139 = arith.constant 0 : i32
        %dma_wait3A_140 = tpu.memref_slice %arg10[%dma_wait3A_138, %dma_wait3A_139] : memref<10000x8xf32, #tpu.memory_space<vmem_shared>> -> memref<640x8xf32, #tpu.memory_space<vmem_shared>>
        %dma_wait3A_141 = arith.constant 9360 : i32
        %dma_wait3A_142 = arith.constant 0 : i32
        %dma_wait3A_143 = tpu.memref_slice %arg10[%dma_wait3A_141, %dma_wait3A_142] : memref<10000x8xf32, #tpu.memory_space<vmem_shared>> -> memref<640x8xf32, #tpu.memory_space<vmem_shared>>
        tpu.wait_dma2 semaphore(%run_scoped3A_131 : memref<!tpu.dma_semaphore, #tpu.memory_space<semaphore_mem>>) src(%arg19 : memref<640x8xf32, #tpu.memory_space<vmem>>) dst(%dma_wait3A_143 : memref<640x8xf32, #tpu.memory_space<vmem_shared>>)
        tpu.yield
      }) : () -> ()
    } else {
    }
    %barrier3A = arith.constant 0 : index
    tpu.barrier barrier_id(%barrier3A)
    %mul3A_7 = arith.constant 10000 : i32
    %mul3A_8 = arith.muli %add3A, %mul3A_7 : i32
    %add3A_9 = arith.constant 0 : i32
    %add3A_10 = arith.addi %mul3A_8, %add3A_9 : i32
    %multiple_of3A = tpu.assume_multiple %add3A_10, 8 : i32
    %run_scoped3A = arith.constant 0 : i32
    "tpu.region"() ({
      %run_scoped3A_131 = tpu.sem_alloc : memref<!tpu.dma_semaphore, #tpu.memory_space<semaphore_mem>>
      %dma_start3A_132 = tpu.memref_slice %arg2[%run_scoped3A, %multiple_of3A] : memref<2x320000xi32, #tpu.memory_space<hbm>> -> memref<1x2000xi32, #tpu.memory_space<hbm>>
      %dma_start3A_133 = tpu.memref_squeeze %dma_start3A_132 : memref<1x2000xi32, #tpu.memory_space<hbm>> -> memref<2000xi32, #tpu.memory_space<hbm>>
      %dma_start3A_134 = tpu.memref_slice %arg2[%run_scoped3A, %multiple_of3A] : memref<2x320000xi32, #tpu.memory_space<hbm>> -> memref<1x2000xi32, #tpu.memory_space<hbm>>
      %dma_start3A_135 = tpu.memref_squeeze %dma_start3A_134 : memref<1x2000xi32, #tpu.memory_space<hbm>> -> memref<2000xi32, #tpu.memory_space<hbm>>
      tpu.enqueue_dma source(%dma_start3A_135 : memref<2000xi32, #tpu.memory_space<hbm>>) target(%arg11 : memref<2000xi32, #tpu.memory_space<vmem>>) target_semaphore(%run_scoped3A_131 : memref<!tpu.dma_semaphore, #tpu.memory_space<semaphore_mem>>)
      %dma_wait3A_136 = tpu.memref_slice %arg2[%run_scoped3A, %multiple_of3A] : memref<2x320000xi32, #tpu.memory_space<hbm>> -> memref<1x2000xi32, #tpu.memory_space<hbm>>
      %dma_wait3A_137 = tpu.memref_squeeze %dma_wait3A_136 : memref<1x2000xi32, #tpu.memory_space<hbm>> -> memref<2000xi32, #tpu.memory_space<hbm>>
      %dma_wait3A_138 = tpu.memref_slice %arg2[%run_scoped3A, %multiple_of3A] : memref<2x320000xi32, #tpu.memory_space<hbm>> -> memref<1x2000xi32, #tpu.memory_space<hbm>>
      %dma_wait3A_139 = tpu.memref_squeeze %dma_wait3A_138 : memref<1x2000xi32, #tpu.memory_space<hbm>> -> memref<2000xi32, #tpu.memory_space<hbm>>
      tpu.wait_dma2 semaphore(%run_scoped3A_131 : memref<!tpu.dma_semaphore, #tpu.memory_space<semaphore_mem>>) src(%dma_wait3A_139 : memref<2000xi32, #tpu.memory_space<hbm>>) dst(%arg11 : memref<2000xi32, #tpu.memory_space<vmem>>)
      tpu.yield
    }) : () -> ()
    %run_scoped3A_11 = arith.constant 1 : i32
    "tpu.region"() ({
      %run_scoped3A_131 = tpu.sem_alloc : memref<!tpu.dma_semaphore, #tpu.memory_space<semaphore_mem>>
      %dma_start3A_132 = tpu.memref_slice %arg2[%run_scoped3A_11, %multiple_of3A] : memref<2x320000xi32, #tpu.memory_space<hbm>> -> memref<1x2000xi32, #tpu.memory_space<hbm>>
      %dma_start3A_133 = tpu.memref_squeeze %dma_start3A_132 : memref<1x2000xi32, #tpu.memory_space<hbm>> -> memref<2000xi32, #tpu.memory_space<hbm>>
      %dma_start3A_134 = tpu.memref_slice %arg2[%run_scoped3A_11, %multiple_of3A] : memref<2x320000xi32, #tpu.memory_space<hbm>> -> memref<1x2000xi32, #tpu.memory_space<hbm>>
      %dma_start3A_135 = tpu.memref_squeeze %dma_start3A_134 : memref<1x2000xi32, #tpu.memory_space<hbm>> -> memref<2000xi32, #tpu.memory_space<hbm>>
      tpu.enqueue_dma source(%dma_start3A_135 : memref<2000xi32, #tpu.memory_space<hbm>>) target(%arg12 : memref<2000xi32, #tpu.memory_space<vmem>>) target_semaphore(%run_scoped3A_131 : memref<!tpu.dma_semaphore, #tpu.memory_space<semaphore_mem>>)
      %dma_wait3A_136 = tpu.memref_slice %arg2[%run_scoped3A_11, %multiple_of3A] : memref<2x320000xi32, #tpu.memory_space<hbm>> -> memref<1x2000xi32, #tpu.memory_space<hbm>>
      %dma_wait3A_137 = tpu.memref_squeeze %dma_wait3A_136 : memref<1x2000xi32, #tpu.memory_space<hbm>> -> memref<2000xi32, #tpu.memory_space<hbm>>
      %dma_wait3A_138 = tpu.memref_slice %arg2[%run_scoped3A_11, %multiple_of3A] : memref<2x320000xi32, #tpu.memory_space<hbm>> -> memref<1x2000xi32, #tpu.memory_space<hbm>>
      %dma_wait3A_139 = tpu.memref_squeeze %dma_wait3A_138 : memref<1x2000xi32, #tpu.memory_space<hbm>> -> memref<2000xi32, #tpu.memory_space<hbm>>
      tpu.wait_dma2 semaphore(%run_scoped3A_131 : memref<!tpu.dma_semaphore, #tpu.memory_space<semaphore_mem>>) src(%dma_wait3A_139 : memref<2000xi32, #tpu.memory_space<hbm>>) dst(%arg12 : memref<2000xi32, #tpu.memory_space<vmem>>)
      tpu.yield
    }) : () -> ()
    %dma_start3A = arith.constant 0 : i32
    %dma_start3A_12 = arith.constant 0 : i32
    %dma_start3A_13 = tpu.memref_slice %arg3[%dma_start3A, %dma_start3A_12] : memref<10000x16xf32, #tpu.memory_space<hbm>> -> memref<10000x16xf32, #tpu.memory_space<hbm>>
    tpu.enqueue_indirect_dma source(%dma_start3A_13 : memref<10000x16xf32, #tpu.memory_space<hbm>>) target(%arg13 : memref<2000x16xf32, #tpu.memory_space<vmem>>) offsets(%arg11 : memref<2000xi32, #tpu.memory_space<vmem>>) semaphore(%arg20 : memref<!tpu.dma_semaphore, #tpu.memory_space<semaphore_mem>>)
    %add3A_14 = arith.constant 2000 : i32
    %add3A_15 = arith.addi %mul3A_8, %add3A_14 : i32
    %multiple_of3A_16 = tpu.assume_multiple %add3A_15, 8 : i32
    %run_scoped3A_17 = arith.constant 0 : i32
    "tpu.region"() ({
      %run_scoped3A_131 = tpu.sem_alloc : memref<!tpu.dma_semaphore, #tpu.memory_space<semaphore_mem>>
      %dma_start3A_132 = tpu.memref_slice %arg2[%run_scoped3A_17, %multiple_of3A_16] : memref<2x320000xi32, #tpu.memory_space<hbm>> -> memref<1x2000xi32, #tpu.memory_space<hbm>>
      %dma_start3A_133 = tpu.memref_squeeze %dma_start3A_132 : memref<1x2000xi32, #tpu.memory_space<hbm>> -> memref<2000xi32, #tpu.memory_space<hbm>>
      %dma_start3A_134 = tpu.memref_slice %arg2[%run_scoped3A_17, %multiple_of3A_16] : memref<2x320000xi32, #tpu.memory_space<hbm>> -> memref<1x2000xi32, #tpu.memory_space<hbm>>
      %dma_start3A_135 = tpu.memref_squeeze %dma_start3A_134 : memref<1x2000xi32, #tpu.memory_space<hbm>> -> memref<2000xi32, #tpu.memory_space<hbm>>
      tpu.enqueue_dma source(%dma_start3A_135 : memref<2000xi32, #tpu.memory_space<hbm>>) target(%arg14 : memref<2000xi32, #tpu.memory_space<vmem>>) target_semaphore(%run_scoped3A_131 : memref<!tpu.dma_semaphore, #tpu.memory_space<semaphore_mem>>)
      %dma_wait3A_136 = tpu.memref_slice %arg2[%run_scoped3A_17, %multiple_of3A_16] : memref<2x320000xi32, #tpu.memory_space<hbm>> -> memref<1x2000xi32, #tpu.memory_space<hbm>>
      %dma_wait3A_137 = tpu.memref_squeeze %dma_wait3A_136 : memref<1x2000xi32, #tpu.memory_space<hbm>> -> memref<2000xi32, #tpu.memory_space<hbm>>
      %dma_wait3A_138 = tpu.memref_slice %arg2[%run_scoped3A_17, %multiple_of3A_16] : memref<2x320000xi32, #tpu.memory_space<hbm>> -> memref<1x2000xi32, #tpu.memory_space<hbm>>
      %dma_wait3A_139 = tpu.memref_squeeze %dma_wait3A_138 : memref<1x2000xi32, #tpu.memory_space<hbm>> -> memref<2000xi32, #tpu.memory_space<hbm>>
      tpu.wait_dma2 semaphore(%run_scoped3A_131 : memref<!tpu.dma_semaphore, #tpu.memory_space<semaphore_mem>>) src(%dma_wait3A_139 : memref<2000xi32, #tpu.memory_space<hbm>>) dst(%arg14 : memref<2000xi32, #tpu.memory_space<vmem>>)
      tpu.yield
    }) : () -> ()
    %run_scoped3A_18 = arith.constant 1 : i32
    "tpu.region"() ({
      %run_scoped3A_131 = tpu.sem_alloc : memref<!tpu.dma_semaphore, #tpu.memory_space<semaphore_mem>>
      %dma_start3A_132 = tpu.memref_slice %arg2[%run_scoped3A_18, %multiple_of3A_16] : memref<2x320000xi32, #tpu.memory_space<hbm>> -> memref<1x2000xi32, #tpu.memory_space<hbm>>
      %dma_start3A_133 = tpu.memref_squeeze %dma_start3A_132 : memref<1x2000xi32, #tpu.memory_space<hbm>> -> memref<2000xi32, #tpu.memory_space<hbm>>
      %dma_start3A_134 = tpu.memref_slice %arg2[%run_scoped3A_18, %multiple_of3A_16] : memref<2x320000xi32, #tpu.memory_space<hbm>> -> memref<1x2000xi32, #tpu.memory_space<hbm>>
      %dma_start3A_135 = tpu.memref_squeeze %dma_start3A_134 : memref<1x2000xi32, #tpu.memory_space<hbm>> -> memref<2000xi32, #tpu.memory_space<hbm>>
      tpu.enqueue_dma source(%dma_start3A_135 : memref<2000xi32, #tpu.memory_space<hbm>>) target(%arg15 : memref<2000xi32, #tpu.memory_space<vmem>>) target_semaphore(%run_scoped3A_131 : memref<!tpu.dma_semaphore, #tpu.memory_space<semaphore_mem>>)
      %dma_wait3A_136 = tpu.memref_slice %arg2[%run_scoped3A_18, %multiple_of3A_16] : memref<2x320000xi32, #tpu.memory_space<hbm>> -> memref<1x2000xi32, #tpu.memory_space<hbm>>
      %dma_wait3A_137 = tpu.memref_squeeze %dma_wait3A_136 : memref<1x2000xi32, #tpu.memory_space<hbm>> -> memref<2000xi32, #tpu.memory_space<hbm>>
      %dma_wait3A_138 = tpu.memref_slice %arg2[%run_scoped3A_18, %multiple_of3A_16] : memref<2x320000xi32, #tpu.memory_space<hbm>> -> memref<1x2000xi32, #tpu.memory_space<hbm>>
      %dma_wait3A_139 = tpu.memref_squeeze %dma_wait3A_138 : memref<1x2000xi32, #tpu.memory_space<hbm>> -> memref<2000xi32, #tpu.memory_space<hbm>>
      tpu.wait_dma2 semaphore(%run_scoped3A_131 : memref<!tpu.dma_semaphore, #tpu.memory_space<semaphore_mem>>) src(%dma_wait3A_139 : memref<2000xi32, #tpu.memory_space<hbm>>) dst(%arg15 : memref<2000xi32, #tpu.memory_space<vmem>>)
      tpu.yield
    }) : () -> ()
    %dma_wait3A = arith.constant 0 : i32
    %dma_wait3A_19 = arith.constant 0 : i32
    %dma_wait3A_20 = tpu.memref_slice %arg3[%dma_wait3A, %dma_wait3A_19] : memref<10000x16xf32, #tpu.memory_space<hbm>> -> memref<10000x16xf32, #tpu.memory_space<hbm>>
    tpu.wait_indirect_dma semaphore(%arg20 : memref<!tpu.dma_semaphore, #tpu.memory_space<semaphore_mem>>) src(%dma_wait3A_20 : memref<10000x16xf32, #tpu.memory_space<hbm>>) dst(%arg13 : memref<2000x16xf32, #tpu.memory_space<vmem>>)
    %dma_start3A_21 = arith.constant 0 : i32
    %dma_start3A_22 = arith.constant 0 : i32
    %dma_start3A_23 = tpu.memref_slice %arg9[%dma_start3A_21, %dma_start3A_22] : memref<10000x16xf32, #tpu.memory_space<vmem_shared>> -> memref<10000x16xf32, #tpu.memory_space<vmem_shared>>
    tpu.enqueue_indirect_dma source(%arg13 : memref<2000x16xf32, #tpu.memory_space<vmem>>) target(%dma_start3A_23 : memref<10000x16xf32, #tpu.memory_space<vmem_shared>>) offsets(%arg12 : memref<2000xi32, #tpu.memory_space<vmem>>) semaphore(%arg22 : memref<!tpu.dma_semaphore, #tpu.memory_space<semaphore_mem>>) {add = true}
    %dma_start3A_24 = arith.constant 0 : i32
    %dma_start3A_25 = arith.constant 0 : i32
    %dma_start3A_26 = tpu.memref_slice %arg10[%dma_start3A_24, %dma_start3A_25] : memref<10000x8xf32, #tpu.memory_space<vmem_shared>> -> memref<10000x8xf32, #tpu.memory_space<vmem_shared>>
    tpu.enqueue_indirect_dma source(%arg17 : memref<2000x8xf32, #tpu.memory_space<vmem>>) target(%dma_start3A_26 : memref<10000x8xf32, #tpu.memory_space<vmem_shared>>) offsets(%arg12 : memref<2000xi32, #tpu.memory_space<vmem>>) semaphore(%arg23 : memref<!tpu.dma_semaphore, #tpu.memory_space<semaphore_mem>>) {add = true}
    %dma_start3A_27 = arith.constant 0 : i32
    %dma_start3A_28 = arith.constant 0 : i32
    %dma_start3A_29 = tpu.memref_slice %arg3[%dma_start3A_27, %dma_start3A_28] : memref<10000x16xf32, #tpu.memory_space<hbm>> -> memref<10000x16xf32, #tpu.memory_space<hbm>>
    tpu.enqueue_indirect_dma source(%dma_start3A_29 : memref<10000x16xf32, #tpu.memory_space<hbm>>) target(%arg16 : memref<2000x16xf32, #tpu.memory_space<vmem>>) offsets(%arg14 : memref<2000xi32, #tpu.memory_space<vmem>>) semaphore(%arg21 : memref<!tpu.dma_semaphore, #tpu.memory_space<semaphore_mem>>)
    %dma_wait3A_30 = arith.constant 0 : i32
    %dma_wait3A_31 = arith.constant 0 : i32
    %dma_wait3A_32 = tpu.memref_slice %arg9[%dma_wait3A_30, %dma_wait3A_31] : memref<10000x16xf32, #tpu.memory_space<vmem_shared>> -> memref<10000x16xf32, #tpu.memory_space<vmem_shared>>
    tpu.wait_indirect_dma semaphore(%arg22 : memref<!tpu.dma_semaphore, #tpu.memory_space<semaphore_mem>>) src(%arg13 : memref<2000x16xf32, #tpu.memory_space<vmem>>) dst(%dma_wait3A_32 : memref<10000x16xf32, #tpu.memory_space<vmem_shared>>)
    %dma_wait3A_33 = arith.constant 0 : i32
    %dma_wait3A_34 = arith.constant 0 : i32
    %dma_wait3A_35 = tpu.memref_slice %arg10[%dma_wait3A_33, %dma_wait3A_34] : memref<10000x8xf32, #tpu.memory_space<vmem_shared>> -> memref<10000x8xf32, #tpu.memory_space<vmem_shared>>
    tpu.wait_indirect_dma semaphore(%arg23 : memref<!tpu.dma_semaphore, #tpu.memory_space<semaphore_mem>>) src(%arg17 : memref<2000x8xf32, #tpu.memory_space<vmem>>) dst(%dma_wait3A_35 : memref<10000x8xf32, #tpu.memory_space<vmem_shared>>)
    %add3A_36 = arith.constant 4000 : i32
    %add3A_37 = arith.addi %mul3A_8, %add3A_36 : i32
    %multiple_of3A_38 = tpu.assume_multiple %add3A_37, 8 : i32
    %run_scoped3A_39 = arith.constant 0 : i32
    "tpu.region"() ({
      %run_scoped3A_131 = tpu.sem_alloc : memref<!tpu.dma_semaphore, #tpu.memory_space<semaphore_mem>>
      %dma_start3A_132 = tpu.memref_slice %arg2[%run_scoped3A_39, %multiple_of3A_38] : memref<2x320000xi32, #tpu.memory_space<hbm>> -> memref<1x2000xi32, #tpu.memory_space<hbm>>
      %dma_start3A_133 = tpu.memref_squeeze %dma_start3A_132 : memref<1x2000xi32, #tpu.memory_space<hbm>> -> memref<2000xi32, #tpu.memory_space<hbm>>
      %dma_start3A_134 = tpu.memref_slice %arg2[%run_scoped3A_39, %multiple_of3A_38] : memref<2x320000xi32, #tpu.memory_space<hbm>> -> memref<1x2000xi32, #tpu.memory_space<hbm>>
      %dma_start3A_135 = tpu.memref_squeeze %dma_start3A_134 : memref<1x2000xi32, #tpu.memory_space<hbm>> -> memref<2000xi32, #tpu.memory_space<hbm>>
      tpu.enqueue_dma source(%dma_start3A_135 : memref<2000xi32, #tpu.memory_space<hbm>>) target(%arg11 : memref<2000xi32, #tpu.memory_space<vmem>>) target_semaphore(%run_scoped3A_131 : memref<!tpu.dma_semaphore, #tpu.memory_space<semaphore_mem>>)
      %dma_wait3A_136 = tpu.memref_slice %arg2[%run_scoped3A_39, %multiple_of3A_38] : memref<2x320000xi32, #tpu.memory_space<hbm>> -> memref<1x2000xi32, #tpu.memory_space<hbm>>
      %dma_wait3A_137 = tpu.memref_squeeze %dma_wait3A_136 : memref<1x2000xi32, #tpu.memory_space<hbm>> -> memref<2000xi32, #tpu.memory_space<hbm>>
      %dma_wait3A_138 = tpu.memref_slice %arg2[%run_scoped3A_39, %multiple_of3A_38] : memref<2x320000xi32, #tpu.memory_space<hbm>> -> memref<1x2000xi32, #tpu.memory_space<hbm>>
      %dma_wait3A_139 = tpu.memref_squeeze %dma_wait3A_138 : memref<1x2000xi32, #tpu.memory_space<hbm>> -> memref<2000xi32, #tpu.memory_space<hbm>>
      tpu.wait_dma2 semaphore(%run_scoped3A_131 : memref<!tpu.dma_semaphore, #tpu.memory_space<semaphore_mem>>) src(%dma_wait3A_139 : memref<2000xi32, #tpu.memory_space<hbm>>) dst(%arg11 : memref<2000xi32, #tpu.memory_space<vmem>>)
      tpu.yield
    }) : () -> ()
    %run_scoped3A_40 = arith.constant 1 : i32
    "tpu.region"() ({
      %run_scoped3A_131 = tpu.sem_alloc : memref<!tpu.dma_semaphore, #tpu.memory_space<semaphore_mem>>
      %dma_start3A_132 = tpu.memref_slice %arg2[%run_scoped3A_40, %multiple_of3A_38] : memref<2x320000xi32, #tpu.memory_space<hbm>> -> memref<1x2000xi32, #tpu.memory_space<hbm>>
      %dma_start3A_133 = tpu.memref_squeeze %dma_start3A_132 : memref<1x2000xi32, #tpu.memory_space<hbm>> -> memref<2000xi32, #tpu.memory_space<hbm>>
      %dma_start3A_134 = tpu.memref_slice %arg2[%run_scoped3A_40, %multiple_of3A_38] : memref<2x320000xi32, #tpu.memory_space<hbm>> -> memref<1x2000xi32, #tpu.memory_space<hbm>>
      %dma_start3A_135 = tpu.memref_squeeze %dma_start3A_134 : memref<1x2000xi32, #tpu.memory_space<hbm>> -> memref<2000xi32, #tpu.memory_space<hbm>>
      tpu.enqueue_dma source(%dma_start3A_135 : memref<2000xi32, #tpu.memory_space<hbm>>) target(%arg12 : memref<2000xi32, #tpu.memory_space<vmem>>) target_semaphore(%run_scoped3A_131 : memref<!tpu.dma_semaphore, #tpu.memory_space<semaphore_mem>>)
      %dma_wait3A_136 = tpu.memref_slice %arg2[%run_scoped3A_40, %multiple_of3A_38] : memref<2x320000xi32, #tpu.memory_space<hbm>> -> memref<1x2000xi32, #tpu.memory_space<hbm>>
      %dma_wait3A_137 = tpu.memref_squeeze %dma_wait3A_136 : memref<1x2000xi32, #tpu.memory_space<hbm>> -> memref<2000xi32, #tpu.memory_space<hbm>>
      %dma_wait3A_138 = tpu.memref_slice %arg2[%run_scoped3A_40, %multiple_of3A_38] : memref<2x320000xi32, #tpu.memory_space<hbm>> -> memref<1x2000xi32, #tpu.memory_space<hbm>>
      %dma_wait3A_139 = tpu.memref_squeeze %dma_wait3A_138 : memref<1x2000xi32, #tpu.memory_space<hbm>> -> memref<2000xi32, #tpu.memory_space<hbm>>
      tpu.wait_dma2 semaphore(%run_scoped3A_131 : memref<!tpu.dma_semaphore, #tpu.memory_space<semaphore_mem>>) src(%dma_wait3A_139 : memref<2000xi32, #tpu.memory_space<hbm>>) dst(%arg12 : memref<2000xi32, #tpu.memory_space<vmem>>)
      tpu.yield
    }) : () -> ()
    %dma_wait3A_41 = arith.constant 0 : i32
    %dma_wait3A_42 = arith.constant 0 : i32
    %dma_wait3A_43 = tpu.memref_slice %arg3[%dma_wait3A_41, %dma_wait3A_42] : memref<10000x16xf32, #tpu.memory_space<hbm>> -> memref<10000x16xf32, #tpu.memory_space<hbm>>
    tpu.wait_indirect_dma semaphore(%arg21 : memref<!tpu.dma_semaphore, #tpu.memory_space<semaphore_mem>>) src(%dma_wait3A_43 : memref<10000x16xf32, #tpu.memory_space<hbm>>) dst(%arg16 : memref<2000x16xf32, #tpu.memory_space<vmem>>)
    %dma_start3A_44 = arith.constant 0 : i32
    %dma_start3A_45 = arith.constant 0 : i32
    %dma_start3A_46 = tpu.memref_slice %arg9[%dma_start3A_44, %dma_start3A_45] : memref<10000x16xf32, #tpu.memory_space<vmem_shared>> -> memref<10000x16xf32, #tpu.memory_space<vmem_shared>>
    tpu.enqueue_indirect_dma source(%arg16 : memref<2000x16xf32, #tpu.memory_space<vmem>>) target(%dma_start3A_46 : memref<10000x16xf32, #tpu.memory_space<vmem_shared>>) offsets(%arg15 : memref<2000xi32, #tpu.memory_space<vmem>>) semaphore(%arg22 : memref<!tpu.dma_semaphore, #tpu.memory_space<semaphore_mem>>) {add = true}
    %dma_start3A_47 = arith.constant 0 : i32
    %dma_start3A_48 = arith.constant 0 : i32
    %dma_start3A_49 = tpu.memref_slice %arg10[%dma_start3A_47, %dma_start3A_48] : memref<10000x8xf32, #tpu.memory_space<vmem_shared>> -> memref<10000x8xf32, #tpu.memory_space<vmem_shared>>
    tpu.enqueue_indirect_dma source(%arg17 : memref<2000x8xf32, #tpu.memory_space<vmem>>) target(%dma_start3A_49 : memref<10000x8xf32, #tpu.memory_space<vmem_shared>>) offsets(%arg15 : memref<2000xi32, #tpu.memory_space<vmem>>) semaphore(%arg23 : memref<!tpu.dma_semaphore, #tpu.memory_space<semaphore_mem>>) {add = true}
    %dma_start3A_50 = arith.constant 0 : i32
    %dma_start3A_51 = arith.constant 0 : i32
    %dma_start3A_52 = tpu.memref_slice %arg3[%dma_start3A_50, %dma_start3A_51] : memref<10000x16xf32, #tpu.memory_space<hbm>> -> memref<10000x16xf32, #tpu.memory_space<hbm>>
    tpu.enqueue_indirect_dma source(%dma_start3A_52 : memref<10000x16xf32, #tpu.memory_space<hbm>>) target(%arg13 : memref<2000x16xf32, #tpu.memory_space<vmem>>) offsets(%arg11 : memref<2000xi32, #tpu.memory_space<vmem>>) semaphore(%arg20 : memref<!tpu.dma_semaphore, #tpu.memory_space<semaphore_mem>>)
    %dma_wait3A_53 = arith.constant 0 : i32
    %dma_wait3A_54 = arith.constant 0 : i32
    %dma_wait3A_55 = tpu.memref_slice %arg9[%dma_wait3A_53, %dma_wait3A_54] : memref<10000x16xf32, #tpu.memory_space<vmem_shared>> -> memref<10000x16xf32, #tpu.memory_space<vmem_shared>>
    tpu.wait_indirect_dma semaphore(%arg22 : memref<!tpu.dma_semaphore, #tpu.memory_space<semaphore_mem>>) src(%arg16 : memref<2000x16xf32, #tpu.memory_space<vmem>>) dst(%dma_wait3A_55 : memref<10000x16xf32, #tpu.memory_space<vmem_shared>>)
    %dma_wait3A_56 = arith.constant 0 : i32
    %dma_wait3A_57 = arith.constant 0 : i32
    %dma_wait3A_58 = tpu.memref_slice %arg10[%dma_wait3A_56, %dma_wait3A_57] : memref<10000x8xf32, #tpu.memory_space<vmem_shared>> -> memref<10000x8xf32, #tpu.memory_space<vmem_shared>>
    tpu.wait_indirect_dma semaphore(%arg23 : memref<!tpu.dma_semaphore, #tpu.memory_space<semaphore_mem>>) src(%arg17 : memref<2000x8xf32, #tpu.memory_space<vmem>>) dst(%dma_wait3A_58 : memref<10000x8xf32, #tpu.memory_space<vmem_shared>>)
    %add3A_59 = arith.constant 6000 : i32
    %add3A_60 = arith.addi %mul3A_8, %add3A_59 : i32
    %multiple_of3A_61 = tpu.assume_multiple %add3A_60, 8 : i32
    %run_scoped3A_62 = arith.constant 0 : i32
    "tpu.region"() ({
      %run_scoped3A_131 = tpu.sem_alloc : memref<!tpu.dma_semaphore, #tpu.memory_space<semaphore_mem>>
      %dma_start3A_132 = tpu.memref_slice %arg2[%run_scoped3A_62, %multiple_of3A_61] : memref<2x320000xi32, #tpu.memory_space<hbm>> -> memref<1x2000xi32, #tpu.memory_space<hbm>>
      %dma_start3A_133 = tpu.memref_squeeze %dma_start3A_132 : memref<1x2000xi32, #tpu.memory_space<hbm>> -> memref<2000xi32, #tpu.memory_space<hbm>>
      %dma_start3A_134 = tpu.memref_slice %arg2[%run_scoped3A_62, %multiple_of3A_61] : memref<2x320000xi32, #tpu.memory_space<hbm>> -> memref<1x2000xi32, #tpu.memory_space<hbm>>
      %dma_start3A_135 = tpu.memref_squeeze %dma_start3A_134 : memref<1x2000xi32, #tpu.memory_space<hbm>> -> memref<2000xi32, #tpu.memory_space<hbm>>
      tpu.enqueue_dma source(%dma_start3A_135 : memref<2000xi32, #tpu.memory_space<hbm>>) target(%arg14 : memref<2000xi32, #tpu.memory_space<vmem>>) target_semaphore(%run_scoped3A_131 : memref<!tpu.dma_semaphore, #tpu.memory_space<semaphore_mem>>)
      %dma_wait3A_136 = tpu.memref_slice %arg2[%run_scoped3A_62, %multiple_of3A_61] : memref<2x320000xi32, #tpu.memory_space<hbm>> -> memref<1x2000xi32, #tpu.memory_space<hbm>>
      %dma_wait3A_137 = tpu.memref_squeeze %dma_wait3A_136 : memref<1x2000xi32, #tpu.memory_space<hbm>> -> memref<2000xi32, #tpu.memory_space<hbm>>
      %dma_wait3A_138 = tpu.memref_slice %arg2[%run_scoped3A_62, %multiple_of3A_61] : memref<2x320000xi32, #tpu.memory_space<hbm>> -> memref<1x2000xi32, #tpu.memory_space<hbm>>
      %dma_wait3A_139 = tpu.memref_squeeze %dma_wait3A_138 : memref<1x2000xi32, #tpu.memory_space<hbm>> -> memref<2000xi32, #tpu.memory_space<hbm>>
      tpu.wait_dma2 semaphore(%run_scoped3A_131 : memref<!tpu.dma_semaphore, #tpu.memory_space<semaphore_mem>>) src(%dma_wait3A_139 : memref<2000xi32, #tpu.memory_space<hbm>>) dst(%arg14 : memref<2000xi32, #tpu.memory_space<vmem>>)
      tpu.yield
    }) : () -> ()
    %run_scoped3A_63 = arith.constant 1 : i32
    "tpu.region"() ({
      %run_scoped3A_131 = tpu.sem_alloc : memref<!tpu.dma_semaphore, #tpu.memory_space<semaphore_mem>>
      %dma_start3A_132 = tpu.memref_slice %arg2[%run_scoped3A_63, %multiple_of3A_61] : memref<2x320000xi32, #tpu.memory_space<hbm>> -> memref<1x2000xi32, #tpu.memory_space<hbm>>
      %dma_start3A_133 = tpu.memref_squeeze %dma_start3A_132 : memref<1x2000xi32, #tpu.memory_space<hbm>> -> memref<2000xi32, #tpu.memory_space<hbm>>
      %dma_start3A_134 = tpu.memref_slice %arg2[%run_scoped3A_63, %multiple_of3A_61] : memref<2x320000xi32, #tpu.memory_space<hbm>> -> memref<1x2000xi32, #tpu.memory_space<hbm>>
      %dma_start3A_135 = tpu.memref_squeeze %dma_start3A_134 : memref<1x2000xi32, #tpu.memory_space<hbm>> -> memref<2000xi32, #tpu.memory_space<hbm>>
      tpu.enqueue_dma source(%dma_start3A_135 : memref<2000xi32, #tpu.memory_space<hbm>>) target(%arg15 : memref<2000xi32, #tpu.memory_space<vmem>>) target_semaphore(%run_scoped3A_131 : memref<!tpu.dma_semaphore, #tpu.memory_space<semaphore_mem>>)
      %dma_wait3A_136 = tpu.memref_slice %arg2[%run_scoped3A_63, %multiple_of3A_61] : memref<2x320000xi32, #tpu.memory_space<hbm>> -> memref<1x2000xi32, #tpu.memory_space<hbm>>
      %dma_wait3A_137 = tpu.memref_squeeze %dma_wait3A_136 : memref<1x2000xi32, #tpu.memory_space<hbm>> -> memref<2000xi32, #tpu.memory_space<hbm>>
      %dma_wait3A_138 = tpu.memref_slice %arg2[%run_scoped3A_63, %multiple_of3A_61] : memref<2x320000xi32, #tpu.memory_space<hbm>> -> memref<1x2000xi32, #tpu.memory_space<hbm>>
      %dma_wait3A_139 = tpu.memref_squeeze %dma_wait3A_138 : memref<1x2000xi32, #tpu.memory_space<hbm>> -> memref<2000xi32, #tpu.memory_space<hbm>>
      tpu.wait_dma2 semaphore(%run_scoped3A_131 : memref<!tpu.dma_semaphore, #tpu.memory_space<semaphore_mem>>) src(%dma_wait3A_139 : memref<2000xi32, #tpu.memory_space<hbm>>) dst(%arg15 : memref<2000xi32, #tpu.memory_space<vmem>>)
      tpu.yield
    }) : () -> ()
    %dma_wait3A_64 = arith.constant 0 : i32
    %dma_wait3A_65 = arith.constant 0 : i32
    %dma_wait3A_66 = tpu.memref_slice %arg3[%dma_wait3A_64, %dma_wait3A_65] : memref<10000x16xf32, #tpu.memory_space<hbm>> -> memref<10000x16xf32, #tpu.memory_space<hbm>>
    tpu.wait_indirect_dma semaphore(%arg20 : memref<!tpu.dma_semaphore, #tpu.memory_space<semaphore_mem>>) src(%dma_wait3A_66 : memref<10000x16xf32, #tpu.memory_space<hbm>>) dst(%arg13 : memref<2000x16xf32, #tpu.memory_space<vmem>>)
    %dma_start3A_67 = arith.constant 0 : i32
    %dma_start3A_68 = arith.constant 0 : i32
    %dma_start3A_69 = tpu.memref_slice %arg9[%dma_start3A_67, %dma_start3A_68] : memref<10000x16xf32, #tpu.memory_space<vmem_shared>> -> memref<10000x16xf32, #tpu.memory_space<vmem_shared>>
    tpu.enqueue_indirect_dma source(%arg13 : memref<2000x16xf32, #tpu.memory_space<vmem>>) target(%dma_start3A_69 : memref<10000x16xf32, #tpu.memory_space<vmem_shared>>) offsets(%arg12 : memref<2000xi32, #tpu.memory_space<vmem>>) semaphore(%arg22 : memref<!tpu.dma_semaphore, #tpu.memory_space<semaphore_mem>>) {add = true}
    %dma_start3A_70 = arith.constant 0 : i32
    %dma_start3A_71 = arith.constant 0 : i32
    %dma_start3A_72 = tpu.memref_slice %arg10[%dma_start3A_70, %dma_start3A_71] : memref<10000x8xf32, #tpu.memory_space<vmem_shared>> -> memref<10000x8xf32, #tpu.memory_space<vmem_shared>>
    tpu.enqueue_indirect_dma source(%arg17 : memref<2000x8xf32, #tpu.memory_space<vmem>>) target(%dma_start3A_72 : memref<10000x8xf32, #tpu.memory_space<vmem_shared>>) offsets(%arg12 : memref<2000xi32, #tpu.memory_space<vmem>>) semaphore(%arg23 : memref<!tpu.dma_semaphore, #tpu.memory_space<semaphore_mem>>) {add = true}
    %dma_start3A_73 = arith.constant 0 : i32
    %dma_start3A_74 = arith.constant 0 : i32
    %dma_start3A_75 = tpu.memref_slice %arg3[%dma_start3A_73, %dma_start3A_74] : memref<10000x16xf32, #tpu.memory_space<hbm>> -> memref<10000x16xf32, #tpu.memory_space<hbm>>
    tpu.enqueue_indirect_dma source(%dma_start3A_75 : memref<10000x16xf32, #tpu.memory_space<hbm>>) target(%arg16 : memref<2000x16xf32, #tpu.memory_space<vmem>>) offsets(%arg14 : memref<2000xi32, #tpu.memory_space<vmem>>) semaphore(%arg21 : memref<!tpu.dma_semaphore, #tpu.memory_space<semaphore_mem>>)
    %dma_wait3A_76 = arith.constant 0 : i32
    %dma_wait3A_77 = arith.constant 0 : i32
    %dma_wait3A_78 = tpu.memref_slice %arg9[%dma_wait3A_76, %dma_wait3A_77] : memref<10000x16xf32, #tpu.memory_space<vmem_shared>> -> memref<10000x16xf32, #tpu.memory_space<vmem_shared>>
    tpu.wait_indirect_dma semaphore(%arg22 : memref<!tpu.dma_semaphore, #tpu.memory_space<semaphore_mem>>) src(%arg13 : memref<2000x16xf32, #tpu.memory_space<vmem>>) dst(%dma_wait3A_78 : memref<10000x16xf32, #tpu.memory_space<vmem_shared>>)
    %dma_wait3A_79 = arith.constant 0 : i32
    %dma_wait3A_80 = arith.constant 0 : i32
    %dma_wait3A_81 = tpu.memref_slice %arg10[%dma_wait3A_79, %dma_wait3A_80] : memref<10000x8xf32, #tpu.memory_space<vmem_shared>> -> memref<10000x8xf32, #tpu.memory_space<vmem_shared>>
    tpu.wait_indirect_dma semaphore(%arg23 : memref<!tpu.dma_semaphore, #tpu.memory_space<semaphore_mem>>) src(%arg17 : memref<2000x8xf32, #tpu.memory_space<vmem>>) dst(%dma_wait3A_81 : memref<10000x8xf32, #tpu.memory_space<vmem_shared>>)
    %add3A_82 = arith.constant 8000 : i32
    %add3A_83 = arith.addi %mul3A_8, %add3A_82 : i32
    %multiple_of3A_84 = tpu.assume_multiple %add3A_83, 8 : i32
    %run_scoped3A_85 = arith.constant 0 : i32
    "tpu.region"() ({
      %run_scoped3A_131 = tpu.sem_alloc : memref<!tpu.dma_semaphore, #tpu.memory_space<semaphore_mem>>
      %dma_start3A_132 = tpu.memref_slice %arg2[%run_scoped3A_85, %multiple_of3A_84] : memref<2x320000xi32, #tpu.memory_space<hbm>> -> memref<1x2000xi32, #tpu.memory_space<hbm>>
      %dma_start3A_133 = tpu.memref_squeeze %dma_start3A_132 : memref<1x2000xi32, #tpu.memory_space<hbm>> -> memref<2000xi32, #tpu.memory_space<hbm>>
      %dma_start3A_134 = tpu.memref_slice %arg2[%run_scoped3A_85, %multiple_of3A_84] : memref<2x320000xi32, #tpu.memory_space<hbm>> -> memref<1x2000xi32, #tpu.memory_space<hbm>>
      %dma_start3A_135 = tpu.memref_squeeze %dma_start3A_134 : memref<1x2000xi32, #tpu.memory_space<hbm>> -> memref<2000xi32, #tpu.memory_space<hbm>>
      tpu.enqueue_dma source(%dma_start3A_135 : memref<2000xi32, #tpu.memory_space<hbm>>) target(%arg11 : memref<2000xi32, #tpu.memory_space<vmem>>) target_semaphore(%run_scoped3A_131 : memref<!tpu.dma_semaphore, #tpu.memory_space<semaphore_mem>>)
      %dma_wait3A_136 = tpu.memref_slice %arg2[%run_scoped3A_85, %multiple_of3A_84] : memref<2x320000xi32, #tpu.memory_space<hbm>> -> memref<1x2000xi32, #tpu.memory_space<hbm>>
      %dma_wait3A_137 = tpu.memref_squeeze %dma_wait3A_136 : memref<1x2000xi32, #tpu.memory_space<hbm>> -> memref<2000xi32, #tpu.memory_space<hbm>>
      %dma_wait3A_138 = tpu.memref_slice %arg2[%run_scoped3A_85, %multiple_of3A_84] : memref<2x320000xi32, #tpu.memory_space<hbm>> -> memref<1x2000xi32, #tpu.memory_space<hbm>>
      %dma_wait3A_139 = tpu.memref_squeeze %dma_wait3A_138 : memref<1x2000xi32, #tpu.memory_space<hbm>> -> memref<2000xi32, #tpu.memory_space<hbm>>
      tpu.wait_dma2 semaphore(%run_scoped3A_131 : memref<!tpu.dma_semaphore, #tpu.memory_space<semaphore_mem>>) src(%dma_wait3A_139 : memref<2000xi32, #tpu.memory_space<hbm>>) dst(%arg11 : memref<2000xi32, #tpu.memory_space<vmem>>)
      tpu.yield
    }) : () -> ()
    %run_scoped3A_86 = arith.constant 1 : i32
    "tpu.region"() ({
      %run_scoped3A_131 = tpu.sem_alloc : memref<!tpu.dma_semaphore, #tpu.memory_space<semaphore_mem>>
      %dma_start3A_132 = tpu.memref_slice %arg2[%run_scoped3A_86, %multiple_of3A_84] : memref<2x320000xi32, #tpu.memory_space<hbm>> -> memref<1x2000xi32, #tpu.memory_space<hbm>>
      %dma_start3A_133 = tpu.memref_squeeze %dma_start3A_132 : memref<1x2000xi32, #tpu.memory_space<hbm>> -> memref<2000xi32, #tpu.memory_space<hbm>>
      %dma_start3A_134 = tpu.memref_slice %arg2[%run_scoped3A_86, %multiple_of3A_84] : memref<2x320000xi32, #tpu.memory_space<hbm>> -> memref<1x2000xi32, #tpu.memory_space<hbm>>
      %dma_start3A_135 = tpu.memref_squeeze %dma_start3A_134 : memref<1x2000xi32, #tpu.memory_space<hbm>> -> memref<2000xi32, #tpu.memory_space<hbm>>
      tpu.enqueue_dma source(%dma_start3A_135 : memref<2000xi32, #tpu.memory_space<hbm>>) target(%arg12 : memref<2000xi32, #tpu.memory_space<vmem>>) target_semaphore(%run_scoped3A_131 : memref<!tpu.dma_semaphore, #tpu.memory_space<semaphore_mem>>)
      %dma_wait3A_136 = tpu.memref_slice %arg2[%run_scoped3A_86, %multiple_of3A_84] : memref<2x320000xi32, #tpu.memory_space<hbm>> -> memref<1x2000xi32, #tpu.memory_space<hbm>>
      %dma_wait3A_137 = tpu.memref_squeeze %dma_wait3A_136 : memref<1x2000xi32, #tpu.memory_space<hbm>> -> memref<2000xi32, #tpu.memory_space<hbm>>
      %dma_wait3A_138 = tpu.memref_slice %arg2[%run_scoped3A_86, %multiple_of3A_84] : memref<2x320000xi32, #tpu.memory_space<hbm>> -> memref<1x2000xi32, #tpu.memory_space<hbm>>
      %dma_wait3A_139 = tpu.memref_squeeze %dma_wait3A_138 : memref<1x2000xi32, #tpu.memory_space<hbm>> -> memref<2000xi32, #tpu.memory_space<hbm>>
      tpu.wait_dma2 semaphore(%run_scoped3A_131 : memref<!tpu.dma_semaphore, #tpu.memory_space<semaphore_mem>>) src(%dma_wait3A_139 : memref<2000xi32, #tpu.memory_space<hbm>>) dst(%arg12 : memref<2000xi32, #tpu.memory_space<vmem>>)
      tpu.yield
    }) : () -> ()
    %dma_wait3A_87 = arith.constant 0 : i32
    %dma_wait3A_88 = arith.constant 0 : i32
    %dma_wait3A_89 = tpu.memref_slice %arg3[%dma_wait3A_87, %dma_wait3A_88] : memref<10000x16xf32, #tpu.memory_space<hbm>> -> memref<10000x16xf32, #tpu.memory_space<hbm>>
    tpu.wait_indirect_dma semaphore(%arg21 : memref<!tpu.dma_semaphore, #tpu.memory_space<semaphore_mem>>) src(%dma_wait3A_89 : memref<10000x16xf32, #tpu.memory_space<hbm>>) dst(%arg16 : memref<2000x16xf32, #tpu.memory_space<vmem>>)
    %dma_start3A_90 = arith.constant 0 : i32
    %dma_start3A_91 = arith.constant 0 : i32
    %dma_start3A_92 = tpu.memref_slice %arg9[%dma_start3A_90, %dma_start3A_91] : memref<10000x16xf32, #tpu.memory_space<vmem_shared>> -> memref<10000x16xf32, #tpu.memory_space<vmem_shared>>
    tpu.enqueue_indirect_dma source(%arg16 : memref<2000x16xf32, #tpu.memory_space<vmem>>) target(%dma_start3A_92 : memref<10000x16xf32, #tpu.memory_space<vmem_shared>>) offsets(%arg15 : memref<2000xi32, #tpu.memory_space<vmem>>) semaphore(%arg22 : memref<!tpu.dma_semaphore, #tpu.memory_space<semaphore_mem>>) {add = true}
    %dma_start3A_93 = arith.constant 0 : i32
    %dma_start3A_94 = arith.constant 0 : i32
    %dma_start3A_95 = tpu.memref_slice %arg10[%dma_start3A_93, %dma_start3A_94] : memref<10000x8xf32, #tpu.memory_space<vmem_shared>> -> memref<10000x8xf32, #tpu.memory_space<vmem_shared>>
    tpu.enqueue_indirect_dma source(%arg17 : memref<2000x8xf32, #tpu.memory_space<vmem>>) target(%dma_start3A_95 : memref<10000x8xf32, #tpu.memory_space<vmem_shared>>) offsets(%arg15 : memref<2000xi32, #tpu.memory_space<vmem>>) semaphore(%arg23 : memref<!tpu.dma_semaphore, #tpu.memory_space<semaphore_mem>>) {add = true}
    %dma_start3A_96 = arith.constant 0 : i32
    %dma_start3A_97 = arith.constant 0 : i32
    %dma_start3A_98 = tpu.memref_slice %arg3[%dma_start3A_96, %dma_start3A_97] : memref<10000x16xf32, #tpu.memory_space<hbm>> -> memref<10000x16xf32, #tpu.memory_space<hbm>>
    tpu.enqueue_indirect_dma source(%dma_start3A_98 : memref<10000x16xf32, #tpu.memory_space<hbm>>) target(%arg13 : memref<2000x16xf32, #tpu.memory_space<vmem>>) offsets(%arg11 : memref<2000xi32, #tpu.memory_space<vmem>>) semaphore(%arg20 : memref<!tpu.dma_semaphore, #tpu.memory_space<semaphore_mem>>)
    %dma_wait3A_99 = arith.constant 0 : i32
    %dma_wait3A_100 = arith.constant 0 : i32
    %dma_wait3A_101 = tpu.memref_slice %arg9[%dma_wait3A_99, %dma_wait3A_100] : memref<10000x16xf32, #tpu.memory_space<vmem_shared>> -> memref<10000x16xf32, #tpu.memory_space<vmem_shared>>
    tpu.wait_indirect_dma semaphore(%arg22 : memref<!tpu.dma_semaphore, #tpu.memory_space<semaphore_mem>>) src(%arg16 : memref<2000x16xf32, #tpu.memory_space<vmem>>) dst(%dma_wait3A_101 : memref<10000x16xf32, #tpu.memory_space<vmem_shared>>)
    %dma_wait3A_102 = arith.constant 0 : i32
    %dma_wait3A_103 = arith.constant 0 : i32
    %dma_wait3A_104 = tpu.memref_slice %arg10[%dma_wait3A_102, %dma_wait3A_103] : memref<10000x8xf32, #tpu.memory_space<vmem_shared>> -> memref<10000x8xf32, #tpu.memory_space<vmem_shared>>
    tpu.wait_indirect_dma semaphore(%arg23 : memref<!tpu.dma_semaphore, #tpu.memory_space<semaphore_mem>>) src(%arg17 : memref<2000x8xf32, #tpu.memory_space<vmem>>) dst(%dma_wait3A_104 : memref<10000x8xf32, #tpu.memory_space<vmem_shared>>)
    %dma_wait3A_105 = arith.constant 0 : i32
    %dma_wait3A_106 = arith.constant 0 : i32
    %dma_wait3A_107 = tpu.memref_slice %arg3[%dma_wait3A_105, %dma_wait3A_106] : memref<10000x16xf32, #tpu.memory_space<hbm>> -> memref<10000x16xf32, #tpu.memory_space<hbm>>
    tpu.wait_indirect_dma semaphore(%arg20 : memref<!tpu.dma_semaphore, #tpu.memory_space<semaphore_mem>>) src(%dma_wait3A_107 : memref<10000x16xf32, #tpu.memory_space<hbm>>) dst(%arg13 : memref<2000x16xf32, #tpu.memory_space<vmem>>)
    %dma_start3A_108 = arith.constant 0 : i32
    %dma_start3A_109 = arith.constant 0 : i32
    %dma_start3A_110 = tpu.memref_slice %arg9[%dma_start3A_108, %dma_start3A_109] : memref<10000x16xf32, #tpu.memory_space<vmem_shared>> -> memref<10000x16xf32, #tpu.memory_space<vmem_shared>>
    tpu.enqueue_indirect_dma source(%arg13 : memref<2000x16xf32, #tpu.memory_space<vmem>>) target(%dma_start3A_110 : memref<10000x16xf32, #tpu.memory_space<vmem_shared>>) offsets(%arg12 : memref<2000xi32, #tpu.memory_space<vmem>>) semaphore(%arg22 : memref<!tpu.dma_semaphore, #tpu.memory_space<semaphore_mem>>) {add = true}
    %dma_start3A_111 = arith.constant 0 : i32
    %dma_start3A_112 = arith.constant 0 : i32
    %dma_start3A_113 = tpu.memref_slice %arg10[%dma_start3A_111, %dma_start3A_112] : memref<10000x8xf32, #tpu.memory_space<vmem_shared>> -> memref<10000x8xf32, #tpu.memory_space<vmem_shared>>
    tpu.enqueue_indirect_dma source(%arg17 : memref<2000x8xf32, #tpu.memory_space<vmem>>) target(%dma_start3A_113 : memref<10000x8xf32, #tpu.memory_space<vmem_shared>>) offsets(%arg12 : memref<2000xi32, #tpu.memory_space<vmem>>) semaphore(%arg23 : memref<!tpu.dma_semaphore, #tpu.memory_space<semaphore_mem>>) {add = true}
    %dma_wait3A_114 = arith.constant 0 : i32
    %dma_wait3A_115 = arith.constant 0 : i32
    %dma_wait3A_116 = tpu.memref_slice %arg9[%dma_wait3A_114, %dma_wait3A_115] : memref<10000x16xf32, #tpu.memory_space<vmem_shared>> -> memref<10000x16xf32, #tpu.memory_space<vmem_shared>>
    tpu.wait_indirect_dma semaphore(%arg22 : memref<!tpu.dma_semaphore, #tpu.memory_space<semaphore_mem>>) src(%arg13 : memref<2000x16xf32, #tpu.memory_space<vmem>>) dst(%dma_wait3A_116 : memref<10000x16xf32, #tpu.memory_space<vmem_shared>>)
    %dma_wait3A_117 = arith.constant 0 : i32
    %dma_wait3A_118 = arith.constant 0 : i32
    %dma_wait3A_119 = tpu.memref_slice %arg10[%dma_wait3A_117, %dma_wait3A_118] : memref<10000x8xf32, #tpu.memory_space<vmem_shared>> -> memref<10000x8xf32, #tpu.memory_space<vmem_shared>>
    tpu.wait_indirect_dma semaphore(%arg23 : memref<!tpu.dma_semaphore, #tpu.memory_space<semaphore_mem>>) src(%arg17 : memref<2000x8xf32, #tpu.memory_space<vmem>>) dst(%dma_wait3A_119 : memref<10000x8xf32, #tpu.memory_space<vmem_shared>>)
    %barrier3A_120 = arith.constant 0 : index
    tpu.barrier barrier_id(%barrier3A_120)
    %lt3A_121 = arith.constant 15 : i32
    %lt3A_122 = arith.cmpi slt, %arg1, %lt3A_121 : i32
    %convert_element_type3A_123 = arith.extui %lt3A_122 : i1 to i32
    %cond3A_124 = arith.constant 0 : i32
    %cond3A_125 = arith.cmpi ne, %convert_element_type3A_123, %cond3A_124 : i32
    scf.if %cond3A_125 {
      %mul3A_131 = arith.constant 624 : i32
      %mul3A_132 = arith.muli %arg1, %mul3A_131 : i32
      %mul3A_133 = arith.constant 10000 : i32
      %mul3A_134 = arith.muli %arg0, %mul3A_133 : i32
      %add3A_135 = arith.addi %mul3A_134, %mul3A_132 : i32
      "tpu.region"() ({
        %run_scoped3A_136 = tpu.sem_alloc : memref<!tpu.dma_semaphore, #tpu.memory_space<semaphore_mem>>
        %dma_start3A_137 = arith.constant 0 : i32
        %dma_start3A_138 = arith.constant 0 : i32
        %dma_start3A_139 = tpu.memref_slice %arg18[%dma_start3A_137, %dma_start3A_138] : memref<640x16xf32, #tpu.memory_space<vmem>> -> memref<624x16xf32, #tpu.memory_space<vmem>>
        %dma_start3A_140 = arith.constant 0 : i32
        %dma_start3A_141 = tpu.memref_slice %arg9[%mul3A_132, %dma_start3A_140] : memref<10000x16xf32, #tpu.memory_space<vmem_shared>> -> memref<624x16xf32, #tpu.memory_space<vmem_shared>>
        %dma_start3A_142 = arith.constant 0 : i32
        %dma_start3A_143 = arith.constant 0 : i32
        %dma_start3A_144 = tpu.memref_slice %arg18[%dma_start3A_142, %dma_start3A_143] : memref<640x16xf32, #tpu.memory_space<vmem>> -> memref<624x16xf32, #tpu.memory_space<vmem>>
        %dma_start3A_145 = arith.constant 0 : i32
        %dma_start3A_146 = tpu.memref_slice %arg9[%mul3A_132, %dma_start3A_145] : memref<10000x16xf32, #tpu.memory_space<vmem_shared>> -> memref<624x16xf32, #tpu.memory_space<vmem_shared>>
        tpu.enqueue_dma source(%dma_start3A_146 : memref<624x16xf32, #tpu.memory_space<vmem_shared>>) target(%dma_start3A_144 : memref<624x16xf32, #tpu.memory_space<vmem>>) target_semaphore(%run_scoped3A_136 : memref<!tpu.dma_semaphore, #tpu.memory_space<semaphore_mem>>)
        %dma_wait3A_147 = arith.constant 0 : i32
        %dma_wait3A_148 = arith.constant 0 : i32
        %dma_wait3A_149 = tpu.memref_slice %arg18[%dma_wait3A_147, %dma_wait3A_148] : memref<640x16xf32, #tpu.memory_space<vmem>> -> memref<624x16xf32, #tpu.memory_space<vmem>>
        %dma_wait3A_150 = arith.constant 0 : i32
        %dma_wait3A_151 = tpu.memref_slice %arg9[%mul3A_132, %dma_wait3A_150] : memref<10000x16xf32, #tpu.memory_space<vmem_shared>> -> memref<624x16xf32, #tpu.memory_space<vmem_shared>>
        %dma_wait3A_152 = arith.constant 0 : i32
        %dma_wait3A_153 = arith.constant 0 : i32
        %dma_wait3A_154 = tpu.memref_slice %arg18[%dma_wait3A_152, %dma_wait3A_153] : memref<640x16xf32, #tpu.memory_space<vmem>> -> memref<624x16xf32, #tpu.memory_space<vmem>>
        %dma_wait3A_155 = arith.constant 0 : i32
        %dma_wait3A_156 = tpu.memref_slice %arg9[%mul3A_132, %dma_wait3A_155] : memref<10000x16xf32, #tpu.memory_space<vmem_shared>> -> memref<624x16xf32, #tpu.memory_space<vmem_shared>>
        tpu.wait_dma2 semaphore(%run_scoped3A_136 : memref<!tpu.dma_semaphore, #tpu.memory_space<semaphore_mem>>) src(%dma_wait3A_156 : memref<624x16xf32, #tpu.memory_space<vmem_shared>>) dst(%dma_wait3A_154 : memref<624x16xf32, #tpu.memory_space<vmem>>)
        tpu.yield
      }) : () -> ()
      "tpu.region"() ({
        %run_scoped3A_136 = tpu.sem_alloc : memref<!tpu.dma_semaphore, #tpu.memory_space<semaphore_mem>>
        %dma_start3A_137 = arith.constant 0 : i32
        %dma_start3A_138 = arith.constant 0 : i32
        %dma_start3A_139 = tpu.memref_slice %arg18[%dma_start3A_137, %dma_start3A_138] : memref<640x16xf32, #tpu.memory_space<vmem>> -> memref<624x16xf32, #tpu.memory_space<vmem>>
        %dma_start3A_140 = arith.constant 0 : i32
        %dma_start3A_141 = tpu.memref_slice %arg7[%add3A_135, %dma_start3A_140] : memref<20000x16xf32, #tpu.memory_space<hbm>> -> memref<624x16xf32, #tpu.memory_space<hbm>>
        %dma_start3A_142 = arith.constant 0 : i32
        %dma_start3A_143 = tpu.memref_slice %arg7[%add3A_135, %dma_start3A_142] : memref<20000x16xf32, #tpu.memory_space<hbm>> -> memref<624x16xf32, #tpu.memory_space<hbm>>
        %dma_start3A_144 = arith.constant 0 : i32
        %dma_start3A_145 = arith.constant 0 : i32
        %dma_start3A_146 = tpu.memref_slice %arg18[%dma_start3A_144, %dma_start3A_145] : memref<640x16xf32, #tpu.memory_space<vmem>> -> memref<624x16xf32, #tpu.memory_space<vmem>>
        tpu.enqueue_dma source(%dma_start3A_146 : memref<624x16xf32, #tpu.memory_space<vmem>>) target(%dma_start3A_143 : memref<624x16xf32, #tpu.memory_space<hbm>>) target_semaphore(%run_scoped3A_136 : memref<!tpu.dma_semaphore, #tpu.memory_space<semaphore_mem>>)
        %dma_wait3A_147 = arith.constant 0 : i32
        %dma_wait3A_148 = arith.constant 0 : i32
        %dma_wait3A_149 = tpu.memref_slice %arg18[%dma_wait3A_147, %dma_wait3A_148] : memref<640x16xf32, #tpu.memory_space<vmem>> -> memref<624x16xf32, #tpu.memory_space<vmem>>
        %dma_wait3A_150 = arith.constant 0 : i32
        %dma_wait3A_151 = tpu.memref_slice %arg7[%add3A_135, %dma_wait3A_150] : memref<20000x16xf32, #tpu.memory_space<hbm>> -> memref<624x16xf32, #tpu.memory_space<hbm>>
        %dma_wait3A_152 = arith.constant 0 : i32
        %dma_wait3A_153 = tpu.memref_slice %arg7[%add3A_135, %dma_wait3A_152] : memref<20000x16xf32, #tpu.memory_space<hbm>> -> memref<624x16xf32, #tpu.memory_space<hbm>>
        %dma_wait3A_154 = arith.constant 0 : i32
        %dma_wait3A_155 = arith.constant 0 : i32
        %dma_wait3A_156 = tpu.memref_slice %arg18[%dma_wait3A_154, %dma_wait3A_155] : memref<640x16xf32, #tpu.memory_space<vmem>> -> memref<624x16xf32, #tpu.memory_space<vmem>>
        tpu.wait_dma2 semaphore(%run_scoped3A_136 : memref<!tpu.dma_semaphore, #tpu.memory_space<semaphore_mem>>) src(%dma_wait3A_156 : memref<624x16xf32, #tpu.memory_space<vmem>>) dst(%dma_wait3A_153 : memref<624x16xf32, #tpu.memory_space<hbm>>)
        tpu.yield
      }) : () -> ()
      "tpu.region"() ({
        %run_scoped3A_136 = tpu.sem_alloc : memref<!tpu.dma_semaphore, #tpu.memory_space<semaphore_mem>>
        %dma_start3A_137 = arith.constant 0 : i32
        %dma_start3A_138 = arith.constant 0 : i32
        %dma_start3A_139 = tpu.memref_slice %arg19[%dma_start3A_137, %dma_start3A_138] : memref<640x8xf32, #tpu.memory_space<vmem>> -> memref<624x8xf32, #tpu.memory_space<vmem>>
        %dma_start3A_140 = arith.constant 0 : i32
        %dma_start3A_141 = tpu.memref_slice %arg10[%mul3A_132, %dma_start3A_140] : memref<10000x8xf32, #tpu.memory_space<vmem_shared>> -> memref<624x8xf32, #tpu.memory_space<vmem_shared>>
        %dma_start3A_142 = arith.constant 0 : i32
        %dma_start3A_143 = arith.constant 0 : i32
        %dma_start3A_144 = tpu.memref_slice %arg19[%dma_start3A_142, %dma_start3A_143] : memref<640x8xf32, #tpu.memory_space<vmem>> -> memref<624x8xf32, #tpu.memory_space<vmem>>
        %dma_start3A_145 = arith.constant 0 : i32
        %dma_start3A_146 = tpu.memref_slice %arg10[%mul3A_132, %dma_start3A_145] : memref<10000x8xf32, #tpu.memory_space<vmem_shared>> -> memref<624x8xf32, #tpu.memory_space<vmem_shared>>
        tpu.enqueue_dma source(%dma_start3A_146 : memref<624x8xf32, #tpu.memory_space<vmem_shared>>) target(%dma_start3A_144 : memref<624x8xf32, #tpu.memory_space<vmem>>) target_semaphore(%run_scoped3A_136 : memref<!tpu.dma_semaphore, #tpu.memory_space<semaphore_mem>>)
        %dma_wait3A_147 = arith.constant 0 : i32
        %dma_wait3A_148 = arith.constant 0 : i32
        %dma_wait3A_149 = tpu.memref_slice %arg19[%dma_wait3A_147, %dma_wait3A_148] : memref<640x8xf32, #tpu.memory_space<vmem>> -> memref<624x8xf32, #tpu.memory_space<vmem>>
        %dma_wait3A_150 = arith.constant 0 : i32
        %dma_wait3A_151 = tpu.memref_slice %arg10[%mul3A_132, %dma_wait3A_150] : memref<10000x8xf32, #tpu.memory_space<vmem_shared>> -> memref<624x8xf32, #tpu.memory_space<vmem_shared>>
        %dma_wait3A_152 = arith.constant 0 : i32
        %dma_wait3A_153 = arith.constant 0 : i32
        %dma_wait3A_154 = tpu.memref_slice %arg19[%dma_wait3A_152, %dma_wait3A_153] : memref<640x8xf32, #tpu.memory_space<vmem>> -> memref<624x8xf32, #tpu.memory_space<vmem>>
        %dma_wait3A_155 = arith.constant 0 : i32
        %dma_wait3A_156 = tpu.memref_slice %arg10[%mul3A_132, %dma_wait3A_155] : memref<10000x8xf32, #tpu.memory_space<vmem_shared>> -> memref<624x8xf32, #tpu.memory_space<vmem_shared>>
        tpu.wait_dma2 semaphore(%run_scoped3A_136 : memref<!tpu.dma_semaphore, #tpu.memory_space<semaphore_mem>>) src(%dma_wait3A_156 : memref<624x8xf32, #tpu.memory_space<vmem_shared>>) dst(%dma_wait3A_154 : memref<624x8xf32, #tpu.memory_space<vmem>>)
        tpu.yield
      }) : () -> ()
      "tpu.region"() ({
        %run_scoped3A_136 = tpu.sem_alloc : memref<!tpu.dma_semaphore, #tpu.memory_space<semaphore_mem>>
        %dma_start3A_137 = arith.constant 0 : i32
        %dma_start3A_138 = arith.constant 0 : i32
        %dma_start3A_139 = tpu.memref_slice %arg19[%dma_start3A_137, %dma_start3A_138] : memref<640x8xf32, #tpu.memory_space<vmem>> -> memref<624x8xf32, #tpu.memory_space<vmem>>
        %dma_start3A_140 = arith.constant 0 : i32
        %dma_start3A_141 = tpu.memref_slice %arg8[%add3A_135, %dma_start3A_140] : memref<20000x8xf32, #tpu.memory_space<hbm>> -> memref<624x8xf32, #tpu.memory_space<hbm>>
        %dma_start3A_142 = arith.constant 0 : i32
        %dma_start3A_143 = tpu.memref_slice %arg8[%add3A_135, %dma_start3A_142] : memref<20000x8xf32, #tpu.memory_space<hbm>> -> memref<624x8xf32, #tpu.memory_space<hbm>>
        %dma_start3A_144 = arith.constant 0 : i32
        %dma_start3A_145 = arith.constant 0 : i32
        %dma_start3A_146 = tpu.memref_slice %arg19[%dma_start3A_144, %dma_start3A_145] : memref<640x8xf32, #tpu.memory_space<vmem>> -> memref<624x8xf32, #tpu.memory_space<vmem>>
        tpu.enqueue_dma source(%dma_start3A_146 : memref<624x8xf32, #tpu.memory_space<vmem>>) target(%dma_start3A_143 : memref<624x8xf32, #tpu.memory_space<hbm>>) target_semaphore(%run_scoped3A_136 : memref<!tpu.dma_semaphore, #tpu.memory_space<semaphore_mem>>)
        %dma_wait3A_147 = arith.constant 0 : i32
        %dma_wait3A_148 = arith.constant 0 : i32
        %dma_wait3A_149 = tpu.memref_slice %arg19[%dma_wait3A_147, %dma_wait3A_148] : memref<640x8xf32, #tpu.memory_space<vmem>> -> memref<624x8xf32, #tpu.memory_space<vmem>>
        %dma_wait3A_150 = arith.constant 0 : i32
        %dma_wait3A_151 = tpu.memref_slice %arg8[%add3A_135, %dma_wait3A_150] : memref<20000x8xf32, #tpu.memory_space<hbm>> -> memref<624x8xf32, #tpu.memory_space<hbm>>
        %dma_wait3A_152 = arith.constant 0 : i32
        %dma_wait3A_153 = tpu.memref_slice %arg8[%add3A_135, %dma_wait3A_152] : memref<20000x8xf32, #tpu.memory_space<hbm>> -> memref<624x8xf32, #tpu.memory_space<hbm>>
        %dma_wait3A_154 = arith.constant 0 : i32
        %dma_wait3A_155 = arith.constant 0 : i32
        %dma_wait3A_156 = tpu.memref_slice %arg19[%dma_wait3A_154, %dma_wait3A_155] : memref<640x8xf32, #tpu.memory_space<vmem>> -> memref<624x8xf32, #tpu.memory_space<vmem>>
        tpu.wait_dma2 semaphore(%run_scoped3A_136 : memref<!tpu.dma_semaphore, #tpu.memory_space<semaphore_mem>>) src(%dma_wait3A_156 : memref<624x8xf32, #tpu.memory_space<vmem>>) dst(%dma_wait3A_153 : memref<624x8xf32, #tpu.memory_space<hbm>>)
        tpu.yield
      }) : () -> ()
    } else {
    }
    %eq3A_126 = arith.constant 15 : i32
    %eq3A_127 = arith.cmpi eq, %arg1, %eq3A_126 : i32
    %convert_element_type3A_128 = arith.extui %eq3A_127 : i1 to i32
    %cond3A_129 = arith.constant 0 : i32
    %cond3A_130 = arith.cmpi ne, %convert_element_type3A_128, %cond3A_129 : i32
    scf.if %cond3A_130 {
      %mul3A_131 = arith.constant 10000 : i32
      %mul3A_132 = arith.muli %arg0, %mul3A_131 : i32
      %add3A_133 = arith.constant 9360 : i32
      %add3A_134 = arith.addi %mul3A_132, %add3A_133 : i32
      "tpu.region"() ({
        %run_scoped3A_135 = tpu.sem_alloc : memref<!tpu.dma_semaphore, #tpu.memory_space<semaphore_mem>>
        %dma_start3A_136 = arith.constant 9360 : i32
        %dma_start3A_137 = arith.constant 0 : i32
        %dma_start3A_138 = tpu.memref_slice %arg9[%dma_start3A_136, %dma_start3A_137] : memref<10000x16xf32, #tpu.memory_space<vmem_shared>> -> memref<640x16xf32, #tpu.memory_space<vmem_shared>>
        %dma_start3A_139 = arith.constant 9360 : i32
        %dma_start3A_140 = arith.constant 0 : i32
        %dma_start3A_141 = tpu.memref_slice %arg9[%dma_start3A_139, %dma_start3A_140] : memref<10000x16xf32, #tpu.memory_space<vmem_shared>> -> memref<640x16xf32, #tpu.memory_space<vmem_shared>>
        tpu.enqueue_dma source(%dma_start3A_141 : memref<640x16xf32, #tpu.memory_space<vmem_shared>>) target(%arg18 : memref<640x16xf32, #tpu.memory_space<vmem>>) target_semaphore(%run_scoped3A_135 : memref<!tpu.dma_semaphore, #tpu.memory_space<semaphore_mem>>)
        %dma_wait3A_142 = arith.constant 9360 : i32
        %dma_wait3A_143 = arith.constant 0 : i32
        %dma_wait3A_144 = tpu.memref_slice %arg9[%dma_wait3A_142, %dma_wait3A_143] : memref<10000x16xf32, #tpu.memory_space<vmem_shared>> -> memref<640x16xf32, #tpu.memory_space<vmem_shared>>
        %dma_wait3A_145 = arith.constant 9360 : i32
        %dma_wait3A_146 = arith.constant 0 : i32
        %dma_wait3A_147 = tpu.memref_slice %arg9[%dma_wait3A_145, %dma_wait3A_146] : memref<10000x16xf32, #tpu.memory_space<vmem_shared>> -> memref<640x16xf32, #tpu.memory_space<vmem_shared>>
        tpu.wait_dma2 semaphore(%run_scoped3A_135 : memref<!tpu.dma_semaphore, #tpu.memory_space<semaphore_mem>>) src(%dma_wait3A_147 : memref<640x16xf32, #tpu.memory_space<vmem_shared>>) dst(%arg18 : memref<640x16xf32, #tpu.memory_space<vmem>>)
        tpu.yield
      }) : () -> ()
      "tpu.region"() ({
        %run_scoped3A_135 = tpu.sem_alloc : memref<!tpu.dma_semaphore, #tpu.memory_space<semaphore_mem>>
        %dma_start3A_136 = arith.constant 0 : i32
        %dma_start3A_137 = tpu.memref_slice %arg7[%add3A_134, %dma_start3A_136] : memref<20000x16xf32, #tpu.memory_space<hbm>> -> memref<640x16xf32, #tpu.memory_space<hbm>>
        %dma_start3A_138 = arith.constant 0 : i32
        %dma_start3A_139 = tpu.memref_slice %arg7[%add3A_134, %dma_start3A_138] : memref<20000x16xf32, #tpu.memory_space<hbm>> -> memref<640x16xf32, #tpu.memory_space<hbm>>
        tpu.enqueue_dma source(%arg18 : memref<640x16xf32, #tpu.memory_space<vmem>>) target(%dma_start3A_139 : memref<640x16xf32, #tpu.memory_space<hbm>>) target_semaphore(%run_scoped3A_135 : memref<!tpu.dma_semaphore, #tpu.memory_space<semaphore_mem>>)
        %dma_wait3A_140 = arith.constant 0 : i32
        %dma_wait3A_141 = tpu.memref_slice %arg7[%add3A_134, %dma_wait3A_140] : memref<20000x16xf32, #tpu.memory_space<hbm>> -> memref<640x16xf32, #tpu.memory_space<hbm>>
        %dma_wait3A_142 = arith.constant 0 : i32
        %dma_wait3A_143 = tpu.memref_slice %arg7[%add3A_134, %dma_wait3A_142] : memref<20000x16xf32, #tpu.memory_space<hbm>> -> memref<640x16xf32, #tpu.memory_space<hbm>>
        tpu.wait_dma2 semaphore(%run_scoped3A_135 : memref<!tpu.dma_semaphore, #tpu.memory_space<semaphore_mem>>) src(%arg18 : memref<640x16xf32, #tpu.memory_space<vmem>>) dst(%dma_wait3A_143 : memref<640x16xf32, #tpu.memory_space<hbm>>)
        tpu.yield
      }) : () -> ()
      "tpu.region"() ({
        %run_scoped3A_135 = tpu.sem_alloc : memref<!tpu.dma_semaphore, #tpu.memory_space<semaphore_mem>>
        %dma_start3A_136 = arith.constant 9360 : i32
        %dma_start3A_137 = arith.constant 0 : i32
        %dma_start3A_138 = tpu.memref_slice %arg10[%dma_start3A_136, %dma_start3A_137] : memref<10000x8xf32, #tpu.memory_space<vmem_shared>> -> memref<640x8xf32, #tpu.memory_space<vmem_shared>>
        %dma_start3A_139 = arith.constant 9360 : i32
        %dma_start3A_140 = arith.constant 0 : i32
        %dma_start3A_141 = tpu.memref_slice %arg10[%dma_start3A_139, %dma_start3A_140] : memref<10000x8xf32, #tpu.memory_space<vmem_shared>> -> memref<640x8xf32, #tpu.memory_space<vmem_shared>>
        tpu.enqueue_dma source(%dma_start3A_141 : memref<640x8xf32, #tpu.memory_space<vmem_shared>>) target(%arg19 : memref<640x8xf32, #tpu.memory_space<vmem>>) target_semaphore(%run_scoped3A_135 : memref<!tpu.dma_semaphore, #tpu.memory_space<semaphore_mem>>)
        %dma_wait3A_142 = arith.constant 9360 : i32
        %dma_wait3A_143 = arith.constant 0 : i32
        %dma_wait3A_144 = tpu.memref_slice %arg10[%dma_wait3A_142, %dma_wait3A_143] : memref<10000x8xf32, #tpu.memory_space<vmem_shared>> -> memref<640x8xf32, #tpu.memory_space<vmem_shared>>
        %dma_wait3A_145 = arith.constant 9360 : i32
        %dma_wait3A_146 = arith.constant 0 : i32
        %dma_wait3A_147 = tpu.memref_slice %arg10[%dma_wait3A_145, %dma_wait3A_146] : memref<10000x8xf32, #tpu.memory_space<vmem_shared>> -> memref<640x8xf32, #tpu.memory_space<vmem_shared>>
        tpu.wait_dma2 semaphore(%run_scoped3A_135 : memref<!tpu.dma_semaphore, #tpu.memory_space<semaphore_mem>>) src(%dma_wait3A_147 : memref<640x8xf32, #tpu.memory_space<vmem_shared>>) dst(%arg19 : memref<640x8xf32, #tpu.memory_space<vmem>>)
        tpu.yield
      }) : () -> ()
      "tpu.region"() ({
        %run_scoped3A_135 = tpu.sem_alloc : memref<!tpu.dma_semaphore, #tpu.memory_space<semaphore_mem>>
        %dma_start3A_136 = arith.constant 0 : i32
        %dma_start3A_137 = tpu.memref_slice %arg8[%add3A_134, %dma_start3A_136] : memref<20000x8xf32, #tpu.memory_space<hbm>> -> memref<640x8xf32, #tpu.memory_space<hbm>>
        %dma_start3A_138 = arith.constant 0 : i32
        %dma_start3A_139 = tpu.memref_slice %arg8[%add3A_134, %dma_start3A_138] : memref<20000x8xf32, #tpu.memory_space<hbm>> -> memref<640x8xf32, #tpu.memory_space<hbm>>
        tpu.enqueue_dma source(%arg19 : memref<640x8xf32, #tpu.memory_space<vmem>>) target(%dma_start3A_139 : memref<640x8xf32, #tpu.memory_space<hbm>>) target_semaphore(%run_scoped3A_135 : memref<!tpu.dma_semaphore, #tpu.memory_space<semaphore_mem>>)
        %dma_wait3A_140 = arith.constant 0 : i32
        %dma_wait3A_141 = tpu.memref_slice %arg8[%add3A_134, %dma_wait3A_140] : memref<20000x8xf32, #tpu.memory_space<hbm>> -> memref<640x8xf32, #tpu.memory_space<hbm>>
        %dma_wait3A_142 = arith.constant 0 : i32
        %dma_wait3A_143 = tpu.memref_slice %arg8[%add3A_134, %dma_wait3A_142] : memref<20000x8xf32, #tpu.memory_space<hbm>> -> memref<640x8xf32, #tpu.memory_space<hbm>>
        tpu.wait_dma2 semaphore(%run_scoped3A_135 : memref<!tpu.dma_semaphore, #tpu.memory_space<semaphore_mem>>) src(%arg19 : memref<640x8xf32, #tpu.memory_space<vmem>>) dst(%dma_wait3A_143 : memref<640x8xf32, #tpu.memory_space<hbm>>)
        tpu.yield
      }) : () -> ()
    } else {
    }
    return
  }
}

module attributes {stable_mosaic.version = 14 : i64} {
  func.func @body(%arg0: memref<10000x128xf32, #tpu.memory_space<vmem>>, %arg1: memref<128x16xf32, #tpu.memory_space<vmem>>, %arg2: memref<128x16xf32, #tpu.memory_space<vmem>>, %arg3: memref<10000x16xf32, #tpu.memory_space<vmem>>, %arg4: memref<10000x16xf32, #tpu.memory_space<vmem>>) attributes {dimension_semantics = [], scalar_prefetch = 0 : i64, scratch_operands = 0 : i64, tpu.core_type = #tpu.core_type<tc>} {
    %get3A = arith.constant 0 : index
    %get3A_0 = arith.constant 0 : index
    %get3A_1 = vector.load %arg0[%get3A, %get3A_0] : memref<10000x128xf32, #tpu.memory_space<vmem>>, vector<10000x128xf32>
    %get3A_2 = arith.constant 0 : index
    %get3A_3 = arith.constant 0 : index
    %get3A_4 = vector.load %arg1[%get3A_2, %get3A_3] : memref<128x16xf32, #tpu.memory_space<vmem>>, vector<128x16xf32>
    %dot_general3A = arith.constant dense<0.000000e+00> : vector<10000x16xf32>
    %dot_general3A_5 = tpu.matmul %get3A_1, %get3A_4, %dot_general3A {dimension_numbers = #tpu.dot_dimension_numbers<[1], [0], [0], [1], [0, 0, 1, 1], [], []>, transpose_lhs_hint = false} : vector<10000x128xf32>, vector<128x16xf32>, vector<10000x16xf32> -> vector<10000x16xf32>
    %swap3A = arith.constant 0 : index
    %swap3A_6 = arith.constant 0 : index
    %swap3A_7 = vector.load %arg3[%swap3A, %swap3A_6] : memref<10000x16xf32, #tpu.memory_space<vmem>>, vector<10000x16xf32>
    tpu.vector_store %arg3[%swap3A, %swap3A_6], %dot_general3A_5 {strides = array<i32>} : memref<10000x16xf32, #tpu.memory_space<vmem>>, vector<10000x16xf32>,
    %get3A_8 = arith.constant 0 : index
    %get3A_9 = arith.constant 0 : index
    %get3A_10 = vector.load %arg2[%get3A_8, %get3A_9] : memref<128x16xf32, #tpu.memory_space<vmem>>, vector<128x16xf32>
    %dot_general3A_11 = arith.constant dense<0.000000e+00> : vector<10000x16xf32>
    %dot_general3A_12 = tpu.matmul %get3A_1, %get3A_10, %dot_general3A_11 {dimension_numbers = #tpu.dot_dimension_numbers<[1], [0], [0], [1], [0, 0, 1, 1], [], []>, transpose_lhs_hint = false} : vector<10000x128xf32>, vector<128x16xf32>, vector<10000x16xf32> -> vector<10000x16xf32>
    %swap3A_13 = arith.constant 0 : index
    %swap3A_14 = arith.constant 0 : index
    %swap3A_15 = vector.load %arg4[%swap3A_13, %swap3A_14] : memref<10000x16xf32, #tpu.memory_space<vmem>>, vector<10000x16xf32>
    tpu.vector_store %arg4[%swap3A_13, %swap3A_14], %dot_general3A_12 {strides = array<i32>} : memref<10000x16xf32, #tpu.memory_space<vmem>>, vector<10000x16xf32>,
    return
  }
}

module attributes {stable_mosaic.version = 14 : i64} {
  func.func @body(%arg0: memref<20000x16xf32, #tpu.memory_space<vmem>>, %arg1: memref<20000x8xf32, #tpu.memory_space<vmem>>, %arg2: memref<10000x16xf32, #tpu.memory_space<vmem>>, %arg3: memref<1x16xf32, #tpu.memory_space<vmem>>, %arg4: memref<1x16xf32, #tpu.memory_space<vmem>>, %arg5: memref<1x16xf32, #tpu.memory_space<vmem>>, %arg6: memref<1x1xf32, #tpu.memory_space<vmem>>, %arg7: memref<10000x8xf32, #tpu.memory_space<vmem>>, %arg8: memref<10000x1xf32, #tpu.memory_space<vmem>>, %arg9: memref<10000x1xf32, #tpu.memory_space<vmem>>) attributes {dimension_semantics = [], scalar_prefetch = 0 : i64, scratch_operands = 0 : i64, tpu.core_type = #tpu.core_type<tc>} {
    %get3A = arith.constant 0 : index
    %get3A_0 = arith.constant 0 : index
    %get3A_1 = vector.load %arg0[%get3A, %get3A_0] : memref<20000x16xf32, #tpu.memory_space<vmem>>, vector<10000x16xf32>
    %get3A_2 = arith.constant 10000 : index
    %get3A_3 = arith.constant 0 : index
    %get3A_4 = vector.load %arg0[%get3A_2, %get3A_3] : memref<20000x16xf32, #tpu.memory_space<vmem>>, vector<10000x16xf32>
    %add3A = arith.addf %get3A_1, %get3A_4 : vector<10000x16xf32>
    %get3A_5 = arith.constant 0 : index
    %get3A_6 = arith.constant 0 : index
    %get3A_7 = vector.load %arg1[%get3A_5, %get3A_6] : memref<20000x8xf32, #tpu.memory_space<vmem>>, vector<10000x1xf32>
    %get3A_8 = arith.constant 10000 : index
    %get3A_9 = arith.constant 0 : index
    %get3A_10 = vector.load %arg1[%get3A_8, %get3A_9] : memref<20000x8xf32, #tpu.memory_space<vmem>>, vector<10000x1xf32>
    %add3A_11 = arith.addf %get3A_7, %get3A_10 : vector<10000x1xf32>
    %max3A = arith.constant 1.000000e+00 : f32
    %max3A_12 = vector.broadcast %max3A : f32 to vector<10000x1xf32>
    %max3A_13 = arith.maximumf %add3A_11, %max3A_12 : vector<10000x1xf32>
    %div3A = arith.constant 1.000000e+00 : f32
    %div3A_14 = vector.broadcast %div3A : f32 to vector<10000x1xf32>
    %div3A_15 = arith.divf %div3A_14, %max3A_13 : vector<10000x1xf32>
    %mul3A = vector.broadcast %div3A_15 : vector<10000x1xf32> to vector<10000x16xf32>
    %mul3A_16 = arith.mulf %add3A, %mul3A : vector<10000x16xf32>
    %get3A_17 = arith.constant 0 : index
    %get3A_18 = arith.constant 0 : index
    %get3A_19 = vector.load %arg3[%get3A_17, %get3A_18] : memref<1x16xf32, #tpu.memory_space<vmem>>, vector<1x16xf32>
    %add3A_20 = vector.broadcast %get3A_19 : vector<1x16xf32> to vector<10000x16xf32>
    %add3A_21 = arith.addf %mul3A_16, %add3A_20 : vector<10000x16xf32>
    %get3A_22 = arith.constant 0 : index
    %get3A_23 = arith.constant 0 : index
    %get3A_24 = vector.load %arg2[%get3A_22, %get3A_23] : memref<10000x16xf32, #tpu.memory_space<vmem>>, vector<10000x16xf32>
    %add3A_25 = arith.addf %add3A_21, %get3A_24 : vector<10000x16xf32>
    %max3A_26 = arith.constant 0.000000e+00 : f32
    %max3A_27 = vector.broadcast %max3A_26 : f32 to vector<10000x16xf32>
    %max3A_28 = arith.maximumf %add3A_25, %max3A_27 : vector<10000x16xf32>
    %get3A_29 = arith.constant 0 : index
    %get3A_30 = arith.constant 0 : index
    %get3A_31 = vector.load %arg4[%get3A_29, %get3A_30] : memref<1x16xf32, #tpu.memory_space<vmem>>, vector<1x16xf32>
    %mul3A_32 = vector.broadcast %get3A_31 : vector<1x16xf32> to vector<10000x16xf32>
    %mul3A_33 = arith.mulf %max3A_28, %mul3A_32 : vector<10000x16xf32>
    %reduce_sum3A = arith.constant dense<0.000000e+00> : vector<10000xf32>
    %reduce_sum3A_34 = vector.multi_reduction <add>, %mul3A_33, %reduce_sum3A [1] : vector<10000x16xf32> to vector<10000xf32>
    %broadcast_in_dim3A = vector.shape_cast %reduce_sum3A_34 : vector<10000xf32> to vector<10000x1xf32>
    %broadcast_in_dim3A_35 = vector.shape_cast %broadcast_in_dim3A : vector<10000x1xf32> to vector<10000x1xf32>
    %broadcast_in_dim3A_36 = vector.broadcast %broadcast_in_dim3A_35 : vector<10000x1xf32> to vector<10000x8xf32>
    %swap3A = arith.constant 0 : index
    %swap3A_37 = arith.constant 0 : index
    %swap3A_38 = vector.load %arg7[%swap3A, %swap3A_37] : memref<10000x8xf32, #tpu.memory_space<vmem>>, vector<10000x8xf32>
    tpu.vector_store %arg7[%swap3A, %swap3A_37], %broadcast_in_dim3A_36 {strides = array<i32>} : memref<10000x8xf32, #tpu.memory_space<vmem>>, vector<10000x8xf32>,
    %get3A_39 = arith.constant 0 : index
    %get3A_40 = arith.constant 0 : index
    %get3A_41 = vector.load %arg5[%get3A_39, %get3A_40] : memref<1x16xf32, #tpu.memory_space<vmem>>, vector<1x16xf32>
    %mul3A_42 = vector.broadcast %get3A_41 : vector<1x16xf32> to vector<10000x16xf32>
    %mul3A_43 = arith.mulf %max3A_28, %mul3A_42 : vector<10000x16xf32>
    %reduce_sum3A_44 = arith.constant dense<0.000000e+00> : vector<10000xf32>
    %reduce_sum3A_45 = vector.multi_reduction <add>, %mul3A_43, %reduce_sum3A_44 [1] : vector<10000x16xf32> to vector<10000xf32>
    %broadcast_in_dim3A_46 = vector.shape_cast %reduce_sum3A_45 : vector<10000xf32> to vector<10000x1xf32>
    %get3A_47 = arith.constant 0 : index
    %get3A_48 = arith.constant 0 : index
    %get3A_49 = vector.load %arg6[%get3A_47, %get3A_48] : memref<1x1xf32, #tpu.memory_space<vmem>>, vector<1x1xf32>
    %add3A_50 = vector.broadcast %get3A_49 : vector<1x1xf32> to vector<10000x1xf32>
    %add3A_51 = arith.addf %broadcast_in_dim3A_46, %add3A_50 : vector<10000x1xf32>
    %swap3A_52 = arith.constant 0 : index
    %swap3A_53 = arith.constant 0 : index
    %swap3A_54 = vector.load %arg8[%swap3A_52, %swap3A_53] : memref<10000x1xf32, #tpu.memory_space<vmem>>, vector<10000x1xf32>
    tpu.vector_store %arg8[%swap3A_52, %swap3A_53], %add3A_51 {strides = array<i32>} : memref<10000x1xf32, #tpu.memory_space<vmem>>, vector<10000x1xf32>,
    %swap3A_55 = arith.constant 0 : index
    %swap3A_56 = arith.constant 0 : index
    %swap3A_57 = vector.load %arg9[%swap3A_55, %swap3A_56] : memref<10000x1xf32, #tpu.memory_space<vmem>>, vector<10000x1xf32>
    tpu.vector_store %arg9[%swap3A_55, %swap3A_56], %div3A_15 {strides = array<i32>} : memref<10000x1xf32, #tpu.memory_space<vmem>>, vector<10000x1xf32>,
    return
  }
}

module attributes {stable_mosaic.version = 14 : i64} {
  func.func @body(%arg0: memref<20000x8xf32, #tpu.memory_space<vmem>>, %arg1: memref<10000x1xf32, #tpu.memory_space<vmem>>, %arg2: memref<10000x1xf32, #tpu.memory_space<vmem>>, %arg3: memref<10000x1xf32, #tpu.memory_space<vmem>>) attributes {dimension_semantics = [], scalar_prefetch = 0 : i64, scratch_operands = 0 : i64, tpu.core_type = #tpu.core_type<tc>} {
    %get3A = arith.constant 0 : index
    %get3A_0 = arith.constant 0 : index
    %get3A_1 = vector.load %arg0[%get3A, %get3A_0] : memref<20000x8xf32, #tpu.memory_space<vmem>>, vector<10000x1xf32>
    %get3A_2 = arith.constant 10000 : index
    %get3A_3 = arith.constant 0 : index
    %get3A_4 = vector.load %arg0[%get3A_2, %get3A_3] : memref<20000x8xf32, #tpu.memory_space<vmem>>, vector<10000x1xf32>
    %add3A = arith.addf %get3A_1, %get3A_4 : vector<10000x1xf32>
    %get3A_5 = arith.constant 0 : index
    %get3A_6 = arith.constant 0 : index
    %get3A_7 = vector.load %arg1[%get3A_5, %get3A_6] : memref<10000x1xf32, #tpu.memory_space<vmem>>, vector<10000x1xf32>
    %mul3A = arith.mulf %add3A, %get3A_7 : vector<10000x1xf32>
    %get3A_8 = arith.constant 0 : index
    %get3A_9 = arith.constant 0 : index
    %get3A_10 = vector.load %arg2[%get3A_8, %get3A_9] : memref<10000x1xf32, #tpu.memory_space<vmem>>, vector<10000x1xf32>
    %add3A_11 = arith.addf %mul3A, %get3A_10 : vector<10000x1xf32>
    %swap3A = arith.constant 0 : index
    %swap3A_12 = arith.constant 0 : index
    %swap3A_13 = vector.load %arg3[%swap3A, %swap3A_12] : memref<10000x1xf32, #tpu.memory_space<vmem>>, vector<10000x1xf32>
    tpu.vector_store %arg3[%swap3A, %swap3A_12], %add3A_11 {strides = array<i32>} : memref<10000x1xf32, #tpu.memory_space<vmem>>, vector<10000x1xf32>,
    return
  }
}

</mosaic_0001>

<sc_bundles>
// kernel: kernel.10.cloned.1.call-start
scs
__scs_entry_jumppad:
0x0: {  	(pc) =	sbr.rel $0x88, $3  }
0x1: {  	(tag) =	ssettag $0x0;
	lr =	simm.s32 $0x1  }
0x2: {  	[smem:$0x3F99] =	sst lr;
	_ =	strace $0xD0000000  }
0x3: {  	_ = 	snop  }
0x4: {  	_ = 	snop  }
0x5: {  	_ = 	snop  }
0x6: {  	_ = 	snop  }
0x7: {  	_ = 	snop  }
__scs_overlays_trampoline_lowered:
0x8: {  	[smem:$0x3FA8] =	sst s0  }
0x9: {  	[smem:$0x3FA9] =	sst s1  }
0xa: {  	[smem:$0x3FAA] =	sst s2  }
0xb: {  	[smem:$0x3FAB] =	sst s3  }
0xc: {  	[smem:$0x3FAC] =	sst s4  }
0xd: {  	[smem:$0x3FAD] =	sst s5  }
0xe: {  	[smem:$0x3FAE] =	sst s6  }
0xf: {  	[smem:$0x3FAF] =	sst s7  }
0x10: {  	[smem:$0x3FB0] =	sst s8  }
0x11: {  	[smem:$0x3FB1] =	sst s9;
	s0 =	simm.s32 @!p0 $0x0  }
0x12: {  	s1 =	sld [smem:$0x3F97];
	s0 =	simm.s32 @p0 $0x1  }
0x13: {  	[smem:$0x3FB2] =	sst s0;
	s0 =	simm.s32 @!p1 $0x0  }
0x14: {  	s2 =	sld [smem:$0x3F96];
	s0 =	simm.s32 @p1 $0x1  }
0x15: {  	[smem:$0x3FB3] =	sst s0;
	s0 =	simm.s32 @!p2 $0x0  }
0x16: {  	s3 =	sld [smem:$0x3FDB];
	s0 =	simm.s32 @p2 $0x1  }
0x17: {  	s4 =	simm.s32 $0x1BF5;
	[smem:$0x3FB5] =	sst s0  }
0x18: {  	s0 =	sld [smem:$0x3F98];
	_ =	swait.ge [sflag:s4], $0x0  }
0x19: {  	s7 =	sld [smem:$0x3F99]  }
0x1a: {  	s8 =	sadd.s32 $0xFFFFE003, lr  }
0x1b: {  	s9 =	sadd.s32 $0xFFFFFEF7, lr;
	s5 =	simm.s32 $0xFFFFFFFF;
	p2 =	slt.u32 s8, $0xFFFFF086  }
0x1c: {  	p1 =	slt.u32 s9, $0xF7A;
	s5 =	simm.s32 @!p2 $0x0  }
0x1d: {  	s5 =	simm.s32 @p1 $0x1;
	p0 =	seq.s32 s7, s2  }
0x1e: {  	s7 =	smul.u32 @!p0 $0xF7A, s2;
	p2 =	seq.s32 @!p0 s5, $0x0  }
0x1f: {  	s9 =	smul.u32 $0xF7A, s1;
	s8 =	simm.s32 @!p0 $0x1BF5;
	p2 =	por !p2, p0  }
0x20: {  	[sflag:s8] =	ssyncset.s32 @!p0 $0xFFFFF086;
	s6 =	sadd.s32 @!p0 s3, s7;
	s7 =	simm.s32 @!p0 $0x108  }
0x21: {  	s3 =	sadd.s32 s3, s9;
	s6 =	sadd.s32 @!p0 $0x88, s6;
	s7 =	simm.s32 @p2 $0x1082  }
0x22: {  	[simem:s7], [sflag:s8] =	dma.local @!p0 [hbm:s6], $0xF7A  }
0x23: {  	s9 =	sor.u32 $0xD0000000, s2;
	s6 =	simm.s32 $0x108;
	_ =	swait.ge @!p0 [sflag:s8], $0x0  }
0x24: {  	s3 =	sadd.s32 $0x88, s3;
	s6 =	simm.s32 @!p1 $0x1082;
	[sflag:s4] =	ssyncset.s32 $0xFFFFF086  }
0x25: {  	[simem:s6], [sflag:s4] =	dma.local [hbm:s3], $0xF7A  }
0x26: {  	[smem:$0x3F99] =	sst s1;
	(tag) =	ssettag s2;
	_ =	strace s9  }
0x27: {  	s1 =	sld [smem:$0x3FA9]  }
0x28: {  	s2 =	sld [smem:$0x3FAA]  }
0x29: {  	s4 =	sld [smem:$0x3FAC]  }
0x2a: {  	p0 =	seq.s32 s5, $0x0;
	s5 =	sld [smem:$0x3FAD]  }
0x2b: {  	s6 =	sld [smem:$0x3FAE]  }
0x2c: {  	s7 =	sld [smem:$0x3FAF]  }
0x2d: {  	s3 =	simm.s32 $0x108;
	s8 =	sld [smem:$0x3FB0]  }
0x2e: {  	s3 =	simm.s32 @!p0 $0x1082;
	s9 =	sld [smem:$0x3FB1]  }
0x2f: {  	lr =	sadd.s32 s0, s3;
	s0 =	sld [smem:$0x3FA8]  }
0x30: {  	s3 =	sld [smem:$0x3FAB]  }
0x31: {  	[smem:$0x3FB4] =	sst s10  }
0x32: {  	s10 =	sld [smem:$0x3FB2];
	_ =	sdelay $0x3  }
0x33: {  	p0 =	seq.s32 s10, $0x1;
	s10 =	sld [smem:$0x3FB4];
	_ =	sdelay $0x3  }
0x34: {  	[smem:$0x3FB4] =	sst s10  }
0x35: {  	s10 =	sld [smem:$0x3FB3];
	_ =	sdelay $0x3  }
0x36: {  	p1 =	seq.s32 s10, $0x1;
	s10 =	sld [smem:$0x3FB4];
	_ =	sdelay $0x3  }
0x37: {  	[smem:$0x3FB4] =	sst s10  }
0x38: {  	s10 =	sld [smem:$0x3FB5]  }
0x39: {  	_ = 	snop;
	(pc) =	sbr.ind lr, $3  }
0x3a: {  	_ = 	snop  }
0x3b: {  	_ = 	snop  }
0x3c: {  	p2 =	seq.s32 s10, $0x1;
	s10 =	sld [smem:$0x3FB4]  }
0x3d: {  	_ =	shalt  }
0x3e: {  	_ =	shalt  }
0x3f: {  	_ =	shalt  }
0x40: {  	_ =	shalt  }
0x41: {  	_ =	shalt  }
0x42: {  	_ =	shalt  }
0x43: {  	_ =	shalt  }
0x44: {  	_ =	shalt  }
0x45: {  	_ =	shalt  }
0x46: {  	_ =	shalt  }
0x47: {  	_ =	shalt  }
0x48: {  	_ =	shalt  }
0x49: {  	_ =	shalt  }
0x4a: {  	_ =	shalt  }
0x4b: {  	_ =	shalt  }
0x4c: {  	_ =	shalt  }
0x4d: {  	_ =	shalt  }
0x4e: {  	_ =	shalt  }
0x4f: {  	_ =	shalt  }
0x50: {  	_ =	shalt  }
0x51: {  	_ =	shalt  }
0x52: {  	_ =	shalt  }
0x53: {  	_ =	shalt  }
0x54: {  	_ =	shalt  }
0x55: {  	_ =	shalt  }
0x56: {  	_ =	shalt  }
0x57: {  	_ =	shalt  }
0x58: {  	_ =	shalt  }
0x59: {  	_ =	shalt  }
0x5a: {  	_ =	shalt  }
0x5b: {  	_ =	shalt  }
0x5c: {  	_ =	shalt  }
0x5d: {  	_ =	shalt  }
0x5e: {  	_ =	shalt  }
0x5f: {  	_ =	shalt  }
0x60: {  	_ =	shalt  }
0x61: {  	_ =	shalt  }
0x62: {  	_ =	shalt  }
0x63: {  	_ =	shalt  }
0x64: {  	_ =	shalt  }
0x65: {  	_ =	shalt  }
0x66: {  	_ =	shalt  }
0x67: {  	_ =	shalt  }
0x68: {  	_ =	shalt  }
0x69: {  	_ =	shalt  }
0x6a: {  	_ =	shalt  }
0x6b: {  	_ =	shalt  }
0x6c: {  	_ =	shalt  }
0x6d: {  	_ =	shalt  }
0x6e: {  	_ =	shalt  }
0x6f: {  	_ =	shalt  }
0x70: {  	_ =	shalt  }
0x71: {  	_ =	shalt  }
0x72: {  	_ =	shalt  }
0x73: {  	_ =	shalt  }
0x74: {  	_ =	shalt  }
0x75: {  	_ =	shalt  }
0x76: {  	_ =	shalt  }
0x77: {  	_ =	shalt  }
0x78: {  	_ =	shalt  }
0x79: {  	_ =	shalt  }
0x7a: {  	_ =	shalt  }
0x7b: {  	_ =	shalt  }
0x7c: {  	_ =	shalt  }
0x7d: {  	_ =	shalt  }
0x7e: {  	_ =	shalt  }
0x7f: {  	_ =	shalt  }
0x80: {  	_ =	shalt  }
0x81: {  	_ =	shalt  }
0x82: {  	_ =	shalt  }
0x83: {  	_ =	shalt  }
0x84: {  	_ =	shalt  }
0x85: {  	_ =	shalt  }
0x86: {  	_ =	shalt  }
0x87: {  	_ =	shalt  }
.Lfunc_end0:
.L_simem_size_0:
called_computation.1_lowered:
.L_overlay_start_0:
0x88: {  	s2 =	sld [smem:$0x3FD9]  }
0x89: {  	s3 =	sld [smem:$0x3FFE];
	_ =	sdelay $0x1  }
0x8a: {  	s1 =	srdreg.scid  }
0x8b: {  	s0 =	sand.u32 $0x1, s1  }
0x8c: {  	s17 =	sshll.u32 s0, $0xA;
	s2 =	sadd.s32 s3, s2  }
0x8d: {  	s2 =	sadd.s32 s2, s17  }
0x8e: {  	[smem:$0x3FC0] =	sst s2  }
0x8f: {  	_ = 	snop  }
0x90: {  	s2 =	sld [smem:$0x3FD0];
	(tm) =	ssettm $0x1  }
0x91: {  	s18 =	sld [smem:$0x3FFB];
	_ =	sdelay $0x3  }
0x92: {  	_ =	strace s18  }
0x93: {  	s3 =	sld [smem:$0x3FFC];
	_ =	sdelay $0x3  }
0x94: {  	_ =	strace s3  }
0x95: {  	s3 =	sld [smem:$0x3FFD];
	_ =	sdelay $0x3  }
0x96: {  	_ =	strace s3  }
0x97: {  	_ =	strace $0x8FFFFFFF  }
0x98: {  	s19 =	sld [smem:$0x3FDB];
	_ =	sdelay $0x1  }
0x99: {  	s4 =	simm.s32 $_scs_section_size  }
0x9a: {  	s5 =	simm.s32 $_size__tile_overlayer_lowered;
	s6 =	simm.s32 $_tile_overlayer_lowered  }
0x9b: {  	s22 =	simm.s32 $0x1BFF;
	s21 =	sshll.u32 s6, $0x1;
	s3 =	sadd.s32 s4, s19  }
0x9c: {  	s7 =	simm.s32 $0x0;
	s20 =	sshll.u32 s5, $0x1;
	s5 =	sadd.s32 s21, s3  }
0x9d: {  	[timem:s7], [sflag:s22] =	dma.local [hbm:s5], s20  }
0x9e: {  	_ =	swait.ge [sflag:s22], s20  }
0x9f: {  	s4 =	ssub.s32 $0x0, s20;
	[sflag:s22] =	ssyncset.done $0x0  }
0xa0: {  	[sflag:s22] =	ssyncadd.s32 s4;
	_ =	sdelay $0x1  }
0xa1: {  	s23 =	simm.s32 $0x1B8B  }
0xa2: {  	_ =	swait.ge [sflag:s23], $0x1  }
0xa3: {  	[sflag:s23] =	ssyncset.done $0x0  }
0xa4: {  	s25 =	simm.s32 $0x1B8E;
	s24 =	sld [smem:$0x3FFE];
	[sflag:s23] =	ssyncadd.s32 $0xFFFFFFFF  }
0xa5: {  	s26 =	simm.s32 $execute0_lowered;
	[smem:$0x3FD2] =	sst s25  }
0xa6: {  	s5 =	sshll.u32 s26, $0x1;
	_ =	strace $0x80000049;
	[dreg:$0x1] =	wrdreg $0xFFFFFFFF  }
0xa7: {  	s28 =	simm.s32 $_size_execute0_lowered;
	s3 =	sadd.s32 s3, s5;
	[dreg:$0x0] =	wrdreg $0x0  }
0xa8: {  	s5 =	sshll.u32 s28, $0x1;
	[dreg:$0x2] =	wrdreg s3  }
0xa9: {  	[dreg:$0x3] =	wrdreg s5  }
0xaa: {  	[dreg:$0x4] =	wrdreg $0xC0  }
0xab: {  	_ =	task [dreg:s7], $0x5FFFF  }
0xac: {  	[dreg:$0x1] =	wrdreg $0xFFFFFFFF  }
0xad: {  	[dreg:$0x0] =	wrdreg $0x60  }
0xae: {  	[dreg:$0x2] =	wrdreg s24  }
0xaf: {  	[dreg:$0x3] =	wrdreg s2  }
0xb0: {  	[dreg:$0x4] =	wrdreg $0x0  }
0xb1: {  	[dreg:$0x5] =	wrdreg $0x9  }
0xb2: {  	_ =	task.clear_ibuf [dreg:s7], $0x6FFFF;
	_ =	strace $0x90000049  }
0xb3: {  	s29 =	simm.s32 $0x9;
	_ =	strace $0x8000004B  }
0xb4: {  	_ =	swait.ge [sflag:s29], $0x1  }
0xb5: {  	[sflag:s29] =	ssyncadd.s32 $0xFFFFFFFF  }
0xb6: {  	_ =	strace $0x9000004B  }
0xb7: {  	_ =	sfence  }
0xb8: {  	s30 =	sld [smem:$0x0];
	_ =	sdelay $0x2  }
0xb9: {  	s31 =	sshll.u32 s1, $0xD;
	s1 =	sshrl.u32 s1, $0x2  }
0xba: {  	s3 =	sand.u32 $0x4000, s31;
	s1 =	sadd.s32 s1, s30  }
0xbb: {  	s0 =	sor.u32 s3, s0;
	s1 =	sshll.u32 s1, $0x11  }
0xbc: {  	s0 =	sor.u32 s1, s0  }
0xbd: {  	s0 =	sadd.s32 $0x8F2B, s0  }
0xbe: {  	[sflag:s0] =	ssyncadd.remote.s32 $0x1  }
0xbf: {  	_ =	sfence.sel $0xFFFF  }
0xc0: {  	[dreg:$0x0] =	wrdreg $0xFFFFFFFF;
	(pc) =	sbr.abs _section_cstart, $3  }
0xc1: {  	[dreg:$0x1] =	wrdreg $0xFFFFFFFF  }
0xc2: {  	_ =	task.clear_ibuf [dreg:s7], $0x2FFFF;
	_ =	strace $0x9FFFFFFF  }
0xc3: {  	(tm) =	ssettm $0x7FFFFFFF  }
tec
execute0_lowered:
.L_overlay_start_1:
0x0: {  	(tag) =	ssettag $0x1  }
0x1: {  	s0 =	rddreg [dreg:$0x0]  }
0x2: {  	s1 =	srdreg.scid;
	s30 =	rddreg [dreg:$0x1]  }
0x3: {  	s18 =	stileid.u32;
	s2 =	rddreg [dreg:$0x2]  }
0x4: {  	s5 =	simm.s32 $0x0;
	s13 =	simm.s32 $0x1388;
	s12 =	simm.s32 $0x2328  }
0x5: {  	s16 =	simm.s32 $0x1;
	s14 =	simm.s32 $0x3;
	p1 =	por $0x0, $0x0  }
0x6: {  	s1 =	sand.u32 $0x1, s1;
	s3 =	sshll.u32 s18, $0x1;
	s9 =	smul.u32 $0x4E00, s18  }
0x7: {  	[smem:$0x7FF] =	sst s5;
	s4 =	sadd.s32 $0x15400, s0;
	s25 =	smul.u32 $0x270, s18  }
0x8: {  	s31 =	sadd.s32 $0x12480, s2;
	p0 =	seq.s32 s18, $0xF;
	s24 =	smul.u32 $0x13880, s1  }
0x9: {  	s3 =	sor.u32 s1, s3;
	s17 =	ssub.s32 $0x2, s1;
	s1 =	smul.u32 $0x2710, s1  }
0xa: {  	_ =	strace $0x8000004A;
	s15 =	simm.s32 @p0 $0x0;
	s3 =	smul.u32 $0x2710, s3  }
0xb: {  	s11 =	simm.s32 @p0 $0x4;
	s6 =	sshrl.u32 s17, $0x1;
	s21 =	sshrl.u32 s9, $0x2  }
0xc: {  	s10 =	ssub.s32 s17, s6;
	s6 =	sadd.s32 s21, s2;
	s3 =	sshrl.u32 s3, $0x3  }
0xd: {  	s21 =	simm.s32 $0x7148;
	s29 =	smax.u32 s10, $0x1;
	s7 =	sadd.s32 s3, s0  }
0xe: {  	s10 =	simm.s32 $0x7D0;
	s0 =	sadd.s32 $0x17C00, s0;
	s8 =	sadd.s32 $0x1A00, s7  }
0xf: {  	s19 =	sadd.s32 $0xB640, s7;
	[dreg:$0x4] =	wrdreg s8;
	s8 =	sshrl.u32 s24, $0x3  }
0x10: {  	s20 =	sadd.s32 $0x1AFA, s7;
	s9 =	sadd.s32 s0, s25;
	s0 =	sadd.s32 s0, s8  }
0x11: {  	s22 =	sadd.s32 $0xB73A, s7;
	s3 =	sadd.s32 $0x2490, s0;
	s0 =	sadd.s32 $0xFFFFFFFF, s29  }
0x12: {  	s23 =	sadd.s32 $0x1BF4, s7;
	[dreg:$0x5] =	wrdreg s19;
	p2 =	sne.s32 s0, $0x0  }
.Ltmp0:
0x13: {  	s17 =	sadd.s32 $0xB834, s7;
	[dreg:$0x6] =	wrdreg s20;
	(pc) =	sbr.rel @!p2 .LBB2_1-.Ltmp0, $4  }
0x14: {  	s28 =	sadd.s32 $0x1CEE, s7;
	s26 =	sadd.s32 $0xB92E, s7;
	[dreg:$0x7] =	wrdreg s22  }
0x15: {  	s25 =	simm.s32 $0x61A8;
	[dreg:$0x8] =	wrdreg s23;
	s23 =	sadd.s32 $0x1DE8, s7  }
0x16: {  	s22 =	sadd.s32 $0xBA28, s7;
	s19 =	simm.s32 $0x4;
	s20 =	simm.s32 $0x6978  }
0x17: {  	s24 =	simm.s32 $0x2;
	s8 =	sadd.s32 s1, s9;
	s9 =	simm.s32 $0x1B58  }
0x18: {  	s29 =	simm.s32 @p0 $0xAFC8  }
0x19: {  	[tilespmem:s29], [sflag:$0x4] =	stream.linear.gather @p0 [hbm4b:s30+s15], $0x1400, $0x38;
	[tilespmem:$0xC3C8] =	vst v63  }
0x1a: {  	_ =	swait.ge @p0 [sflag:s11], $0x1400  }
0x1b: {  	[sflag:s11] =	ssyncset.done @p0 $0x0  }
0x1c: {  	[sflag:s11] =	ssyncadd.s32 @p0 $0xFFFFEC00  }
0x1d: {  	[spmem:s31] =	stream.linear.scatter @p0 [tilespmem:s29], [sflag:$0x4], $0x1400, $0x38;
	[tilespmem:$0xC3C8] =	vst v63  }
0x1e: {  	_ =	swait.ge @p0 [sflag:s11], $0x1400  }
0x1f: {  	s7 =	smov.u32 s30;
	s18 =	simm.s32 @!p0 $0x0;
	[sflag:s11] =	ssyncset.done @p0 $0x0  }
0x20: {  	s1 =	simm.s32 @!p0 $0xAFC8;
	s30 =	simm.s32 @!p0 $0x4;
	[sflag:s11] =	ssyncadd.s32 @p0 $0xFFFFEC00  }
0x21: {  	[tilespmem:s1], [sflag:$0x4] =	stream.linear.gather @!p0 [hbm4b:s7+s18], $0x1380, $0x38;
	[tilespmem:$0xC3C8] =	vst v63  }
0x22: {  	_ =	swait.ge @!p0 [sflag:s30], $0x1380  }
0x23: {  	[sflag:s30] =	ssyncset.done @!p0 $0x0  }
0x24: {  	[sflag:s30] =	ssyncadd.s32 @!p0 $0xFFFFEC80  }
0x25: {  	[spmem:s6] =	stream.linear.scatter @!p0 [tilespmem:s1], [sflag:$0x4], $0x1380, $0x38;
	[tilespmem:$0xC3C8] =	vst v63  }
0x26: {  	_ =	swait.ge @!p0 [sflag:s30], $0x1380  }
0x27: {  	[sflag:s30] =	ssyncset.done @!p0 $0x0  }
0x28: {  	[sflag:s30] =	ssyncadd.s32 @!p0 $0xFFFFEC80  }
0x29: {  	[bflag:$0x0] =	sbarrier.arrive $0xFFFF  }
0x2a: {  	s7 =	rddreg [dreg:$0x4]  }
0x2b: {  	[tilespmem:s13], [sflag:$0x4] =	stream.linear.gather [hbm4b:s7+s5], $0x7D0, $0x38;
	[tilespmem:$0xC3C8] =	vst v63  }
0x2c: {  	_ =	swait.ge [sflag:s19], $0x7D0  }
0x2d: {  	[sflag:s19] =	ssyncset.done $0x0  }
0x2e: {  	s7 =	rddreg [dreg:$0x5];
	[sflag:s19] =	ssyncadd.s32 $0xFFFFF830  }
0x2f: {  	[tilespmem:s9], [sflag:$0x4] =	stream.linear.gather [hbm4b:s7+s5], $0x7D0, $0x38;
	[tilespmem:$0xC3C8] =	vst v63  }
0x30: {  	_ =	swait.ge [sflag:s19], $0x7D0  }
0x31: {  	[sflag:s19] =	ssyncset.done $0x0  }
0x32: {  	[sflag:s19] =	ssyncadd.s32 $0xFFFFF830  }
0x33: {  	[tilespmem:s12], [sflag:$0x1] =	stream.indirect.gather [hbm4b:s4+s10], $0x8, s13, s10, $0xb8;
	[tilespmem:$0xC3C8] =	vst v63  }
0x34: {  	s7 =	rddreg [dreg:$0x6]  }
0x35: {  	[tilespmem:s25], [sflag:$0x4] =	stream.linear.gather [hbm4b:s7+s5], $0x7D0, $0x38;
	[tilespmem:$0xC3C8] =	vst v63  }
0x36: {  	_ =	swait.ge [sflag:s19], $0x7D0  }
0x37: {  	[sflag:s19] =	ssyncset.done $0x0  }
0x38: {  	s7 =	rddreg [dreg:$0x7];
	[sflag:s19] =	ssyncadd.s32 $0xFFFFF830  }
0x39: {  	[tilespmem:s20], [sflag:$0x4] =	stream.linear.gather [hbm4b:s7+s5], $0x7D0, $0x38;
	[tilespmem:$0xC3C8] =	vst v63  }
0x3a: {  	_ =	swait.ge [sflag:s19], $0x7D0  }
0x3b: {  	[sflag:s19] =	ssyncset.done $0x0  }
0x3c: {  	[sflag:s19] =	ssyncadd.s32 $0xFFFFF830  }
0x3d: {  	_ =	swait.ge [sflag:s16], $0x3E80  }
0x3e: {  	[sflag:s16] =	ssyncset.done $0x0  }
0x3f: {  	[sflag:s16] =	ssyncadd.s32 $0xFFFFC180  }
0x40: {  	[spmem:s2] =	stream.indirect.scatter.add.f32 [tilespmem:s12], [sflag:$0x3], $0x8, s9, s10, $0xb8;
	[tilespmem:$0xC3C8] =	vst v63  }
0x41: {  	_ = 	snop  }
0x42: {  	[tilespmem:s21], [sflag:$0x2] =	stream.indirect.gather [hbm4b:s4+s10], $0x8, s25, s10, $0xb8;
	[tilespmem:$0xC3C8] =	vst v63  }
0x43: {  	_ =	swait.ge [sflag:s14], $0x3E80  }
0x44: {  	[sflag:s14] =	ssyncset.done $0x0  }
0x45: {  	s7 =	rddreg [dreg:$0x8];
	[sflag:s14] =	ssyncadd.s32 $0xFFFFC180  }
0x46: {  	[tilespmem:s13], [sflag:$0x4] =	stream.linear.gather [hbm4b:s7+s5], $0x7D0, $0x38;
	[tilespmem:$0xC3C8] =	vst v63  }
0x47: {  	_ =	swait.ge [sflag:s19], $0x7D0  }
0x48: {  	[sflag:s19] =	ssyncset.done $0x0  }
0x49: {  	[sflag:s19] =	ssyncadd.s32 $0xFFFFF830  }
0x4a: {  	[tilespmem:s9], [sflag:$0x4] =	stream.linear.gather [hbm4b:s17+s5], $0x7D0, $0x38;
	[tilespmem:$0xC3C8] =	vst v63  }
0x4b: {  	_ =	swait.ge [sflag:s19], $0x7D0  }
0x4c: {  	[sflag:s19] =	ssyncset.done $0x0  }
0x4d: {  	[sflag:s19] =	ssyncadd.s32 $0xFFFFF830  }
0x4e: {  	_ =	swait.ge [sflag:s24], $0x3E80  }
0x4f: {  	[sflag:s24] =	ssyncset.done $0x0  }
0x50: {  	[sflag:s24] =	ssyncadd.s32 $0xFFFFC180  }
0x51: {  	[spmem:s2] =	stream.indirect.scatter.add.f32 [tilespmem:s21], [sflag:$0x3], $0x8, s20, s10, $0xb8;
	[tilespmem:$0xC3C8] =	vst v63  }
0x52: {  	_ = 	snop  }
0x53: {  	[tilespmem:s12], [sflag:$0x1] =	stream.indirect.gather [hbm4b:s4+s10], $0x8, s13, s10, $0xb8;
	[tilespmem:$0xC3C8] =	vst v63  }
0x54: {  	_ =	swait.ge [sflag:s14], $0x3E80  }
0x55: {  	[sflag:s14] =	ssyncset.done $0x0  }
0x56: {  	[sflag:s14] =	ssyncadd.s32 $0xFFFFC180  }
0x57: {  	[tilespmem:s25], [sflag:$0x4] =	stream.linear.gather [hbm4b:s28+s5], $0x7D0, $0x38;
	[tilespmem:$0xC3C8] =	vst v63  }
0x58: {  	_ =	swait.ge [sflag:s19], $0x7D0  }
0x59: {  	[sflag:s19] =	ssyncset.done $0x0  }
0x5a: {  	[sflag:s19] =	ssyncadd.s32 $0xFFFFF830  }
0x5b: {  	[tilespmem:s20], [sflag:$0x4] =	stream.linear.gather [hbm4b:s26+s5], $0x7D0, $0x38;
	[tilespmem:$0xC3C8] =	vst v63  }
0x5c: {  	_ =	swait.ge [sflag:s19], $0x7D0  }
0x5d: {  	[sflag:s19] =	ssyncset.done $0x0  }
0x5e: {  	[sflag:s19] =	ssyncadd.s32 $0xFFFFF830  }
0x5f: {  	_ =	swait.ge [sflag:s16], $0x3E80  }
0x60: {  	[sflag:s16] =	ssyncset.done $0x0  }
0x61: {  	[sflag:s16] =	ssyncadd.s32 $0xFFFFC180  }
0x62: {  	[spmem:s2] =	stream.indirect.scatter.add.f32 [tilespmem:s12], [sflag:$0x3], $0x8, s9, s10, $0xb8;
	[tilespmem:$0xC3C8] =	vst v63  }
0x63: {  	_ = 	snop  }
0x64: {  	[tilespmem:s21], [sflag:$0x2] =	stream.indirect.gather [hbm4b:s4+s10], $0x8, s25, s10, $0xb8;
	[tilespmem:$0xC3C8] =	vst v63  }
0x65: {  	_ =	swait.ge [sflag:s14], $0x3E80  }
0x66: {  	[sflag:s14] =	ssyncset.done $0x0  }
0x67: {  	[sflag:s14] =	ssyncadd.s32 $0xFFFFC180  }
0x68: {  	[tilespmem:s13], [sflag:$0x4] =	stream.linear.gather [hbm4b:s23+s5], $0x7D0, $0x38;
	[tilespmem:$0xC3C8] =	vst v63  }
0x69: {  	_ =	swait.ge [sflag:s19], $0x7D0  }
0x6a: {  	[sflag:s19] =	ssyncset.done $0x0  }
0x6b: {  	[sflag:s19] =	ssyncadd.s32 $0xFFFFF830  }
0x6c: {  	[tilespmem:s9], [sflag:$0x4] =	stream.linear.gather [hbm4b:s22+s5], $0x7D0, $0x38;
	[tilespmem:$0xC3C8] =	vst v63  }
0x6d: {  	_ =	swait.ge [sflag:s19], $0x7D0  }
0x6e: {  	[sflag:s19] =	ssyncset.done $0x0  }
0x6f: {  	[sflag:s19] =	ssyncadd.s32 $0xFFFFF830  }
0x70: {  	_ =	swait.ge [sflag:s24], $0x3E80  }
0x71: {  	[sflag:s24] =	ssyncset.done $0x0  }
0x72: {  	[sflag:s24] =	ssyncadd.s32 $0xFFFFC180  }
0x73: {  	[spmem:s2] =	stream.indirect.scatter.add.f32 [tilespmem:s21], [sflag:$0x3], $0x8, s20, s10, $0xb8;
	[tilespmem:$0xC3C8] =	vst v63  }
0x74: {  	_ = 	snop  }
0x75: {  	[tilespmem:s12], [sflag:$0x1] =	stream.indirect.gather [hbm4b:s4+s10], $0x8, s13, s10, $0xb8;
	[tilespmem:$0xC3C8] =	vst v63  }
0x76: {  	_ =	swait.ge [sflag:s14], $0x3E80  }
0x77: {  	[sflag:s14] =	ssyncset.done $0x0  }
0x78: {  	[sflag:s14] =	ssyncadd.s32 $0xFFFFC180  }
0x79: {  	_ =	swait.ge [sflag:s16], $0x3E80  }
0x7a: {  	[sflag:s16] =	ssyncset.done $0x0  }
0x7b: {  	[sflag:s16] =	ssyncadd.s32 $0xFFFFC180  }
0x7c: {  	[spmem:s2] =	stream.indirect.scatter.add.f32 [tilespmem:s12], [sflag:$0x3], $0x8, s9, s10, $0xb8;
	[tilespmem:$0xC3C8] =	vst v63  }
0x7d: {  	_ =	swait.ge [sflag:s14], $0x3E80  }
0x7e: {  	[sflag:s14] =	ssyncset.done $0x0  }
0x7f: {  	[sflag:s14] =	ssyncadd.s32 $0xFFFFC180  }
0x80: {  	[bflag:$0x0] =	sbarrier.arrive $0xFFFF  }
0x81: {  	[tilespmem:s29], [sflag:$0x4] =	stream.linear.gather @p0 [spmem:s31], $0x1400, $0x38;
	[tilespmem:$0xC3C8] =	vst v63  }
0x82: {  	_ =	swait.ge @p0 [sflag:s11], $0x1400  }
0x83: {  	[sflag:s11] =	ssyncset.done @p0 $0x0  }
0x84: {  	[sflag:s11] =	ssyncadd.s32 @p0 $0xFFFFEC00  }
0x85: {  	[hbm4b:s3+s15] =	stream.linear.scatter @p0 [tilespmem:s29], [sflag:$0x4], $0x1400, $0x38;
	[tilespmem:$0xC3C8] =	vst v63  }
0x86: {  	_ =	swait.ge @p0 [sflag:s11], $0x1400  }
0x87: {  	[sflag:s11] =	ssyncset.done @p0 $0x0  }
0x88: {  	s0 =	sadd.s32 $0xFFFFFFFF, s0;
	[sflag:s11] =	ssyncadd.s32 @p0 $0xFFFFEC00  }
0x89: {  	[tilespmem:s1], [sflag:$0x4] =	stream.linear.gather @!p0 [spmem:s6], $0x1380, $0x38;
	[tilespmem:$0xC3C8] =	vst v63  }
0x8a: {  	p2 =	sne.s32 s0, $0x0;
	_ =	swait.ge @!p0 [sflag:s30], $0x1380  }
.Ltmp1:
0x8b: {  	[sflag:s30] =	ssyncset.done @!p0 $0x0;
	(pc) =	sbr.rel @!p2 .LBB2_3-.Ltmp1, $4  }
0x8c: {  	[sflag:s30] =	ssyncadd.s32 @!p0 $0xFFFFEC80  }
0x8d: {  	[hbm4b:s8+s18] =	stream.linear.scatter @!p0 [tilespmem:s1], [sflag:$0x4], $0x1380, $0x38;
	[tilespmem:$0xC3C8] =	vst v63  }
0x8e: {  	p1 =	por $0x1, $0x1;
	_ =	swait.ge @!p0 [sflag:s30], $0x1380;
	[dreg:$0x9] =	wrdreg s3  }
0x8f: {  	[dreg:$0xa] =	wrdreg s22;
	s22 =	smov.u32 s17;
	[sflag:s30] =	ssyncset.done @!p0 $0x0  }
.LBB2_4:
0x90: {  	[sflag:s30] =	ssyncadd.s32 @!p0 $0xFFFFEC80  }
0x91: {  	s17 =	rddreg [dreg:$0x1]  }
0x92: {  	[tilespmem:s29], [sflag:$0x4] =	stream.linear.gather @p0 [hbm4b:s17+s15], $0x1400, $0x38;
	[tilespmem:$0xC3C8] =	vst v63  }
0x93: {  	_ =	swait.ge @p0 [sflag:s11], $0x1400  }
0x94: {  	[sflag:s11] =	ssyncset.done @p0 $0x0  }
0x95: {  	[sflag:s11] =	ssyncadd.s32 @p0 $0xFFFFEC00  }
0x96: {  	[spmem:s31] =	stream.linear.scatter @p0 [tilespmem:s29], [sflag:$0x4], $0x1400, $0x38;
	[tilespmem:$0xC3C8] =	vst v63  }
0x97: {  	_ =	swait.ge @p0 [sflag:s11], $0x1400  }
0x98: {  	[sflag:s11] =	ssyncset.done @p0 $0x0  }
0x99: {  	s3 =	simm.s32 @!p0 $0x0;
	[sflag:s11] =	ssyncadd.s32 @p0 $0xFFFFEC00  }
0x9a: {  	[tilespmem:s1], [sflag:$0x4] =	stream.linear.gather @!p0 [hbm4b:s17+s3], $0x1380, $0x38;
	[tilespmem:$0xC3C8] =	vst v63  }
0x9b: {  	_ =	swait.ge @!p0 [sflag:s30], $0x1380  }
0x9c: {  	[sflag:s30] =	ssyncset.done @!p0 $0x0  }
0x9d: {  	[sflag:s30] =	ssyncadd.s32 @!p0 $0xFFFFEC80  }
0x9e: {  	[spmem:s6] =	stream.linear.scatter @!p0 [tilespmem:s1], [sflag:$0x4], $0x1380, $0x38;
	[tilespmem:$0xC3C8] =	vst v63  }
0x9f: {  	_ =	swait.ge @!p0 [sflag:s30], $0x1380  }
0xa0: {  	[sflag:s30] =	ssyncset.done @!p0 $0x0  }
0xa1: {  	[sflag:s30] =	ssyncadd.s32 @!p0 $0xFFFFEC80  }
0xa2: {  	[bflag:$0x0] =	sbarrier.arrive $0xFFFF  }
0xa3: {  	s18 =	rddreg [dreg:$0x4]  }
0xa4: {  	[tilespmem:s13], [sflag:$0x4] =	stream.linear.gather [hbm4b:s18+s5], $0x7D0, $0x38;
	[tilespmem:$0xC3C8] =	vst v63  }
0xa5: {  	_ =	swait.ge [sflag:s19], $0x7D0  }
0xa6: {  	[sflag:s19] =	ssyncset.done $0x0  }
0xa7: {  	s18 =	rddreg [dreg:$0x5];
	[sflag:s19] =	ssyncadd.s32 $0xFFFFF830  }
0xa8: {  	[tilespmem:s9], [sflag:$0x4] =	stream.linear.gather [hbm4b:s18+s5], $0x7D0, $0x38;
	[tilespmem:$0xC3C8] =	vst v63  }
0xa9: {  	_ =	swait.ge [sflag:s19], $0x7D0  }
0xaa: {  	[sflag:s19] =	ssyncset.done $0x0  }
0xab: {  	[sflag:s19] =	ssyncadd.s32 $0xFFFFF830  }
0xac: {  	[tilespmem:s12], [sflag:$0x1] =	stream.indirect.gather [hbm4b:s4+s10], $0x8, s13, s10, $0xb8;
	[tilespmem:$0xC3C8] =	vst v63  }
0xad: {  	s18 =	rddreg [dreg:$0x6]  }
0xae: {  	[tilespmem:s25], [sflag:$0x4] =	stream.linear.gather [hbm4b:s18+s5], $0x7D0, $0x38;
	[tilespmem:$0xC3C8] =	vst v63  }
0xaf: {  	_ =	swait.ge [sflag:s19], $0x7D0  }
0xb0: {  	[sflag:s19] =	ssyncset.done $0x0  }
0xb1: {  	s18 =	rddreg [dreg:$0x7];
	[sflag:s19] =	ssyncadd.s32 $0xFFFFF830  }
0xb2: {  	[tilespmem:s20], [sflag:$0x4] =	stream.linear.gather [hbm4b:s18+s5], $0x7D0, $0x38;
	[tilespmem:$0xC3C8] =	vst v63  }
0xb3: {  	_ =	swait.ge [sflag:s19], $0x7D0  }
0xb4: {  	[sflag:s19] =	ssyncset.done $0x0  }
0xb5: {  	[sflag:s19] =	ssyncadd.s32 $0xFFFFF830  }
0xb6: {  	_ =	swait.ge [sflag:s16], $0x3E80  }
0xb7: {  	[sflag:s16] =	ssyncset.done $0x0  }
0xb8: {  	[sflag:s16] =	ssyncadd.s32 $0xFFFFC180  }
0xb9: {  	[spmem:s2] =	stream.indirect.scatter.add.f32 [tilespmem:s12], [sflag:$0x3], $0x8, s9, s10, $0xb8;
	[tilespmem:$0xC3C8] =	vst v63  }
0xba: {  	_ = 	snop  }
0xbb: {  	[tilespmem:s21], [sflag:$0x2] =	stream.indirect.gather [hbm4b:s4+s10], $0x8, s25, s10, $0xb8;
	[tilespmem:$0xC3C8] =	vst v63  }
0xbc: {  	_ =	swait.ge [sflag:s14], $0x3E80  }
0xbd: {  	[sflag:s14] =	ssyncset.done $0x0  }
0xbe: {  	s18 =	rddreg [dreg:$0x8];
	[sflag:s14] =	ssyncadd.s32 $0xFFFFC180  }
0xbf: {  	[tilespmem:s13], [sflag:$0x4] =	stream.linear.gather [hbm4b:s18+s5], $0x7D0, $0x38;
	[tilespmem:$0xC3C8] =	vst v63  }
0xc0: {  	_ =	swait.ge [sflag:s19], $0x7D0  }
0xc1: {  	[sflag:s19] =	ssyncset.done $0x0  }
0xc2: {  	[sflag:s19] =	ssyncadd.s32 $0xFFFFF830  }
0xc3: {  	[tilespmem:s9], [sflag:$0x4] =	stream.linear.gather [hbm4b:s22+s5], $0x7D0, $0x38;
	[tilespmem:$0xC3C8] =	vst v63  }
0xc4: {  	_ =	swait.ge [sflag:s19], $0x7D0  }
0xc5: {  	[sflag:s19] =	ssyncset.done $0x0  }
0xc6: {  	[sflag:s19] =	ssyncadd.s32 $0xFFFFF830  }
0xc7: {  	_ =	swait.ge [sflag:s24], $0x3E80  }
0xc8: {  	[sflag:s24] =	ssyncset.done $0x0  }
0xc9: {  	[sflag:s24] =	ssyncadd.s32 $0xFFFFC180  }
0xca: {  	[spmem:s2] =	stream.indirect.scatter.add.f32 [tilespmem:s21], [sflag:$0x3], $0x8, s20, s10, $0xb8;
	[tilespmem:$0xC3C8] =	vst v63  }
0xcb: {  	_ = 	snop  }
0xcc: {  	[tilespmem:s12], [sflag:$0x1] =	stream.indirect.gather [hbm4b:s4+s10], $0x8, s13, s10, $0xb8;
	[tilespmem:$0xC3C8] =	vst v63  }
0xcd: {  	_ =	swait.ge [sflag:s14], $0x3E80  }
0xce: {  	[sflag:s14] =	ssyncset.done $0x0  }
0xcf: {  	[sflag:s14] =	ssyncadd.s32 $0xFFFFC180  }
0xd0: {  	[tilespmem:s25], [sflag:$0x4] =	stream.linear.gather [hbm4b:s28+s5], $0x7D0, $0x38;
	[tilespmem:$0xC3C8] =	vst v63  }
0xd1: {  	_ =	swait.ge [sflag:s19], $0x7D0  }
0xd2: {  	[sflag:s19] =	ssyncset.done $0x0  }
0xd3: {  	[sflag:s19] =	ssyncadd.s32 $0xFFFFF830  }
0xd4: {  	[tilespmem:s20], [sflag:$0x4] =	stream.linear.gather [hbm4b:s26+s5], $0x7D0, $0x38;
	[tilespmem:$0xC3C8] =	vst v63  }
0xd5: {  	_ =	swait.ge [sflag:s19], $0x7D0  }
0xd6: {  	[sflag:s19] =	ssyncset.done $0x0  }
0xd7: {  	[sflag:s19] =	ssyncadd.s32 $0xFFFFF830  }
0xd8: {  	_ =	swait.ge [sflag:s16], $0x3E80  }
0xd9: {  	[sflag:s16] =	ssyncset.done $0x0  }
0xda: {  	[sflag:s16] =	ssyncadd.s32 $0xFFFFC180  }
0xdb: {  	[spmem:s2] =	stream.indirect.scatter.add.f32 [tilespmem:s12], [sflag:$0x3], $0x8, s9, s10, $0xb8;
	[tilespmem:$0xC3C8] =	vst v63  }
0xdc: {  	_ = 	snop  }
0xdd: {  	[tilespmem:s21], [sflag:$0x2] =	stream.indirect.gather [hbm4b:s4+s10], $0x8, s25, s10, $0xb8;
	[tilespmem:$0xC3C8] =	vst v63  }
0xde: {  	_ =	swait.ge [sflag:s14], $0x3E80  }
0xdf: {  	[sflag:s14] =	ssyncset.done $0x0  }
0xe0: {  	[sflag:s14] =	ssyncadd.s32 $0xFFFFC180  }
0xe1: {  	[tilespmem:s13], [sflag:$0x4] =	stream.linear.gather [hbm4b:s23+s5], $0x7D0, $0x38;
	[tilespmem:$0xC3C8] =	vst v63  }
0xe2: {  	_ =	swait.ge [sflag:s19], $0x7D0  }
0xe3: {  	[sflag:s19] =	ssyncset.done $0x0  }
0xe4: {  	s18 =	rddreg [dreg:$0xa];
	[sflag:s19] =	ssyncadd.s32 $0xFFFFF830  }
0xe5: {  	[tilespmem:s9], [sflag:$0x4] =	stream.linear.gather [hbm4b:s18+s5], $0x7D0, $0x38;
	[tilespmem:$0xC3C8] =	vst v63  }
0xe6: {  	_ =	swait.ge [sflag:s19], $0x7D0  }
0xe7: {  	[sflag:s19] =	ssyncset.done $0x0  }
0xe8: {  	[sflag:s19] =	ssyncadd.s32 $0xFFFFF830  }
0xe9: {  	_ =	swait.ge [sflag:s24], $0x3E80  }
0xea: {  	[sflag:s24] =	ssyncset.done $0x0  }
0xeb: {  	[sflag:s24] =	ssyncadd.s32 $0xFFFFC180  }
0xec: {  	[spmem:s2] =	stream.indirect.scatter.add.f32 [tilespmem:s21], [sflag:$0x3], $0x8, s20, s10, $0xb8;
	[tilespmem:$0xC3C8] =	vst v63  }
0xed: {  	_ = 	snop  }
0xee: {  	[tilespmem:s12], [sflag:$0x1] =	stream.indirect.gather [hbm4b:s4+s10], $0x8, s13, s10, $0xb8;
	[tilespmem:$0xC3C8] =	vst v63  }
0xef: {  	_ =	swait.ge [sflag:s14], $0x3E80  }
0xf0: {  	[sflag:s14] =	ssyncset.done $0x0  }
0xf1: {  	[sflag:s14] =	ssyncadd.s32 $0xFFFFC180  }
0xf2: {  	_ =	swait.ge [sflag:s16], $0x3E80  }
0xf3: {  	[sflag:s16] =	ssyncset.done $0x0  }
0xf4: {  	[sflag:s16] =	ssyncadd.s32 $0xFFFFC180  }
0xf5: {  	[spmem:s2] =	stream.indirect.scatter.add.f32 [tilespmem:s12], [sflag:$0x3], $0x8, s9, s10, $0xb8;
	[tilespmem:$0xC3C8] =	vst v63  }
0xf6: {  	_ =	swait.ge [sflag:s14], $0x3E80  }
0xf7: {  	[sflag:s14] =	ssyncset.done $0x0  }
0xf8: {  	[sflag:s14] =	ssyncadd.s32 $0xFFFFC180  }
0xf9: {  	[bflag:$0x0] =	sbarrier.arrive $0xFFFF  }
0xfa: {  	[tilespmem:s29], [sflag:$0x4] =	stream.linear.gather @p0 [spmem:s31], $0x1400, $0x38;
	[tilespmem:$0xC3C8] =	vst v63  }
0xfb: {  	_ =	swait.ge @p0 [sflag:s11], $0x1400  }
0xfc: {  	[sflag:s11] =	ssyncset.done @p0 $0x0  }
0xfd: {  	s18 =	rddreg [dreg:$0x9];
	[sflag:s11] =	ssyncadd.s32 @p0 $0xFFFFEC00  }
0xfe: {  	[hbm4b:s18+s15] =	stream.linear.scatter @p0 [tilespmem:s29], [sflag:$0x4], $0x1400, $0x38;
	[tilespmem:$0xC3C8] =	vst v63  }
0xff: {  	_ =	swait.ge @p0 [sflag:s11], $0x1400  }
0x100: {  	[sflag:s11] =	ssyncset.done @p0 $0x0  }
0x101: {  	s0 =	sadd.s32 $0xFFFFFFFF, s0;
	[sflag:s11] =	ssyncadd.s32 @p0 $0xFFFFEC00  }
0x102: {  	[tilespmem:s1], [sflag:$0x4] =	stream.linear.gather @!p0 [spmem:s6], $0x1380, $0x38;
	[tilespmem:$0xC3C8] =	vst v63  }
0x103: {  	p2 =	sne.s32 s0, $0x0;
	_ =	swait.ge @!p0 [sflag:s30], $0x1380  }
.Ltmp2:
0x104: {  	[sflag:s30] =	ssyncset.done @!p0 $0x0;
	(pc) =	sbr.rel @p2 .LBB2_4-.Ltmp2, $4  }
0x105: {  	s17 =	smov.u32 s8;
	[sflag:s30] =	ssyncadd.s32 @!p0 $0xFFFFEC80  }
0x106: {  	[hbm4b:s17+s3] =	stream.linear.scatter @!p0 [tilespmem:s1], [sflag:$0x4], $0x1380, $0x38;
	[tilespmem:$0xC3C8] =	vst v63  }
0x107: {  	s7 =	simm.s32 @p0 $0x0;
	_ =	swait.ge @!p0 [sflag:s30], $0x1380  }
0x108: {  	s8 =	smov.u32 s17;
	s15 =	smov.u32 s7;
	[sflag:s30] =	ssyncset.done @!p0 $0x0  }
0x109: {  	s1 =	rddreg [dreg:$0x1]  }
0x10a: {  	s7 =	smov.u32 s22;
	s22 =	rddreg [dreg:$0xa]  }
0x10b: {  	s3 =	rddreg [dreg:$0x9];
	s18 =	stileid.u32  }
.LBB2_6:
0x10c: {  	p1 =	por p0, !p1  }
0x10d: {  	s0 =	simm.s32 @p0 $0xAFC8;
	[sflag:s30] =	ssyncadd.s32 @!p1 $0xFFFFEC80  }
0x10e: {  	[tilespmem:s0], [sflag:$0x4] =	stream.linear.gather @p0 [hbm4b:s1+s15], $0x1400, $0x38;
	[tilespmem:$0xC3C8] =	vst v63  }
0x10f: {  	_ =	swait.ge @p0 [sflag:s11], $0x1400  }
0x110: {  	[sflag:s11] =	ssyncset.done @p0 $0x0  }
0x111: {  	[sflag:s11] =	ssyncadd.s32 @p0 $0xFFFFEC00  }
0x112: {  	[spmem:s31] =	stream.linear.scatter @p0 [tilespmem:s0], [sflag:$0x4], $0x1400, $0x38;
	[tilespmem:$0xC3C8] =	vst v63  }
0x113: {  	_ =	swait.ge @p0 [sflag:s11], $0x1400  }
0x114: {  	[sflag:s11] =	ssyncset.done @p0 $0x0  }
0x115: {  	s29 =	simm.s32 @!p0 $0xAFC8;
	s30 =	simm.s32 @!p0 $0x0;
	[sflag:s11] =	ssyncadd.s32 @p0 $0xFFFFEC00  }
0x116: {  	[tilespmem:s29], [sflag:$0x4] =	stream.linear.gather @!p0 [hbm4b:s1+s30], $0x1380, $0x38;
	[tilespmem:$0xC3C8] =	vst v63  }
0x117: {  	s1 =	simm.s32 @!p0 $0x4  }
0x118: {  	_ =	swait.ge @!p0 [sflag:s1], $0x1380  }
0x119: {  	[sflag:s1] =	ssyncset.done @!p0 $0x0  }
0x11a: {  	[sflag:s1] =	ssyncadd.s32 @!p0 $0xFFFFEC80  }
0x11b: {  	[spmem:s6] =	stream.linear.scatter @!p0 [tilespmem:s29], [sflag:$0x4], $0x1380, $0x38;
	[tilespmem:$0xC3C8] =	vst v63  }
0x11c: {  	_ =	swait.ge @!p0 [sflag:s1], $0x1380  }
0x11d: {  	[sflag:s1] =	ssyncset.done @!p0 $0x0  }
0x11e: {  	[sflag:s1] =	ssyncadd.s32 @!p0 $0xFFFFEC80  }
0x11f: {  	[bflag:$0x0] =	sbarrier.arrive $0xFFFF  }
0x120: {  	s8 =	rddreg [dreg:$0x4]  }
0x121: {  	[tilespmem:s13], [sflag:$0x4] =	stream.linear.gather [hbm4b:s8+s5], $0x7D0, $0x38;
	[tilespmem:$0xC3C8] =	vst v63  }
0x122: {  	_ =	swait.ge [sflag:s19], $0x7D0  }
0x123: {  	[sflag:s19] =	ssyncset.done $0x0  }
0x124: {  	s8 =	rddreg [dreg:$0x5];
	[sflag:s19] =	ssyncadd.s32 $0xFFFFF830  }
0x125: {  	[tilespmem:s9], [sflag:$0x4] =	stream.linear.gather [hbm4b:s8+s5], $0x7D0, $0x38;
	[tilespmem:$0xC3C8] =	vst v63  }
0x126: {  	_ =	swait.ge [sflag:s19], $0x7D0  }
0x127: {  	[sflag:s19] =	ssyncset.done $0x0  }
0x128: {  	[sflag:s19] =	ssyncadd.s32 $0xFFFFF830  }
0x129: {  	[tilespmem:s12], [sflag:$0x1] =	stream.indirect.gather [hbm4b:s4+s10], $0x8, s13, s10, $0xb8;
	[tilespmem:$0xC3C8] =	vst v63  }
0x12a: {  	s8 =	rddreg [dreg:$0x6]  }
0x12b: {  	[tilespmem:s25], [sflag:$0x4] =	stream.linear.gather [hbm4b:s8+s5], $0x7D0, $0x38;
	[tilespmem:$0xC3C8] =	vst v63  }
0x12c: {  	_ =	swait.ge [sflag:s19], $0x7D0  }
0x12d: {  	[sflag:s19] =	ssyncset.done $0x0  }
0x12e: {  	s8 =	rddreg [dreg:$0x7];
	[sflag:s19] =	ssyncadd.s32 $0xFFFFF830  }
0x12f: {  	[tilespmem:s20], [sflag:$0x4] =	stream.linear.gather [hbm4b:s8+s5], $0x7D0, $0x38;
	[tilespmem:$0xC3C8] =	vst v63  }
0x130: {  	_ =	swait.ge [sflag:s19], $0x7D0  }
0x131: {  	[sflag:s19] =	ssyncset.done $0x0  }
0x132: {  	[sflag:s19] =	ssyncadd.s32 $0xFFFFF830  }
0x133: {  	_ =	swait.ge [sflag:s16], $0x3E80  }
0x134: {  	[sflag:s16] =	ssyncset.done $0x0  }
0x135: {  	[sflag:s16] =	ssyncadd.s32 $0xFFFFC180  }
0x136: {  	[spmem:s2] =	stream.indirect.scatter.add.f32 [tilespmem:s12], [sflag:$0x3], $0x8, s9, s10, $0xb8;
	[tilespmem:$0xC3C8] =	vst v63  }
0x137: {  	_ = 	snop  }
0x138: {  	[tilespmem:s21], [sflag:$0x2] =	stream.indirect.gather [hbm4b:s4+s10], $0x8, s25, s10, $0xb8;
	[tilespmem:$0xC3C8] =	vst v63  }
0x139: {  	_ =	swait.ge [sflag:s14], $0x3E80  }
0x13a: {  	[sflag:s14] =	ssyncset.done $0x0  }
0x13b: {  	s8 =	rddreg [dreg:$0x8];
	[sflag:s14] =	ssyncadd.s32 $0xFFFFC180  }
0x13c: {  	[tilespmem:s13], [sflag:$0x4] =	stream.linear.gather [hbm4b:s8+s5], $0x7D0, $0x38;
	[tilespmem:$0xC3C8] =	vst v63  }
0x13d: {  	_ =	swait.ge [sflag:s19], $0x7D0  }
0x13e: {  	[sflag:s19] =	ssyncset.done $0x0  }
0x13f: {  	[sflag:s19] =	ssyncadd.s32 $0xFFFFF830  }
0x140: {  	[tilespmem:s9], [sflag:$0x4] =	stream.linear.gather [hbm4b:s7+s5], $0x7D0, $0x38;
	[tilespmem:$0xC3C8] =	vst v63  }
0x141: {  	_ =	swait.ge [sflag:s19], $0x7D0  }
0x142: {  	[sflag:s19] =	ssyncset.done $0x0  }
0x143: {  	[sflag:s19] =	ssyncadd.s32 $0xFFFFF830  }
0x144: {  	_ =	swait.ge [sflag:s24], $0x3E80  }
0x145: {  	[sflag:s24] =	ssyncset.done $0x0  }
0x146: {  	[sflag:s24] =	ssyncadd.s32 $0xFFFFC180  }
0x147: {  	[spmem:s2] =	stream.indirect.scatter.add.f32 [tilespmem:s21], [sflag:$0x3], $0x8, s20, s10, $0xb8;
	[tilespmem:$0xC3C8] =	vst v63  }
0x148: {  	_ = 	snop  }
0x149: {  	[tilespmem:s12], [sflag:$0x1] =	stream.indirect.gather [hbm4b:s4+s10], $0x8, s13, s10, $0xb8;
	[tilespmem:$0xC3C8] =	vst v63  }
0x14a: {  	_ =	swait.ge [sflag:s14], $0x3E80  }
0x14b: {  	[sflag:s14] =	ssyncset.done $0x0  }
0x14c: {  	[sflag:s14] =	ssyncadd.s32 $0xFFFFC180  }
0x14d: {  	[tilespmem:s25], [sflag:$0x4] =	stream.linear.gather [hbm4b:s28+s5], $0x7D0, $0x38;
	[tilespmem:$0xC3C8] =	vst v63  }
0x14e: {  	_ =	swait.ge [sflag:s19], $0x7D0  }
0x14f: {  	[sflag:s19] =	ssyncset.done $0x0  }
0x150: {  	[sflag:s19] =	ssyncadd.s32 $0xFFFFF830  }
0x151: {  	[tilespmem:s20], [sflag:$0x4] =	stream.linear.gather [hbm4b:s26+s5], $0x7D0, $0x38;
	[tilespmem:$0xC3C8] =	vst v63  }
0x152: {  	_ =	swait.ge [sflag:s19], $0x7D0  }
0x153: {  	[sflag:s19] =	ssyncset.done $0x0  }
0x154: {  	[sflag:s19] =	ssyncadd.s32 $0xFFFFF830  }
0x155: {  	_ =	swait.ge [sflag:s16], $0x3E80  }
0x156: {  	[sflag:s16] =	ssyncset.done $0x0  }
0x157: {  	[sflag:s16] =	ssyncadd.s32 $0xFFFFC180  }
0x158: {  	[spmem:s2] =	stream.indirect.scatter.add.f32 [tilespmem:s12], [sflag:$0x3], $0x8, s9, s10, $0xb8;
	[tilespmem:$0xC3C8] =	vst v63  }
0x159: {  	_ = 	snop  }
0x15a: {  	[tilespmem:s21], [sflag:$0x2] =	stream.indirect.gather [hbm4b:s4+s10], $0x8, s25, s10, $0xb8;
	[tilespmem:$0xC3C8] =	vst v63  }
0x15b: {  	_ =	swait.ge [sflag:s14], $0x3E80  }
0x15c: {  	[sflag:s14] =	ssyncset.done $0x0  }
0x15d: {  	[sflag:s14] =	ssyncadd.s32 $0xFFFFC180  }
0x15e: {  	[tilespmem:s13], [sflag:$0x4] =	stream.linear.gather [hbm4b:s23+s5], $0x7D0, $0x38;
	[tilespmem:$0xC3C8] =	vst v63  }
0x15f: {  	_ =	swait.ge [sflag:s19], $0x7D0  }
0x160: {  	[sflag:s19] =	ssyncset.done $0x0  }
0x161: {  	[sflag:s19] =	ssyncadd.s32 $0xFFFFF830  }
0x162: {  	[tilespmem:s9], [sflag:$0x4] =	stream.linear.gather [hbm4b:s22+s5], $0x7D0, $0x38;
	[tilespmem:$0xC3C8] =	vst v63  }
0x163: {  	_ =	swait.ge [sflag:s19], $0x7D0  }
0x164: {  	[sflag:s19] =	ssyncset.done $0x0  }
0x165: {  	[sflag:s19] =	ssyncadd.s32 $0xFFFFF830  }
0x166: {  	_ =	swait.ge [sflag:s24], $0x3E80  }
0x167: {  	[sflag:s24] =	ssyncset.done $0x0  }
0x168: {  	[sflag:s24] =	ssyncadd.s32 $0xFFFFC180  }
0x169: {  	[spmem:s2] =	stream.indirect.scatter.add.f32 [tilespmem:s21], [sflag:$0x3], $0x8, s20, s10, $0xb8;
	[tilespmem:$0xC3C8] =	vst v63  }
0x16a: {  	_ = 	snop  }
0x16b: {  	[tilespmem:s12], [sflag:$0x1] =	stream.indirect.gather [hbm4b:s4+s10], $0x8, s13, s10, $0xb8;
	[tilespmem:$0xC3C8] =	vst v63  }
0x16c: {  	_ =	swait.ge [sflag:s14], $0x3E80  }
0x16d: {  	[sflag:s14] =	ssyncset.done $0x0  }
0x16e: {  	[sflag:s14] =	ssyncadd.s32 $0xFFFFC180  }
0x16f: {  	_ =	swait.ge [sflag:s16], $0x3E80  }
0x170: {  	[sflag:s16] =	ssyncset.done $0x0  }
0x171: {  	[sflag:s16] =	ssyncadd.s32 $0xFFFFC180  }
0x172: {  	[spmem:s2] =	stream.indirect.scatter.add.f32 [tilespmem:s12], [sflag:$0x3], $0x8, s9, s10, $0xb8;
	[tilespmem:$0xC3C8] =	vst v63  }
0x173: {  	_ =	swait.ge [sflag:s14], $0x3E80  }
0x174: {  	[sflag:s14] =	ssyncset.done $0x0  }
0x175: {  	[sflag:s14] =	ssyncadd.s32 $0xFFFFC180  }
0x176: {  	[bflag:$0x0] =	sbarrier.arrive $0xFFFF  }
0x177: {  	[tilespmem:s0], [sflag:$0x4] =	stream.linear.gather @p0 [spmem:s31], $0x1400, $0x38;
	[tilespmem:$0xC3C8] =	vst v63  }
0x178: {  	_ =	swait.ge @p0 [sflag:s11], $0x1400  }
0x179: {  	[sflag:s11] =	ssyncset.done @p0 $0x0  }
0x17a: {  	[sflag:s11] =	ssyncadd.s32 @p0 $0xFFFFEC00  }
0x17b: {  	[hbm4b:s3+s15] =	stream.linear.scatter @p0 [tilespmem:s0], [sflag:$0x4], $0x1400, $0x38;
	[tilespmem:$0xC3C8] =	vst v63  }
0x17c: {  	_ =	swait.ge @p0 [sflag:s11], $0x1400  }
0x17d: {  	[sflag:s11] =	ssyncset.done @p0 $0x0  }
0x17e: {  	[sflag:s11] =	ssyncadd.s32 @p0 $0xFFFFEC00  }
0x17f: {  	[tilespmem:s29], [sflag:$0x4] =	stream.linear.gather @!p0 [spmem:s6], $0x1380, $0x38;
	[tilespmem:$0xC3C8] =	vst v63  }
0x180: {  	_ =	swait.ge @!p0 [sflag:s1], $0x1380  }
0x181: {  	[sflag:s1] =	ssyncset.done @!p0 $0x0  }
0x182: {  	[sflag:s1] =	ssyncadd.s32 @!p0 $0xFFFFEC80  }
0x183: {  	[hbm4b:s17+s30] =	stream.linear.scatter @!p0 [tilespmem:s29], [sflag:$0x4], $0x1380, $0x38;
	[tilespmem:$0xC3C8] =	vst v63  }
0x184: {  	_ =	swait.ge @!p0 [sflag:s1], $0x1380  }
0x185: {  	[sflag:s1] =	ssyncset.done @!p0 $0x0  }
0x186: {  	[sflag:s1] =	ssyncadd.s32 @!p0 $0xFFFFEC80  }
0x187: {  	_ =	sfence.sel $0x180000  }
0x188: {  	[bflag:$0x0] =	sbarrier.arrive $0xFFFF  }
0x189: {  	_ =	strace $0x9000004A  }
0x18a: {  	[bflag:$0x2] =	sbarrier.arrive $0xFFFF  }
0x18b: {  	p0 =	sne.s32 s18, $0x0;
	s0 =	rddreg [dreg:$0x3]  }
0x18c: {  	s0 =	sadd.s32 @!p0 $0x100000, s0  }
0x18d: {  	[sflag:s0] =	ssyncadd.tile.s32 @!p0 $0x1;
	_ =	shalt  }
.LBB2_1:
.Ltmp3:
0x18e: {  	(pc) =	sbr.rel .LBB2_6-.Ltmp3, $2  }
0x18f: {  	_ =	sdelay $0x2  }
0x190: {  	s1 =	smov.u32 s30;
	s7 =	smov.u32 s17;
	s17 =	smov.u32 s8  }
.LBB2_3:
.Ltmp4:
0x191: {  	(pc) =	sbr.rel .LBB2_6-.Ltmp4, $4  }
0x192: {  	_ = 	snop  }
0x193: {  	s1 =	rddreg [dreg:$0x1]  }
0x194: {  	s7 =	smov.u32 s22;
	s22 =	rddreg [dreg:$0xa]  }
0x195: {  	s3 =	rddreg [dreg:$0x9];
	s17 =	smov.u32 s8;
	s18 =	stileid.u32  }
.Lfunc_end2:
_tile_overlayer_lowered:
.L_overlay_start_2:
0x196: {  	(tag) =	ssettag $0x2  }
0x197: {  	s0 =	rddreg [dreg:$0x0];
	s2 =	stileid.u32  }
0x198: {  	s1 =	rddreg [dreg:$0x1];
	p0 =	sne.s32 s2, $0x0  }
0x199: {  	s3 =	rddreg [dreg:$0x2];
	[bflag:$0x3] =	sbarrier.arrive $0xFFFF;
	s2 =	simm.s32 @!p0 $0x1C04  }
0x19a: {  	[timem:s3], [sflag:s2] =	dma.local @!p0 [hbm:s0], s1  }
0x19b: {  	s0 =	simm.s32 @!p0 $0x4  }
0x19c: {  	_ =	swait.ge @!p0 [sflag:s0], s1  }
0x19d: {  	s1 =	ssub.s32 @!p0 $0x0, s1;
	[sflag:s0] =	ssyncset.done @!p0 $0x0  }
0x19e: {  	[sflag:s0] =	ssyncadd.s32 @!p0 s1  }
0x19f: {  	[bflag:$0x3] =	sbarrier.arrive $0xFFFF  }
0x1a0: {  	_ =	shalt  }

// kernel: kernel.7.cloned.1.call-start
scs
__scs_entry_jumppad:
0x0: {  	(pc) =	sbr.rel $0x88, $3  }
0x1: {  	(tag) =	ssettag $0x0;
	lr =	simm.s32 $0x1  }
0x2: {  	[smem:$0x3F99] =	sst lr;
	_ =	strace $0xD0000000  }
0x3: {  	_ = 	snop  }
0x4: {  	_ = 	snop  }
0x5: {  	_ = 	snop  }
0x6: {  	_ = 	snop  }
0x7: {  	_ = 	snop  }
__scs_overlays_trampoline_lowered:
0x8: {  	[smem:$0x3FA8] =	sst s0  }
0x9: {  	[smem:$0x3FA9] =	sst s1  }
0xa: {  	[smem:$0x3FAA] =	sst s2  }
0xb: {  	[smem:$0x3FAB] =	sst s3  }
0xc: {  	[smem:$0x3FAC] =	sst s4  }
0xd: {  	[smem:$0x3FAD] =	sst s5  }
0xe: {  	[smem:$0x3FAE] =	sst s6  }
0xf: {  	[smem:$0x3FAF] =	sst s7  }
0x10: {  	[smem:$0x3FB0] =	sst s8  }
0x11: {  	[smem:$0x3FB1] =	sst s9;
	s0 =	simm.s32 @!p0 $0x0  }
0x12: {  	s1 =	sld [smem:$0x3F97];
	s0 =	simm.s32 @p0 $0x1  }
0x13: {  	[smem:$0x3FB2] =	sst s0;
	s0 =	simm.s32 @!p1 $0x0  }
0x14: {  	s2 =	sld [smem:$0x3F96];
	s0 =	simm.s32 @p1 $0x1  }
0x15: {  	[smem:$0x3FB3] =	sst s0;
	s0 =	simm.s32 @!p2 $0x0  }
0x16: {  	s3 =	sld [smem:$0x3FDB];
	s0 =	simm.s32 @p2 $0x1  }
0x17: {  	s4 =	simm.s32 $0x1BF5;
	[smem:$0x3FB5] =	sst s0  }
0x18: {  	s0 =	sld [smem:$0x3F98];
	_ =	swait.ge [sflag:s4], $0x0  }
0x19: {  	s7 =	sld [smem:$0x3F99]  }
0x1a: {  	s8 =	sadd.s32 $0xFFFFE003, lr  }
0x1b: {  	s9 =	sadd.s32 $0xFFFFFEF7, lr;
	s5 =	simm.s32 $0xFFFFFFFF;
	p2 =	slt.u32 s8, $0xFFFFF086  }
0x1c: {  	p1 =	slt.u32 s9, $0xF7A;
	s5 =	simm.s32 @!p2 $0x0  }
0x1d: {  	s5 =	simm.s32 @p1 $0x1;
	p0 =	seq.s32 s7, s2  }
0x1e: {  	s7 =	smul.u32 @!p0 $0xF7A, s2;
	p2 =	seq.s32 @!p0 s5, $0x0  }
0x1f: {  	s9 =	smul.u32 $0xF7A, s1;
	s8 =	simm.s32 @!p0 $0x1BF5;
	p2 =	por !p2, p0  }
0x20: {  	[sflag:s8] =	ssyncset.s32 @!p0 $0xFFFFF086;
	s6 =	sadd.s32 @!p0 s3, s7;
	s7 =	simm.s32 @!p0 $0x108  }
0x21: {  	s3 =	sadd.s32 s3, s9;
	s6 =	sadd.s32 @!p0 $0x88, s6;
	s7 =	simm.s32 @p2 $0x1082  }
0x22: {  	[simem:s7], [sflag:s8] =	dma.local @!p0 [hbm:s6], $0xF7A  }
0x23: {  	s9 =	sor.u32 $0xD0000000, s2;
	s6 =	simm.s32 $0x108;
	_ =	swait.ge @!p0 [sflag:s8], $0x0  }
0x24: {  	s3 =	sadd.s32 $0x88, s3;
	s6 =	simm.s32 @!p1 $0x1082;
	[sflag:s4] =	ssyncset.s32 $0xFFFFF086  }
0x25: {  	[simem:s6], [sflag:s4] =	dma.local [hbm:s3], $0xF7A  }
0x26: {  	[smem:$0x3F99] =	sst s1;
	(tag) =	ssettag s2;
	_ =	strace s9  }
0x27: {  	s1 =	sld [smem:$0x3FA9]  }
0x28: {  	s2 =	sld [smem:$0x3FAA]  }
0x29: {  	s4 =	sld [smem:$0x3FAC]  }
0x2a: {  	p0 =	seq.s32 s5, $0x0;
	s5 =	sld [smem:$0x3FAD]  }
0x2b: {  	s6 =	sld [smem:$0x3FAE]  }
0x2c: {  	s7 =	sld [smem:$0x3FAF]  }
0x2d: {  	s3 =	simm.s32 $0x108;
	s8 =	sld [smem:$0x3FB0]  }
0x2e: {  	s3 =	simm.s32 @!p0 $0x1082;
	s9 =	sld [smem:$0x3FB1]  }
0x2f: {  	lr =	sadd.s32 s0, s3;
	s0 =	sld [smem:$0x3FA8]  }
0x30: {  	s3 =	sld [smem:$0x3FAB]  }
0x31: {  	[smem:$0x3FB4] =	sst s10  }
0x32: {  	s10 =	sld [smem:$0x3FB2];
	_ =	sdelay $0x3  }
0x33: {  	p0 =	seq.s32 s10, $0x1;
	s10 =	sld [smem:$0x3FB4];
	_ =	sdelay $0x3  }
0x34: {  	[smem:$0x3FB4] =	sst s10  }
0x35: {  	s10 =	sld [smem:$0x3FB3];
	_ =	sdelay $0x3  }
0x36: {  	p1 =	seq.s32 s10, $0x1;
	s10 =	sld [smem:$0x3FB4];
	_ =	sdelay $0x3  }
0x37: {  	[smem:$0x3FB4] =	sst s10  }
0x38: {  	s10 =	sld [smem:$0x3FB5]  }
0x39: {  	_ = 	snop;
	(pc) =	sbr.ind lr, $3  }
0x3a: {  	_ = 	snop  }
0x3b: {  	_ = 	snop  }
0x3c: {  	p2 =	seq.s32 s10, $0x1;
	s10 =	sld [smem:$0x3FB4]  }
0x3d: {  	_ =	shalt  }
0x3e: {  	_ =	shalt  }
0x3f: {  	_ =	shalt  }
0x40: {  	_ =	shalt  }
0x41: {  	_ =	shalt  }
0x42: {  	_ =	shalt  }
0x43: {  	_ =	shalt  }
0x44: {  	_ =	shalt  }
0x45: {  	_ =	shalt  }
0x46: {  	_ =	shalt  }
0x47: {  	_ =	shalt  }
0x48: {  	_ =	shalt  }
0x49: {  	_ =	shalt  }
0x4a: {  	_ =	shalt  }
0x4b: {  	_ =	shalt  }
0x4c: {  	_ =	shalt  }
0x4d: {  	_ =	shalt  }
0x4e: {  	_ =	shalt  }
0x4f: {  	_ =	shalt  }
0x50: {  	_ =	shalt  }
0x51: {  	_ =	shalt  }
0x52: {  	_ =	shalt  }
0x53: {  	_ =	shalt  }
0x54: {  	_ =	shalt  }
0x55: {  	_ =	shalt  }
0x56: {  	_ =	shalt  }
0x57: {  	_ =	shalt  }
0x58: {  	_ =	shalt  }
0x59: {  	_ =	shalt  }
0x5a: {  	_ =	shalt  }
0x5b: {  	_ =	shalt  }
0x5c: {  	_ =	shalt  }
0x5d: {  	_ =	shalt  }
0x5e: {  	_ =	shalt  }
0x5f: {  	_ =	shalt  }
0x60: {  	_ =	shalt  }
0x61: {  	_ =	shalt  }
0x62: {  	_ =	shalt  }
0x63: {  	_ =	shalt  }
0x64: {  	_ =	shalt  }
0x65: {  	_ =	shalt  }
0x66: {  	_ =	shalt  }
0x67: {  	_ =	shalt  }
0x68: {  	_ =	shalt  }
0x69: {  	_ =	shalt  }
0x6a: {  	_ =	shalt  }
0x6b: {  	_ =	shalt  }
0x6c: {  	_ =	shalt  }
0x6d: {  	_ =	shalt  }
0x6e: {  	_ =	shalt  }
0x6f: {  	_ =	shalt  }
0x70: {  	_ =	shalt  }
0x71: {  	_ =	shalt  }
0x72: {  	_ =	shalt  }
0x73: {  	_ =	shalt  }
0x74: {  	_ =	shalt  }
0x75: {  	_ =	shalt  }
0x76: {  	_ =	shalt  }
0x77: {  	_ =	shalt  }
0x78: {  	_ =	shalt  }
0x79: {  	_ =	shalt  }
0x7a: {  	_ =	shalt  }
0x7b: {  	_ =	shalt  }
0x7c: {  	_ =	shalt  }
0x7d: {  	_ =	shalt  }
0x7e: {  	_ =	shalt  }
0x7f: {  	_ =	shalt  }
0x80: {  	_ =	shalt  }
0x81: {  	_ =	shalt  }
0x82: {  	_ =	shalt  }
0x83: {  	_ =	shalt  }
0x84: {  	_ =	shalt  }
0x85: {  	_ =	shalt  }
0x86: {  	_ =	shalt  }
0x87: {  	_ =	shalt  }
.Lfunc_end0:
.L_simem_size_0:
called_computation_lowered:
.L_overlay_start_0:
0x88: {  	s2 =	sld [smem:$0x3FD9]  }
0x89: {  	s3 =	sld [smem:$0x3FFE];
	_ =	sdelay $0x1  }
0x8a: {  	s1 =	srdreg.scid  }
0x8b: {  	s0 =	sand.u32 $0x1, s1  }
0x8c: {  	s17 =	sshll.u32 s0, $0xA;
	s2 =	sadd.s32 s3, s2  }
0x8d: {  	s2 =	sadd.s32 s2, s17  }
0x8e: {  	[smem:$0x3FC0] =	sst s2  }
0x8f: {  	_ = 	snop  }
0x90: {  	s2 =	sld [smem:$0x3FD0];
	(tm) =	ssettm $0x1  }
0x91: {  	s18 =	sld [smem:$0x3FFB];
	_ =	sdelay $0x3  }
0x92: {  	_ =	strace s18  }
0x93: {  	s3 =	sld [smem:$0x3FFC];
	_ =	sdelay $0x3  }
0x94: {  	_ =	strace s3  }
0x95: {  	s3 =	sld [smem:$0x3FFD];
	_ =	sdelay $0x3  }
0x96: {  	_ =	strace s3  }
0x97: {  	_ =	strace $0x8FFFFFFF  }
0x98: {  	s19 =	sld [smem:$0x3FDB];
	_ =	sdelay $0x1  }
0x99: {  	s4 =	simm.s32 $_scs_section_size  }
0x9a: {  	s5 =	simm.s32 $_size__tile_overlayer_lowered;
	s6 =	simm.s32 $_tile_overlayer_lowered  }
0x9b: {  	s22 =	simm.s32 $0x1BFF;
	s21 =	sshll.u32 s6, $0x1;
	s3 =	sadd.s32 s4, s19  }
0x9c: {  	s7 =	simm.s32 $0x0;
	s20 =	sshll.u32 s5, $0x1;
	s5 =	sadd.s32 s21, s3  }
0x9d: {  	[timem:s7], [sflag:s22] =	dma.local [hbm:s5], s20  }
0x9e: {  	_ =	swait.ge [sflag:s22], s20  }
0x9f: {  	s4 =	ssub.s32 $0x0, s20;
	[sflag:s22] =	ssyncset.done $0x0  }
0xa0: {  	[sflag:s22] =	ssyncadd.s32 s4;
	_ =	sdelay $0x1  }
0xa1: {  	s23 =	simm.s32 $0x1B8B  }
0xa2: {  	_ =	swait.ge [sflag:s23], $0x1  }
0xa3: {  	[sflag:s23] =	ssyncset.done $0x0  }
0xa4: {  	s25 =	simm.s32 $0x1B8E;
	s24 =	sld [smem:$0x3FFE];
	[sflag:s23] =	ssyncadd.s32 $0xFFFFFFFF  }
0xa5: {  	s26 =	simm.s32 $execute0_lowered;
	[smem:$0x3FD2] =	sst s25  }
0xa6: {  	s5 =	sshll.u32 s26, $0x1;
	_ =	strace $0x80000046;
	[dreg:$0x1] =	wrdreg $0xFFFFFFFF  }
0xa7: {  	s28 =	simm.s32 $_size_execute0_lowered;
	s3 =	sadd.s32 s3, s5;
	[dreg:$0x0] =	wrdreg $0x0  }
0xa8: {  	s5 =	sshll.u32 s28, $0x1;
	[dreg:$0x2] =	wrdreg s3  }
0xa9: {  	[dreg:$0x3] =	wrdreg s5  }
0xaa: {  	[dreg:$0x4] =	wrdreg $0xC0  }
0xab: {  	_ =	task [dreg:s7], $0x5FFFF  }
0xac: {  	[dreg:$0x1] =	wrdreg $0xFFFFFFFF  }
0xad: {  	[dreg:$0x0] =	wrdreg $0x60  }
0xae: {  	[dreg:$0x2] =	wrdreg s24  }
0xaf: {  	[dreg:$0x3] =	wrdreg s2  }
0xb0: {  	[dreg:$0x4] =	wrdreg $0x0  }
0xb1: {  	[dreg:$0x5] =	wrdreg $0x27100  }
0xb2: {  	[dreg:$0x6] =	wrdreg $0x9  }
0xb3: {  	_ =	task.clear_ibuf [dreg:s7], $0x7FFFF;
	_ =	strace $0x90000046  }
0xb4: {  	s29 =	simm.s32 $0x9;
	_ =	strace $0x80000048  }
0xb5: {  	_ =	swait.ge [sflag:s29], $0x1  }
0xb6: {  	[sflag:s29] =	ssyncadd.s32 $0xFFFFFFFF  }
0xb7: {  	_ =	strace $0x90000048  }
0xb8: {  	_ =	sfence  }
0xb9: {  	s30 =	sld [smem:$0x0];
	_ =	sdelay $0x2  }
0xba: {  	s31 =	sshll.u32 s1, $0xD;
	s1 =	sshrl.u32 s1, $0x2  }
0xbb: {  	s3 =	sand.u32 $0x4000, s31;
	s1 =	sadd.s32 s1, s30  }
0xbc: {  	s0 =	sor.u32 s3, s0;
	s1 =	sshll.u32 s1, $0x11  }
0xbd: {  	s0 =	sor.u32 s1, s0  }
0xbe: {  	s0 =	sadd.s32 $0x8F2B, s0  }
0xbf: {  	[sflag:s0] =	ssyncadd.remote.s32 $0x1  }
0xc0: {  	_ =	sfence.sel $0xFFFF  }
0xc1: {  	[dreg:$0x0] =	wrdreg $0xFFFFFFFF;
	(pc) =	sbr.abs _section_cstart, $3  }
0xc2: {  	[dreg:$0x1] =	wrdreg $0xFFFFFFFF  }
0xc3: {  	_ =	task.clear_ibuf [dreg:s7], $0x2FFFF;
	_ =	strace $0x9FFFFFFF  }
0xc4: {  	(tm) =	ssettm $0x7FFFFFFF  }
0xc5: {  	_ =	shalt  }
tec
execute0_lowered:
.L_overlay_start_1:
0x0: {  	(tag) =	ssettag $0x1  }
0x1: {  	s0 =	rddreg [dreg:$0x0]  }
0x2: {  	s1 =	srdreg.scid;
	s30 =	rddreg [dreg:$0x1]  }
0x3: {  	s31 =	stileid.u32;
	s4 =	rddreg [dreg:$0x2]  }
0x4: {  	s24 =	rddreg [dreg:$0x3];
	s7 =	simm.s32 $0x0;
	p1 =	por $0x0, $0x0  }
0x5: {  	s1 =	sand.u32 $0x1, s1;
	s2 =	sshll.u32 s31, $0x1;
	[smem:$0x7FF] =	sst s7  }
0x6: {  	s5 =	sadd.s32 $0x1AA00, s0;
	s6 =	sadd.s32 $0x15400, s0;
	s10 =	smul.u32 $0x9C00, s31  }
0x7: {  	s14 =	smul.u32 $0x4E00, s31;
	s2 =	sor.u32 s1, s2;
	s28 =	ssub.s32 $0x2, s1  }
0x8: {  	_ =	strace $0x80000047;
	s2 =	smul.u32 $0x2710, s2;
	s9 =	sshrl.u32 s28, $0x1  }
0x9: {  	[dreg:$0x5] =	wrdreg s5;
	s8 =	sshrl.u32 s10, $0x2;
	s12 =	ssub.s32 s28, s9  }
0xa: {  	s8 =	sadd.s32 s8, s4;
	s9 =	sshrl.u32 s14, $0x2;
	s2 =	sshrl.u32 s2, $0x3  }
0xb: {  	[dreg:$0x14] =	wrdreg s8;
	s26 =	sadd.s32 s9, s24;
	s2 =	sadd.s32 s2, s0  }
0xc: {  	s3 =	sadd.s32 $0x1A400, s0;
	[dreg:$0x15] =	wrdreg s26;
	s11 =	sadd.s32 $0x1A00, s2  }
0xd: {  	s13 =	sadd.s32 $0x1B200, s0;
	s29 =	sadd.s32 $0xB640, s2;
	[dreg:$0x6] =	wrdreg s11  }
0xe: {  	s18 =	smul.u32 $0x270, s31;
	s10 =	sadd.s32 $0x1AFA, s2;
	[dreg:$0x7] =	wrdreg s29  }
0xf: {  	p0 =	seq.s32 s31, $0xF;
	s15 =	sadd.s32 $0x1BF4, s2;
	[dreg:$0x8] =	wrdreg s10  }
0x10: {  	s1 =	smul.u32 $0x2710, s1;
	s16 =	sadd.s32 $0xB834, s2;
	[dreg:$0xa] =	wrdreg s15  }
0x11: {  	s14 =	simm.s32 $0x4;
	s17 =	sadd.s32 $0x1CEE, s2;
	[dreg:$0xb] =	wrdreg s16  }
0x12: {  	s9 =	sadd.s32 $0x12480, s24;
	s19 =	sadd.s32 $0xB92E, s2;
	[dreg:$0xc] =	wrdreg s17  }
0x13: {  	s0 =	sadd.s32 $0x25000, s0;
	s20 =	sadd.s32 $0x1DE8, s2;
	[dreg:$0xd] =	wrdreg s19  }
0x14: {  	s11 =	sadd.s32 $0xB73A, s2;
	s10 =	sadd.s32 s18, s1;
	[dreg:$0xe] =	wrdreg s20  }
0x15: {  	s2 =	sadd.s32 $0xBA28, s2;
	s1 =	sadd.s32 $0x2490, s1;
	s20 =	sadd.s32 $0x24900, s4  }
0x16: {  	s29 =	smax.u32 s12, $0x1;
	s18 =	simm.s32 $0x5;
	s17 =	simm.s32 $0x3A98  }
0x17: {  	s12 =	simm.s32 $0x7D0;
	s19 =	simm.s32 $0xCF08;
	s23 =	sadd.s32 s0, s10  }
0x18: {  	s16 =	simm.s32 $0x1;
	[dreg:$0x11] =	wrdreg s23;
	s23 =	sadd.s32 $0xFFFFFFFF, s29  }
0x19: {  	s15 =	simm.s32 $0x3;
	[dreg:$0x9] =	wrdreg s11;
	p2 =	sne.s32 s23, $0x0  }
.Ltmp0:
0x1a: {  	s21 =	sshll.u32 s10, $0x1;
	[dreg:$0xf] =	wrdreg s2;
	(pc) =	sbr.rel @!p2 .LBB2_1-.Ltmp0, $4  }
0x1b: {  	s25 =	sshll.u32 s1, $0x1;
	s0 =	sadd.s32 s0, s1;
	s2 =	rddreg [dreg:$0x5]  }
0x1c: {  	s10 =	simm.s32 $0x153D8;
	s22 =	sadd.s32 s13, s21;
	[dreg:$0x13] =	wrdreg s0  }
0x1d: {  	s11 =	simm.s32 $0x4268;
	s28 =	sadd.s32 s13, s25;
	[dreg:$0x10] =	wrdreg s22  }
0x1e: {  	s13 =	simm.s32 $0x4A38;
	s21 =	simm.s32 $0x2;
	[dreg:$0x12] =	wrdreg s28  }
0x1f: {  	[tilespmem:s10], [sflag:$0x5] =	stream.linear.gather [hbm4b:s2+s7], $0x3E80, $0x38;
	[tilespmem:$0x1CE58] =	vst v63  }
0x20: {  	_ =	swait.ge [sflag:s18], $0x3E80  }
0x21: {  	s25 =	simm.s32 @p0 $0x5;
	[sflag:s18] =	ssyncset.done $0x0  }
0x22: {  	s28 =	simm.s32 @p0 $0x0;
	s29 =	simm.s32 @p0 $0x19258;
	[sflag:s18] =	ssyncadd.s32 $0xFFFFC180  }
0x23: {  	[tilespmem:s29], [sflag:$0x5] =	stream.linear.gather @p0 [hbm4b:s3+s28], $0x2800, $0x38;
	[tilespmem:$0x1CE58] =	vst v63  }
0x24: {  	_ =	swait.ge @p0 [sflag:s25], $0x2800  }
0x25: {  	[sflag:s25] =	ssyncset.done @p0 $0x0  }
0x26: {  	[sflag:s25] =	ssyncadd.s32 @p0 $0xFFFFD800  }
0x27: {  	[spmem:s20] =	stream.linear.scatter @p0 [tilespmem:s29], [sflag:$0x5], $0x2800, $0x38;
	[tilespmem:$0x1CE58] =	vst v63  }
0x28: {  	_ =	swait.ge @p0 [sflag:s25], $0x2800  }
0x29: {  	[sflag:s25] =	ssyncset.done @p0 $0x0  }
0x2a: {  	s31 =	simm.s32 @p0 $0x1BA58;
	[sflag:s25] =	ssyncadd.s32 @p0 $0xFFFFD800  }
0x2b: {  	[tilespmem:s31], [sflag:$0x5] =	stream.linear.gather @p0 [hbm4b:s30+s28], $0x1400, $0x38;
	[tilespmem:$0x1CE58] =	vst v63  }
0x2c: {  	_ =	swait.ge @p0 [sflag:s25], $0x1400  }
0x2d: {  	[sflag:s25] =	ssyncset.done @p0 $0x0  }
0x2e: {  	[sflag:s25] =	ssyncadd.s32 @p0 $0xFFFFEC00  }
0x2f: {  	[spmem:s9] =	stream.linear.scatter @p0 [tilespmem:s31], [sflag:$0x5], $0x1400, $0x38;
	[tilespmem:$0x1CE58] =	vst v63  }
0x30: {  	s0 =	smov.u32 s3;
	s2 =	smov.u32 s30;
	_ =	swait.ge @p0 [sflag:s25], $0x1400  }
0x31: {  	s1 =	simm.s32 @!p0 $0x19258;
	s3 =	simm.s32 @!p0 $0x0;
	[sflag:s25] =	ssyncset.done @p0 $0x0  }
0x32: {  	s30 =	simm.s32 @!p0 $0x5;
	[dreg:$0x16] =	wrdreg s0;
	[sflag:s25] =	ssyncadd.s32 @p0 $0xFFFFEC00  }
0x33: {  	[tilespmem:s1], [sflag:$0x5] =	stream.linear.gather @!p0 [hbm4b:s0+s3], $0x2700, $0x38;
	[tilespmem:$0x1CE58] =	vst v63  }
0x34: {  	_ =	swait.ge @!p0 [sflag:s30], $0x2700  }
0x35: {  	[sflag:s30] =	ssyncset.done @!p0 $0x0  }
0x36: {  	s8 =	rddreg [dreg:$0x14];
	[sflag:s30] =	ssyncadd.s32 @!p0 $0xFFFFD900  }
0x37: {  	[spmem:s8] =	stream.linear.scatter @!p0 [tilespmem:s1], [sflag:$0x5], $0x2700, $0x38;
	[tilespmem:$0x1CE58] =	vst v63  }
0x38: {  	_ =	swait.ge @!p0 [sflag:s30], $0x2700  }
0x39: {  	[sflag:s30] =	ssyncset.done @!p0 $0x0  }
0x3a: {  	s0 =	simm.s32 @!p0 $0x1BA58;
	[sflag:s30] =	ssyncadd.s32 @!p0 $0xFFFFD900  }
0x3b: {  	[tilespmem:s0], [sflag:$0x5] =	stream.linear.gather @!p0 [hbm4b:s2+s3], $0x1380, $0x38;
	[tilespmem:$0x1CE58] =	vst v63  }
0x3c: {  	_ =	swait.ge @!p0 [sflag:s30], $0x1380  }
0x3d: {  	[sflag:s30] =	ssyncset.done @!p0 $0x0  }
0x3e: {  	s5 =	rddreg [dreg:$0x15];
	[sflag:s30] =	ssyncadd.s32 @!p0 $0xFFFFEC80  }
0x3f: {  	[spmem:s5] =	stream.linear.scatter @!p0 [tilespmem:s0], [sflag:$0x5], $0x1380, $0x38;
	[tilespmem:$0x1CE58] =	vst v63  }
0x40: {  	_ =	swait.ge @!p0 [sflag:s30], $0x1380  }
0x41: {  	[sflag:s30] =	ssyncset.done @!p0 $0x0  }
0x42: {  	[sflag:s30] =	ssyncadd.s32 @!p0 $0xFFFFEC80  }
0x43: {  	[bflag:$0x0] =	sbarrier.arrive $0xFFFF  }
0x44: {  	s26 =	rddreg [dreg:$0x6]  }
0x45: {  	[tilespmem:s17], [sflag:$0x5] =	stream.linear.gather [hbm4b:s26+s7], $0x7D0, $0x38;
	[tilespmem:$0x1CE58] =	vst v63  }
0x46: {  	_ =	swait.ge [sflag:s18], $0x7D0  }
0x47: {  	[sflag:s18] =	ssyncset.done $0x0  }
0x48: {  	s22 =	rddreg [dreg:$0x7];
	[sflag:s18] =	ssyncadd.s32 $0xFFFFF830  }
0x49: {  	[tilespmem:s11], [sflag:$0x5] =	stream.linear.gather [hbm4b:s22+s7], $0x7D0, $0x38;
	[tilespmem:$0x1CE58] =	vst v63  }
0x4a: {  	_ =	swait.ge [sflag:s18], $0x7D0  }
0x4b: {  	[sflag:s18] =	ssyncset.done $0x0  }
0x4c: {  	[sflag:s18] =	ssyncadd.s32 $0xFFFFF830  }
0x4d: {  	[tilespmem:s13], [sflag:$0x1] =	stream.indirect.gather [hbm4b:s6+s12], $0x10, s17, s12, $0xb8;
	[tilespmem:$0x1CE58] =	vst v63  }
0x4e: {  	s22 =	simm.s32 $0xC738;
	s26 =	rddreg [dreg:$0x8]  }
0x4f: {  	[tilespmem:s22], [sflag:$0x5] =	stream.linear.gather [hbm4b:s26+s7], $0x7D0, $0x38;
	[tilespmem:$0x1CE58] =	vst v63  }
0x50: {  	_ =	swait.ge [sflag:s18], $0x7D0  }
0x51: {  	[sflag:s18] =	ssyncset.done $0x0  }
0x52: {  	s26 =	rddreg [dreg:$0x9];
	[sflag:s18] =	ssyncadd.s32 $0xFFFFF830  }
0x53: {  	[tilespmem:s19], [sflag:$0x5] =	stream.linear.gather [hbm4b:s26+s7], $0x7D0, $0x38;
	[tilespmem:$0x1CE58] =	vst v63  }
0x54: {  	_ =	swait.ge [sflag:s18], $0x7D0  }
0x55: {  	[sflag:s18] =	ssyncset.done $0x0  }
0x56: {  	[sflag:s18] =	ssyncadd.s32 $0xFFFFF830  }
0x57: {  	_ =	swait.ge [sflag:s16], $0x7D00  }
0x58: {  	[sflag:s16] =	ssyncset.done $0x0  }
0x59: {  	[sflag:s16] =	ssyncadd.s32 $0xFFFF8300  }
0x5a: {  	[spmem:s4] =	stream.indirect.scatter.add.f32 [tilespmem:s13], [sflag:$0x3], $0x10, s11, s12, $0xb8;
	[tilespmem:$0x1CE58] =	vst v63  }
0x5b: {  	_ = 	snop  }
0x5c: {  	[spmem:s24] =	stream.indirect.scatter.add.f32 [tilespmem:s10], [sflag:$0x4], $0x8, s11, s12, $0xb8;
	[tilespmem:$0x1CE58] =	vst v63  }
0x5d: {  	s26 =	simm.s32 $0xD6D8  }
0x5e: {  	[tilespmem:s26], [sflag:$0x2] =	stream.indirect.gather [hbm4b:s6+s12], $0x10, s22, s12, $0xb8;
	[tilespmem:$0x1CE58] =	vst v63  }
0x5f: {  	_ =	swait.ge [sflag:s15], $0x7D00  }
0x60: {  	[sflag:s15] =	ssyncset.done $0x0  }
0x61: {  	[sflag:s15] =	ssyncadd.s32 $0xFFFF8300  }
0x62: {  	_ =	swait.ge [sflag:s14], $0x3E80  }
0x63: {  	[sflag:s14] =	ssyncset.done $0x0  }
0x64: {  	s2 =	rddreg [dreg:$0xa];
	[sflag:s14] =	ssyncadd.s32 $0xFFFFC180  }
0x65: {  	[tilespmem:s17], [sflag:$0x5] =	stream.linear.gather [hbm4b:s2+s7], $0x7D0, $0x38;
	[tilespmem:$0x1CE58] =	vst v63  }
0x66: {  	_ =	swait.ge [sflag:s18], $0x7D0  }
0x67: {  	[sflag:s18] =	ssyncset.done $0x0  }
0x68: {  	s2 =	rddreg [dreg:$0xb];
	[sflag:s18] =	ssyncadd.s32 $0xFFFFF830  }
0x69: {  	[tilespmem:s11], [sflag:$0x5] =	stream.linear.gather [hbm4b:s2+s7], $0x7D0, $0x38;
	[tilespmem:$0x1CE58] =	vst v63  }
0x6a: {  	_ =	swait.ge [sflag:s18], $0x7D0  }
0x6b: {  	[sflag:s18] =	ssyncset.done $0x0  }
0x6c: {  	[sflag:s18] =	ssyncadd.s32 $0xFFFFF830  }
0x6d: {  	_ =	swait.ge [sflag:s21], $0x7D00  }
0x6e: {  	[sflag:s21] =	ssyncset.done $0x0  }
0x6f: {  	[sflag:s21] =	ssyncadd.s32 $0xFFFF8300  }
0x70: {  	[spmem:s4] =	stream.indirect.scatter.add.f32 [tilespmem:s26], [sflag:$0x3], $0x10, s19, s12, $0xb8;
	[tilespmem:$0x1CE58] =	vst v63  }
0x71: {  	_ = 	snop  }
0x72: {  	[spmem:s24] =	stream.indirect.scatter.add.f32 [tilespmem:s10], [sflag:$0x4], $0x8, s19, s12, $0xb8;
	[tilespmem:$0x1CE58] =	vst v63  }
0x73: {  	_ = 	snop  }
0x74: {  	[tilespmem:s13], [sflag:$0x1] =	stream.indirect.gather [hbm4b:s6+s12], $0x10, s17, s12, $0xb8;
	[tilespmem:$0x1CE58] =	vst v63  }
0x75: {  	_ =	swait.ge [sflag:s15], $0x7D00  }
0x76: {  	[sflag:s15] =	ssyncset.done $0x0  }
0x77: {  	[sflag:s15] =	ssyncadd.s32 $0xFFFF8300  }
0x78: {  	_ =	swait.ge [sflag:s14], $0x3E80  }
0x79: {  	[sflag:s14] =	ssyncset.done $0x0  }
0x7a: {  	s2 =	rddreg [dreg:$0xc];
	[sflag:s14] =	ssyncadd.s32 $0xFFFFC180  }
0x7b: {  	[tilespmem:s22], [sflag:$0x5] =	stream.linear.gather [hbm4b:s2+s7], $0x7D0, $0x38;
	[tilespmem:$0x1CE58] =	vst v63  }
0x7c: {  	_ =	swait.ge [sflag:s18], $0x7D0  }
0x7d: {  	[sflag:s18] =	ssyncset.done $0x0  }
0x7e: {  	s2 =	rddreg [dreg:$0xd];
	[sflag:s18] =	ssyncadd.s32 $0xFFFFF830  }
0x7f: {  	[tilespmem:s19], [sflag:$0x5] =	stream.linear.gather [hbm4b:s2+s7], $0x7D0, $0x38;
	[tilespmem:$0x1CE58] =	vst v63  }
0x80: {  	_ =	swait.ge [sflag:s18], $0x7D0  }
0x81: {  	[sflag:s18] =	ssyncset.done $0x0  }
0x82: {  	[sflag:s18] =	ssyncadd.s32 $0xFFFFF830  }
0x83: {  	_ =	swait.ge [sflag:s16], $0x7D00  }
0x84: {  	[sflag:s16] =	ssyncset.done $0x0  }
0x85: {  	[sflag:s16] =	ssyncadd.s32 $0xFFFF8300  }
0x86: {  	[spmem:s4] =	stream.indirect.scatter.add.f32 [tilespmem:s13], [sflag:$0x3], $0x10, s11, s12, $0xb8;
	[tilespmem:$0x1CE58] =	vst v63  }
0x87: {  	_ = 	snop  }
0x88: {  	[spmem:s24] =	stream.indirect.scatter.add.f32 [tilespmem:s10], [sflag:$0x4], $0x8, s11, s12, $0xb8;
	[tilespmem:$0x1CE58] =	vst v63  }
0x89: {  	_ = 	snop  }
0x8a: {  	[tilespmem:s26], [sflag:$0x2] =	stream.indirect.gather [hbm4b:s6+s12], $0x10, s22, s12, $0xb8;
	[tilespmem:$0x1CE58] =	vst v63  }
0x8b: {  	_ =	swait.ge [sflag:s15], $0x7D00  }
0x8c: {  	[sflag:s15] =	ssyncset.done $0x0  }
0x8d: {  	[sflag:s15] =	ssyncadd.s32 $0xFFFF8300  }
0x8e: {  	_ =	swait.ge [sflag:s14], $0x3E80  }
0x8f: {  	[sflag:s14] =	ssyncset.done $0x0  }
0x90: {  	s22 =	rddreg [dreg:$0xe];
	[sflag:s14] =	ssyncadd.s32 $0xFFFFC180  }
0x91: {  	[tilespmem:s17], [sflag:$0x5] =	stream.linear.gather [hbm4b:s22+s7], $0x7D0, $0x38;
	[tilespmem:$0x1CE58] =	vst v63  }
0x92: {  	_ =	swait.ge [sflag:s18], $0x7D0  }
0x93: {  	[sflag:s18] =	ssyncset.done $0x0  }
0x94: {  	s22 =	rddreg [dreg:$0xf];
	[sflag:s18] =	ssyncadd.s32 $0xFFFFF830  }
0x95: {  	[tilespmem:s11], [sflag:$0x5] =	stream.linear.gather [hbm4b:s22+s7], $0x7D0, $0x38;
	[tilespmem:$0x1CE58] =	vst v63  }
0x96: {  	_ =	swait.ge [sflag:s18], $0x7D0  }
0x97: {  	[sflag:s18] =	ssyncset.done $0x0  }
0x98: {  	[sflag:s18] =	ssyncadd.s32 $0xFFFFF830  }
0x99: {  	_ =	swait.ge [sflag:s21], $0x7D00  }
0x9a: {  	[sflag:s21] =	ssyncset.done $0x0  }
0x9b: {  	[sflag:s21] =	ssyncadd.s32 $0xFFFF8300  }
0x9c: {  	[spmem:s4] =	stream.indirect.scatter.add.f32 [tilespmem:s26], [sflag:$0x3], $0x10, s19, s12, $0xb8;
	[tilespmem:$0x1CE58] =	vst v63  }
0x9d: {  	_ = 	snop  }
0x9e: {  	[spmem:s24] =	stream.indirect.scatter.add.f32 [tilespmem:s10], [sflag:$0x4], $0x8, s19, s12, $0xb8;
	[tilespmem:$0x1CE58] =	vst v63  }
0x9f: {  	_ = 	snop  }
0xa0: {  	[tilespmem:s13], [sflag:$0x1] =	stream.indirect.gather [hbm4b:s6+s12], $0x10, s17, s12, $0xb8;
	[tilespmem:$0x1CE58] =	vst v63  }
0xa1: {  	_ =	swait.ge [sflag:s15], $0x7D00  }
0xa2: {  	[sflag:s15] =	ssyncset.done $0x0  }
0xa3: {  	[sflag:s15] =	ssyncadd.s32 $0xFFFF8300  }
0xa4: {  	_ =	swait.ge [sflag:s14], $0x3E80  }
0xa5: {  	[sflag:s14] =	ssyncset.done $0x0  }
0xa6: {  	[sflag:s14] =	ssyncadd.s32 $0xFFFFC180  }
0xa7: {  	_ =	swait.ge [sflag:s16], $0x7D00  }
0xa8: {  	[sflag:s16] =	ssyncset.done $0x0  }
0xa9: {  	[sflag:s16] =	ssyncadd.s32 $0xFFFF8300  }
0xaa: {  	[spmem:s4] =	stream.indirect.scatter.add.f32 [tilespmem:s13], [sflag:$0x3], $0x10, s11, s12, $0xb8;
	[tilespmem:$0x1CE58] =	vst v63  }
0xab: {  	_ = 	snop  }
0xac: {  	[spmem:s24] =	stream.indirect.scatter.add.f32 [tilespmem:s10], [sflag:$0x4], $0x8, s11, s12, $0xb8;
	[tilespmem:$0x1CE58] =	vst v63  }
0xad: {  	_ =	swait.ge [sflag:s15], $0x7D00  }
0xae: {  	[sflag:s15] =	ssyncset.done $0x0  }
0xaf: {  	[sflag:s15] =	ssyncadd.s32 $0xFFFF8300  }
0xb0: {  	_ =	swait.ge [sflag:s14], $0x3E80  }
0xb1: {  	[sflag:s14] =	ssyncset.done $0x0  }
0xb2: {  	[sflag:s14] =	ssyncadd.s32 $0xFFFFC180  }
0xb3: {  	[bflag:$0x0] =	sbarrier.arrive $0xFFFF  }
0xb4: {  	[tilespmem:s29], [sflag:$0x5] =	stream.linear.gather @p0 [spmem:s20], $0x2800, $0x38;
	[tilespmem:$0x1CE58] =	vst v63  }
0xb5: {  	_ =	swait.ge @p0 [sflag:s25], $0x2800  }
0xb6: {  	[sflag:s25] =	ssyncset.done @p0 $0x0  }
0xb7: {  	s2 =	rddreg [dreg:$0x12];
	[sflag:s25] =	ssyncadd.s32 @p0 $0xFFFFD800  }
0xb8: {  	[hbm4b:s2+s28] =	stream.linear.scatter @p0 [tilespmem:s29], [sflag:$0x5], $0x2800, $0x38;
	[tilespmem:$0x1CE58] =	vst v63  }
0xb9: {  	_ =	swait.ge @p0 [sflag:s25], $0x2800  }
0xba: {  	[sflag:s25] =	ssyncset.done @p0 $0x0  }
0xbb: {  	[sflag:s25] =	ssyncadd.s32 @p0 $0xFFFFD800  }
0xbc: {  	[tilespmem:s31], [sflag:$0x5] =	stream.linear.gather @p0 [spmem:s9], $0x1400, $0x38;
	[tilespmem:$0x1CE58] =	vst v63  }
0xbd: {  	_ =	swait.ge @p0 [sflag:s25], $0x1400  }
0xbe: {  	[sflag:s25] =	ssyncset.done @p0 $0x0  }
0xbf: {  	s2 =	rddreg [dreg:$0x13];
	[sflag:s25] =	ssyncadd.s32 @p0 $0xFFFFEC00  }
0xc0: {  	[hbm4b:s2+s28] =	stream.linear.scatter @p0 [tilespmem:s31], [sflag:$0x5], $0x1400, $0x38;
	[tilespmem:$0x1CE58] =	vst v63  }
0xc1: {  	_ =	swait.ge @p0 [sflag:s25], $0x1400  }
0xc2: {  	[sflag:s25] =	ssyncset.done @p0 $0x0  }
0xc3: {  	[sflag:s25] =	ssyncadd.s32 @p0 $0xFFFFEC00  }
0xc4: {  	[tilespmem:s1], [sflag:$0x5] =	stream.linear.gather @!p0 [spmem:s8], $0x2700, $0x38;
	[tilespmem:$0x1CE58] =	vst v63  }
0xc5: {  	_ =	swait.ge @!p0 [sflag:s30], $0x2700  }
0xc6: {  	[sflag:s30] =	ssyncset.done @!p0 $0x0  }
0xc7: {  	s2 =	rddreg [dreg:$0x10];
	[sflag:s30] =	ssyncadd.s32 @!p0 $0xFFFFD900  }
0xc8: {  	[hbm4b:s2+s3] =	stream.linear.scatter @!p0 [tilespmem:s1], [sflag:$0x5], $0x2700, $0x38;
	[tilespmem:$0x1CE58] =	vst v63  }
0xc9: {  	_ =	swait.ge @!p0 [sflag:s30], $0x2700  }
0xca: {  	[sflag:s30] =	ssyncset.done @!p0 $0x0  }
0xcb: {  	s23 =	sadd.s32 $0xFFFFFFFF, s23;
	[sflag:s30] =	ssyncadd.s32 @!p0 $0xFFFFD900  }
0xcc: {  	[tilespmem:s0], [sflag:$0x5] =	stream.linear.gather @!p0 [spmem:s5], $0x1380, $0x38;
	[tilespmem:$0x1CE58] =	vst v63  }
0xcd: {  	p2 =	sne.s32 s23, $0x0;
	_ =	swait.ge @!p0 [sflag:s30], $0x1380  }
.Ltmp1:
0xce: {  	[sflag:s30] =	ssyncset.done @!p0 $0x0;
	(pc) =	sbr.rel @!p2 .LBB2_7-.Ltmp1, $4  }
0xcf: {  	s2 =	rddreg [dreg:$0x11];
	[sflag:s30] =	ssyncadd.s32 @!p0 $0xFFFFEC80  }
0xd0: {  	[hbm4b:s2+s3] =	stream.linear.scatter @!p0 [tilespmem:s0], [sflag:$0x5], $0x1380, $0x38;
	[tilespmem:$0x1CE58] =	vst v63  }
0xd1: {  	_ =	swait.ge @!p0 [sflag:s30], $0x1380  }
0xd2: {  	p1 =	por $0x1, $0x1;
	s2 =	rddreg [dreg:$0x5];
	[sflag:s30] =	ssyncset.done @!p0 $0x0  }
0xd3: {  	s22 =	simm.s32 $0xC738;
	s26 =	simm.s32 $0xD6D8  }
.LBB2_4:
0xd4: {  	[sflag:s30] =	ssyncadd.s32 @!p0 $0xFFFFEC80  }
0xd5: {  	[tilespmem:s10], [sflag:$0x5] =	stream.linear.gather [hbm4b:s2+s7], $0x3E80, $0x38;
	[tilespmem:$0x1CE58] =	vst v63  }
0xd6: {  	_ =	swait.ge [sflag:s18], $0x3E80  }
0xd7: {  	s28 =	simm.s32 @p0 $0x0;
	[sflag:s18] =	ssyncset.done $0x0  }
0xd8: {  	s29 =	simm.s32 @p0 $0x19258;
	s2 =	rddreg [dreg:$0x16];
	[sflag:s18] =	ssyncadd.s32 $0xFFFFC180  }
0xd9: {  	[tilespmem:s29], [sflag:$0x5] =	stream.linear.gather @p0 [hbm4b:s2+s28], $0x2800, $0x38;
	[tilespmem:$0x1CE58] =	vst v63  }
0xda: {  	_ =	swait.ge @p0 [sflag:s25], $0x2800  }
0xdb: {  	[sflag:s25] =	ssyncset.done @p0 $0x0  }
0xdc: {  	[sflag:s25] =	ssyncadd.s32 @p0 $0xFFFFD800  }
0xdd: {  	[spmem:s20] =	stream.linear.scatter @p0 [tilespmem:s29], [sflag:$0x5], $0x2800, $0x38;
	[tilespmem:$0x1CE58] =	vst v63  }
0xde: {  	_ =	swait.ge @p0 [sflag:s25], $0x2800  }
0xdf: {  	[sflag:s25] =	ssyncset.done @p0 $0x0  }
0xe0: {  	[sflag:s25] =	ssyncadd.s32 @p0 $0xFFFFD800  }
0xe1: {  	s31 =	simm.s32 @p0 $0x1BA58;
	s5 =	rddreg [dreg:$0x1]  }
0xe2: {  	[tilespmem:s31], [sflag:$0x5] =	stream.linear.gather @p0 [hbm4b:s5+s28], $0x1400, $0x38;
	[tilespmem:$0x1CE58] =	vst v63  }
0xe3: {  	_ =	swait.ge @p0 [sflag:s25], $0x1400  }
0xe4: {  	[sflag:s25] =	ssyncset.done @p0 $0x0  }
0xe5: {  	[sflag:s25] =	ssyncadd.s32 @p0 $0xFFFFEC00  }
0xe6: {  	[spmem:s9] =	stream.linear.scatter @p0 [tilespmem:s31], [sflag:$0x5], $0x1400, $0x38;
	[tilespmem:$0x1CE58] =	vst v63  }
0xe7: {  	_ =	swait.ge @p0 [sflag:s25], $0x1400  }
0xe8: {  	[sflag:s25] =	ssyncset.done @p0 $0x0  }
0xe9: {  	[sflag:s25] =	ssyncadd.s32 @p0 $0xFFFFEC00  }
0xea: {  	[tilespmem:s1], [sflag:$0x5] =	stream.linear.gather @!p0 [hbm4b:s2+s3], $0x2700, $0x38;
	[tilespmem:$0x1CE58] =	vst v63  }
0xeb: {  	_ =	swait.ge @!p0 [sflag:s30], $0x2700  }
0xec: {  	[sflag:s30] =	ssyncset.done @!p0 $0x0  }
0xed: {  	s8 =	rddreg [dreg:$0x14];
	[sflag:s30] =	ssyncadd.s32 @!p0 $0xFFFFD900  }
0xee: {  	[spmem:s8] =	stream.linear.scatter @!p0 [tilespmem:s1], [sflag:$0x5], $0x2700, $0x38;
	[tilespmem:$0x1CE58] =	vst v63  }
0xef: {  	_ =	swait.ge @!p0 [sflag:s30], $0x2700  }
0xf0: {  	[sflag:s30] =	ssyncset.done @!p0 $0x0  }
0xf1: {  	[sflag:s30] =	ssyncadd.s32 @!p0 $0xFFFFD900  }
0xf2: {  	[tilespmem:s0], [sflag:$0x5] =	stream.linear.gather @!p0 [hbm4b:s5+s3], $0x1380, $0x38;
	[tilespmem:$0x1CE58] =	vst v63  }
0xf3: {  	_ =	swait.ge @!p0 [sflag:s30], $0x1380  }
0xf4: {  	[sflag:s30] =	ssyncset.done @!p0 $0x0  }
0xf5: {  	s5 =	rddreg [dreg:$0x15];
	[sflag:s30] =	ssyncadd.s32 @!p0 $0xFFFFEC80  }
0xf6: {  	[spmem:s5] =	stream.linear.scatter @!p0 [tilespmem:s0], [sflag:$0x5], $0x1380, $0x38;
	[tilespmem:$0x1CE58] =	vst v63  }
0xf7: {  	_ =	swait.ge @!p0 [sflag:s30], $0x1380  }
0xf8: {  	[sflag:s30] =	ssyncset.done @!p0 $0x0  }
0xf9: {  	[sflag:s30] =	ssyncadd.s32 @!p0 $0xFFFFEC80  }
0xfa: {  	[bflag:$0x0] =	sbarrier.arrive $0xFFFF  }
0xfb: {  	s2 =	rddreg [dreg:$0x6]  }
0xfc: {  	[tilespmem:s17], [sflag:$0x5] =	stream.linear.gather [hbm4b:s2+s7], $0x7D0, $0x38;
	[tilespmem:$0x1CE58] =	vst v63  }
0xfd: {  	_ =	swait.ge [sflag:s18], $0x7D0  }
0xfe: {  	[sflag:s18] =	ssyncset.done $0x0  }
0xff: {  	s2 =	rddreg [dreg:$0x7];
	[sflag:s18] =	ssyncadd.s32 $0xFFFFF830  }
0x100: {  	[tilespmem:s11], [sflag:$0x5] =	stream.linear.gather [hbm4b:s2+s7], $0x7D0, $0x38;
	[tilespmem:$0x1CE58] =	vst v63  }
0x101: {  	_ =	swait.ge [sflag:s18], $0x7D0  }
0x102: {  	[sflag:s18] =	ssyncset.done $0x0  }
0x103: {  	[sflag:s18] =	ssyncadd.s32 $0xFFFFF830  }
0x104: {  	[tilespmem:s13], [sflag:$0x1] =	stream.indirect.gather [hbm4b:s6+s12], $0x10, s17, s12, $0xb8;
	[tilespmem:$0x1CE58] =	vst v63  }
0x105: {  	s2 =	rddreg [dreg:$0x8]  }
0x106: {  	[tilespmem:s22], [sflag:$0x5] =	stream.linear.gather [hbm4b:s2+s7], $0x7D0, $0x38;
	[tilespmem:$0x1CE58] =	vst v63  }
0x107: {  	_ =	swait.ge [sflag:s18], $0x7D0  }
0x108: {  	[sflag:s18] =	ssyncset.done $0x0  }
0x109: {  	s2 =	rddreg [dreg:$0x9];
	[sflag:s18] =	ssyncadd.s32 $0xFFFFF830  }
0x10a: {  	[tilespmem:s19], [sflag:$0x5] =	stream.linear.gather [hbm4b:s2+s7], $0x7D0, $0x38;
	[tilespmem:$0x1CE58] =	vst v63  }
0x10b: {  	_ =	swait.ge [sflag:s18], $0x7D0  }
0x10c: {  	[sflag:s18] =	ssyncset.done $0x0  }
0x10d: {  	[sflag:s18] =	ssyncadd.s32 $0xFFFFF830  }
0x10e: {  	_ =	swait.ge [sflag:s16], $0x7D00  }
0x10f: {  	[sflag:s16] =	ssyncset.done $0x0  }
0x110: {  	[sflag:s16] =	ssyncadd.s32 $0xFFFF8300  }
0x111: {  	[spmem:s4] =	stream.indirect.scatter.add.f32 [tilespmem:s13], [sflag:$0x3], $0x10, s11, s12, $0xb8;
	[tilespmem:$0x1CE58] =	vst v63  }
0x112: {  	_ = 	snop  }
0x113: {  	[spmem:s24] =	stream.indirect.scatter.add.f32 [tilespmem:s10], [sflag:$0x4], $0x8, s11, s12, $0xb8;
	[tilespmem:$0x1CE58] =	vst v63  }
0x114: {  	_ = 	snop  }
0x115: {  	[tilespmem:s26], [sflag:$0x2] =	stream.indirect.gather [hbm4b:s6+s12], $0x10, s22, s12, $0xb8;
	[tilespmem:$0x1CE58] =	vst v63  }
0x116: {  	_ =	swait.ge [sflag:s15], $0x7D00  }
0x117: {  	[sflag:s15] =	ssyncset.done $0x0  }
0x118: {  	[sflag:s15] =	ssyncadd.s32 $0xFFFF8300  }
0x119: {  	_ =	swait.ge [sflag:s14], $0x3E80  }
0x11a: {  	[sflag:s14] =	ssyncset.done $0x0  }
0x11b: {  	s2 =	rddreg [dreg:$0xa];
	[sflag:s14] =	ssyncadd.s32 $0xFFFFC180  }
0x11c: {  	[tilespmem:s17], [sflag:$0x5] =	stream.linear.gather [hbm4b:s2+s7], $0x7D0, $0x38;
	[tilespmem:$0x1CE58] =	vst v63  }
0x11d: {  	_ =	swait.ge [sflag:s18], $0x7D0  }
0x11e: {  	[sflag:s18] =	ssyncset.done $0x0  }
0x11f: {  	s2 =	rddreg [dreg:$0xb];
	[sflag:s18] =	ssyncadd.s32 $0xFFFFF830  }
0x120: {  	[tilespmem:s11], [sflag:$0x5] =	stream.linear.gather [hbm4b:s2+s7], $0x7D0, $0x38;
	[tilespmem:$0x1CE58] =	vst v63  }
0x121: {  	_ =	swait.ge [sflag:s18], $0x7D0  }
0x122: {  	[sflag:s18] =	ssyncset.done $0x0  }
0x123: {  	[sflag:s18] =	ssyncadd.s32 $0xFFFFF830  }
0x124: {  	_ =	swait.ge [sflag:s21], $0x7D00  }
0x125: {  	[sflag:s21] =	ssyncset.done $0x0  }
0x126: {  	[sflag:s21] =	ssyncadd.s32 $0xFFFF8300  }
0x127: {  	[spmem:s4] =	stream.indirect.scatter.add.f32 [tilespmem:s26], [sflag:$0x3], $0x10, s19, s12, $0xb8;
	[tilespmem:$0x1CE58] =	vst v63  }
0x128: {  	_ = 	snop  }
0x129: {  	[spmem:s24] =	stream.indirect.scatter.add.f32 [tilespmem:s10], [sflag:$0x4], $0x8, s19, s12, $0xb8;
	[tilespmem:$0x1CE58] =	vst v63  }
0x12a: {  	_ = 	snop  }
0x12b: {  	[tilespmem:s13], [sflag:$0x1] =	stream.indirect.gather [hbm4b:s6+s12], $0x10, s17, s12, $0xb8;
	[tilespmem:$0x1CE58] =	vst v63  }
0x12c: {  	_ =	swait.ge [sflag:s15], $0x7D00  }
0x12d: {  	[sflag:s15] =	ssyncset.done $0x0  }
0x12e: {  	[sflag:s15] =	ssyncadd.s32 $0xFFFF8300  }
0x12f: {  	_ =	swait.ge [sflag:s14], $0x3E80  }
0x130: {  	[sflag:s14] =	ssyncset.done $0x0  }
0x131: {  	s2 =	rddreg [dreg:$0xc];
	[sflag:s14] =	ssyncadd.s32 $0xFFFFC180  }
0x132: {  	[tilespmem:s22], [sflag:$0x5] =	stream.linear.gather [hbm4b:s2+s7], $0x7D0, $0x38;
	[tilespmem:$0x1CE58] =	vst v63  }
0x133: {  	_ =	swait.ge [sflag:s18], $0x7D0  }
0x134: {  	[sflag:s18] =	ssyncset.done $0x0  }
0x135: {  	s2 =	rddreg [dreg:$0xd];
	[sflag:s18] =	ssyncadd.s32 $0xFFFFF830  }
0x136: {  	[tilespmem:s19], [sflag:$0x5] =	stream.linear.gather [hbm4b:s2+s7], $0x7D0, $0x38;
	[tilespmem:$0x1CE58] =	vst v63  }
0x137: {  	_ =	swait.ge [sflag:s18], $0x7D0  }
0x138: {  	[sflag:s18] =	ssyncset.done $0x0  }
0x139: {  	[sflag:s18] =	ssyncadd.s32 $0xFFFFF830  }
0x13a: {  	_ =	swait.ge [sflag:s16], $0x7D00  }
0x13b: {  	[sflag:s16] =	ssyncset.done $0x0  }
0x13c: {  	[sflag:s16] =	ssyncadd.s32 $0xFFFF8300  }
0x13d: {  	[spmem:s4] =	stream.indirect.scatter.add.f32 [tilespmem:s13], [sflag:$0x3], $0x10, s11, s12, $0xb8;
	[tilespmem:$0x1CE58] =	vst v63  }
0x13e: {  	_ = 	snop  }
0x13f: {  	[spmem:s24] =	stream.indirect.scatter.add.f32 [tilespmem:s10], [sflag:$0x4], $0x8, s11, s12, $0xb8;
	[tilespmem:$0x1CE58] =	vst v63  }
0x140: {  	_ = 	snop  }
0x141: {  	[tilespmem:s26], [sflag:$0x2] =	stream.indirect.gather [hbm4b:s6+s12], $0x10, s22, s12, $0xb8;
	[tilespmem:$0x1CE58] =	vst v63  }
0x142: {  	_ =	swait.ge [sflag:s15], $0x7D00  }
0x143: {  	[sflag:s15] =	ssyncset.done $0x0  }
0x144: {  	[sflag:s15] =	ssyncadd.s32 $0xFFFF8300  }
0x145: {  	_ =	swait.ge [sflag:s14], $0x3E80  }
0x146: {  	[sflag:s14] =	ssyncset.done $0x0  }
0x147: {  	s2 =	rddreg [dreg:$0xe];
	[sflag:s14] =	ssyncadd.s32 $0xFFFFC180  }
0x148: {  	[tilespmem:s17], [sflag:$0x5] =	stream.linear.gather [hbm4b:s2+s7], $0x7D0, $0x38;
	[tilespmem:$0x1CE58] =	vst v63  }
0x149: {  	_ =	swait.ge [sflag:s18], $0x7D0  }
0x14a: {  	[sflag:s18] =	ssyncset.done $0x0  }
0x14b: {  	s2 =	rddreg [dreg:$0xf];
	[sflag:s18] =	ssyncadd.s32 $0xFFFFF830  }
0x14c: {  	[tilespmem:s11], [sflag:$0x5] =	stream.linear.gather [hbm4b:s2+s7], $0x7D0, $0x38;
	[tilespmem:$0x1CE58] =	vst v63  }
0x14d: {  	_ =	swait.ge [sflag:s18], $0x7D0  }
0x14e: {  	[sflag:s18] =	ssyncset.done $0x0  }
0x14f: {  	[sflag:s18] =	ssyncadd.s32 $0xFFFFF830  }
0x150: {  	_ =	swait.ge [sflag:s21], $0x7D00  }
0x151: {  	[sflag:s21] =	ssyncset.done $0x0  }
0x152: {  	[sflag:s21] =	ssyncadd.s32 $0xFFFF8300  }
0x153: {  	[spmem:s4] =	stream.indirect.scatter.add.f32 [tilespmem:s26], [sflag:$0x3], $0x10, s19, s12, $0xb8;
	[tilespmem:$0x1CE58] =	vst v63  }
0x154: {  	_ = 	snop  }
0x155: {  	[spmem:s24] =	stream.indirect.scatter.add.f32 [tilespmem:s10], [sflag:$0x4], $0x8, s19, s12, $0xb8;
	[tilespmem:$0x1CE58] =	vst v63  }
0x156: {  	_ = 	snop  }
0x157: {  	[tilespmem:s13], [sflag:$0x1] =	stream.indirect.gather [hbm4b:s6+s12], $0x10, s17, s12, $0xb8;
	[tilespmem:$0x1CE58] =	vst v63  }
0x158: {  	_ =	swait.ge [sflag:s15], $0x7D00  }
0x159: {  	[sflag:s15] =	ssyncset.done $0x0  }
0x15a: {  	[sflag:s15] =	ssyncadd.s32 $0xFFFF8300  }
0x15b: {  	_ =	swait.ge [sflag:s14], $0x3E80  }
0x15c: {  	[sflag:s14] =	ssyncset.done $0x0  }
0x15d: {  	[sflag:s14] =	ssyncadd.s32 $0xFFFFC180  }
0x15e: {  	_ =	swait.ge [sflag:s16], $0x7D00  }
0x15f: {  	[sflag:s16] =	ssyncset.done $0x0  }
0x160: {  	[sflag:s16] =	ssyncadd.s32 $0xFFFF8300  }
0x161: {  	[spmem:s4] =	stream.indirect.scatter.add.f32 [tilespmem:s13], [sflag:$0x3], $0x10, s11, s12, $0xb8;
	[tilespmem:$0x1CE58] =	vst v63  }
0x162: {  	_ = 	snop  }
0x163: {  	[spmem:s24] =	stream.indirect.scatter.add.f32 [tilespmem:s10], [sflag:$0x4], $0x8, s11, s12, $0xb8;
	[tilespmem:$0x1CE58] =	vst v63  }
0x164: {  	_ =	swait.ge [sflag:s15], $0x7D00  }
0x165: {  	[sflag:s15] =	ssyncset.done $0x0  }
0x166: {  	[sflag:s15] =	ssyncadd.s32 $0xFFFF8300  }
0x167: {  	_ =	swait.ge [sflag:s14], $0x3E80  }
0x168: {  	[sflag:s14] =	ssyncset.done $0x0  }
0x169: {  	[sflag:s14] =	ssyncadd.s32 $0xFFFFC180  }
0x16a: {  	[bflag:$0x0] =	sbarrier.arrive $0xFFFF  }
0x16b: {  	[tilespmem:s29], [sflag:$0x5] =	stream.linear.gather @p0 [spmem:s20], $0x2800, $0x38;
	[tilespmem:$0x1CE58] =	vst v63  }
0x16c: {  	_ =	swait.ge @p0 [sflag:s25], $0x2800  }
0x16d: {  	[sflag:s25] =	ssyncset.done @p0 $0x0  }
0x16e: {  	s2 =	rddreg [dreg:$0x12];
	[sflag:s25] =	ssyncadd.s32 @p0 $0xFFFFD800  }
0x16f: {  	[hbm4b:s2+s28] =	stream.linear.scatter @p0 [tilespmem:s29], [sflag:$0x5], $0x2800, $0x38;
	[tilespmem:$0x1CE58] =	vst v63  }
0x170: {  	_ =	swait.ge @p0 [sflag:s25], $0x2800  }
0x171: {  	[sflag:s25] =	ssyncset.done @p0 $0x0  }
0x172: {  	[sflag:s25] =	ssyncadd.s32 @p0 $0xFFFFD800  }
0x173: {  	[tilespmem:s31], [sflag:$0x5] =	stream.linear.gather @p0 [spmem:s9], $0x1400, $0x38;
	[tilespmem:$0x1CE58] =	vst v63  }
0x174: {  	_ =	swait.ge @p0 [sflag:s25], $0x1400  }
0x175: {  	[sflag:s25] =	ssyncset.done @p0 $0x0  }
0x176: {  	s2 =	rddreg [dreg:$0x13];
	[sflag:s25] =	ssyncadd.s32 @p0 $0xFFFFEC00  }
0x177: {  	[hbm4b:s2+s28] =	stream.linear.scatter @p0 [tilespmem:s31], [sflag:$0x5], $0x1400, $0x38;
	[tilespmem:$0x1CE58] =	vst v63  }
0x178: {  	_ =	swait.ge @p0 [sflag:s25], $0x1400  }
0x179: {  	[sflag:s25] =	ssyncset.done @p0 $0x0  }
0x17a: {  	[sflag:s25] =	ssyncadd.s32 @p0 $0xFFFFEC00  }
0x17b: {  	[tilespmem:s1], [sflag:$0x5] =	stream.linear.gather @!p0 [spmem:s8], $0x2700, $0x38;
	[tilespmem:$0x1CE58] =	vst v63  }
0x17c: {  	_ =	swait.ge @!p0 [sflag:s30], $0x2700  }
0x17d: {  	[sflag:s30] =	ssyncset.done @!p0 $0x0  }
0x17e: {  	s2 =	rddreg [dreg:$0x10];
	[sflag:s30] =	ssyncadd.s32 @!p0 $0xFFFFD900  }
0x17f: {  	[hbm4b:s2+s3] =	stream.linear.scatter @!p0 [tilespmem:s1], [sflag:$0x5], $0x2700, $0x38;
	[tilespmem:$0x1CE58] =	vst v63  }
0x180: {  	_ =	swait.ge @!p0 [sflag:s30], $0x2700  }
0x181: {  	[sflag:s30] =	ssyncset.done @!p0 $0x0  }
0x182: {  	s23 =	sadd.s32 $0xFFFFFFFF, s23;
	[sflag:s30] =	ssyncadd.s32 @!p0 $0xFFFFD900  }
0x183: {  	[tilespmem:s0], [sflag:$0x5] =	stream.linear.gather @!p0 [spmem:s5], $0x1380, $0x38;
	[tilespmem:$0x1CE58] =	vst v63  }
0x184: {  	p2 =	sne.s32 s23, $0x0;
	_ =	swait.ge @!p0 [sflag:s30], $0x1380  }
.Ltmp2:
0x185: {  	[sflag:s30] =	ssyncset.done @!p0 $0x0;
	(pc) =	sbr.rel @p2 .LBB2_4-.Ltmp2, $4  }
0x186: {  	s2 =	rddreg [dreg:$0x11];
	[sflag:s30] =	ssyncadd.s32 @!p0 $0xFFFFEC80  }
0x187: {  	[hbm4b:s2+s3] =	stream.linear.scatter @!p0 [tilespmem:s0], [sflag:$0x5], $0x1380, $0x38;
	[tilespmem:$0x1CE58] =	vst v63  }
0x188: {  	_ =	swait.ge @!p0 [sflag:s30], $0x1380  }
0x189: {  	s2 =	rddreg [dreg:$0x5];
	[sflag:s30] =	ssyncset.done @!p0 $0x0  }
0x18a: {  	s22 =	rddreg [dreg:$0x1]  }
0x18b: {  	s5 =	rddreg [dreg:$0x15]  }
0x18c: {  	s8 =	rddreg [dreg:$0x14]  }
0x18d: {  	s31 =	stileid.u32;
	s3 =	rddreg [dreg:$0x16]  }
.LBB2_6:
0x18e: {  	p1 =	por p0, !p1  }
0x18f: {  	[sflag:s30] =	ssyncadd.s32 @!p1 $0xFFFFEC80  }
0x190: {  	[tilespmem:s10], [sflag:$0x5] =	stream.linear.gather [hbm4b:s2+s7], $0x3E80, $0x38;
	[tilespmem:$0x1CE58] =	vst v63  }
0x191: {  	_ =	swait.ge [sflag:s18], $0x3E80  }
0x192: {  	s1 =	simm.s32 @p0 $0x0;
	[sflag:s18] =	ssyncset.done $0x0  }
0x193: {  	s26 =	simm.s32 @p0 $0x19258;
	s0 =	simm.s32 @p0 $0x5;
	[sflag:s18] =	ssyncadd.s32 $0xFFFFC180  }
0x194: {  	[tilespmem:s26], [sflag:$0x5] =	stream.linear.gather @p0 [hbm4b:s3+s1], $0x2800, $0x38;
	[tilespmem:$0x1CE58] =	vst v63  }
0x195: {  	_ =	swait.ge @p0 [sflag:s0], $0x2800  }
0x196: {  	[sflag:s0] =	ssyncset.done @p0 $0x0  }
0x197: {  	[sflag:s0] =	ssyncadd.s32 @p0 $0xFFFFD800  }
0x198: {  	[spmem:s20] =	stream.linear.scatter @p0 [tilespmem:s26], [sflag:$0x5], $0x2800, $0x38;
	[tilespmem:$0x1CE58] =	vst v63  }
0x199: {  	_ =	swait.ge @p0 [sflag:s0], $0x2800  }
0x19a: {  	[sflag:s0] =	ssyncset.done @p0 $0x0  }
0x19b: {  	s28 =	simm.s32 @p0 $0x1BA58;
	[sflag:s0] =	ssyncadd.s32 @p0 $0xFFFFD800  }
0x19c: {  	[tilespmem:s28], [sflag:$0x5] =	stream.linear.gather @p0 [hbm4b:s22+s1], $0x1400, $0x38;
	[tilespmem:$0x1CE58] =	vst v63  }
0x19d: {  	_ =	swait.ge @p0 [sflag:s0], $0x1400  }
0x19e: {  	[sflag:s0] =	ssyncset.done @p0 $0x0  }
0x19f: {  	[sflag:s0] =	ssyncadd.s32 @p0 $0xFFFFEC00  }
0x1a0: {  	[spmem:s9] =	stream.linear.scatter @p0 [tilespmem:s28], [sflag:$0x5], $0x1400, $0x38;
	[tilespmem:$0x1CE58] =	vst v63  }
0x1a1: {  	_ =	swait.ge @p0 [sflag:s0], $0x1400  }
0x1a2: {  	s25 =	simm.s32 @!p0 $0x0;
	[sflag:s0] =	ssyncset.done @p0 $0x0  }
0x1a3: {  	s29 =	simm.s32 @!p0 $0x19258;
	s23 =	simm.s32 @!p0 $0x5;
	[sflag:s0] =	ssyncadd.s32 @p0 $0xFFFFEC00  }
0x1a4: {  	[tilespmem:s29], [sflag:$0x5] =	stream.linear.gather @!p0 [hbm4b:s3+s25], $0x2700, $0x38;
	[tilespmem:$0x1CE58] =	vst v63  }
0x1a5: {  	_ =	swait.ge @!p0 [sflag:s23], $0x2700  }
0x1a6: {  	[sflag:s23] =	ssyncset.done @!p0 $0x0  }
0x1a7: {  	[sflag:s23] =	ssyncadd.s32 @!p0 $0xFFFFD900  }
0x1a8: {  	[spmem:s8] =	stream.linear.scatter @!p0 [tilespmem:s29], [sflag:$0x5], $0x2700, $0x38;
	[tilespmem:$0x1CE58] =	vst v63  }
0x1a9: {  	_ =	swait.ge @!p0 [sflag:s23], $0x2700  }
0x1aa: {  	[sflag:s23] =	ssyncset.done @!p0 $0x0  }
0x1ab: {  	s3 =	simm.s32 @!p0 $0x1BA58;
	[sflag:s23] =	ssyncadd.s32 @!p0 $0xFFFFD900  }
0x1ac: {  	[tilespmem:s3], [sflag:$0x5] =	stream.linear.gather @!p0 [hbm4b:s22+s25], $0x1380, $0x38;
	[tilespmem:$0x1CE58] =	vst v63  }
0x1ad: {  	_ =	swait.ge @!p0 [sflag:s23], $0x1380  }
0x1ae: {  	[sflag:s23] =	ssyncset.done @!p0 $0x0  }
0x1af: {  	[sflag:s23] =	ssyncadd.s32 @!p0 $0xFFFFEC80  }
0x1b0: {  	[spmem:s5] =	stream.linear.scatter @!p0 [tilespmem:s3], [sflag:$0x5], $0x1380, $0x38;
	[tilespmem:$0x1CE58] =	vst v63  }
0x1b1: {  	_ =	swait.ge @!p0 [sflag:s23], $0x1380  }
0x1b2: {  	[sflag:s23] =	ssyncset.done @!p0 $0x0  }
0x1b3: {  	[sflag:s23] =	ssyncadd.s32 @!p0 $0xFFFFEC80  }
0x1b4: {  	[bflag:$0x0] =	sbarrier.arrive $0xFFFF  }
0x1b5: {  	s22 =	rddreg [dreg:$0x6]  }
0x1b6: {  	[tilespmem:s17], [sflag:$0x5] =	stream.linear.gather [hbm4b:s22+s7], $0x7D0, $0x38;
	[tilespmem:$0x1CE58] =	vst v63  }
0x1b7: {  	_ =	swait.ge [sflag:s18], $0x7D0  }
0x1b8: {  	[sflag:s18] =	ssyncset.done $0x0  }
0x1b9: {  	s30 =	rddreg [dreg:$0x7];
	[sflag:s18] =	ssyncadd.s32 $0xFFFFF830  }
0x1ba: {  	[tilespmem:s11], [sflag:$0x5] =	stream.linear.gather [hbm4b:s30+s7], $0x7D0, $0x38;
	[tilespmem:$0x1CE58] =	vst v63  }
0x1bb: {  	_ =	swait.ge [sflag:s18], $0x7D0  }
0x1bc: {  	[sflag:s18] =	ssyncset.done $0x0  }
0x1bd: {  	[sflag:s18] =	ssyncadd.s32 $0xFFFFF830  }
0x1be: {  	[tilespmem:s13], [sflag:$0x1] =	stream.indirect.gather [hbm4b:s6+s12], $0x10, s17, s12, $0xb8;
	[tilespmem:$0x1CE58] =	vst v63  }
0x1bf: {  	s30 =	simm.s32 $0xC738;
	s22 =	rddreg [dreg:$0x8]  }
0x1c0: {  	[tilespmem:s30], [sflag:$0x5] =	stream.linear.gather [hbm4b:s22+s7], $0x7D0, $0x38;
	[tilespmem:$0x1CE58] =	vst v63  }
0x1c1: {  	_ =	swait.ge [sflag:s18], $0x7D0  }
0x1c2: {  	[sflag:s18] =	ssyncset.done $0x0  }
0x1c3: {  	s22 =	rddreg [dreg:$0x9];
	[sflag:s18] =	ssyncadd.s32 $0xFFFFF830  }
0x1c4: {  	[tilespmem:s19], [sflag:$0x5] =	stream.linear.gather [hbm4b:s22+s7], $0x7D0, $0x38;
	[tilespmem:$0x1CE58] =	vst v63  }
0x1c5: {  	_ =	swait.ge [sflag:s18], $0x7D0  }
0x1c6: {  	[sflag:s18] =	ssyncset.done $0x0  }
0x1c7: {  	[sflag:s18] =	ssyncadd.s32 $0xFFFFF830  }
0x1c8: {  	_ =	swait.ge [sflag:s16], $0x7D00  }
0x1c9: {  	[sflag:s16] =	ssyncset.done $0x0  }
0x1ca: {  	[sflag:s16] =	ssyncadd.s32 $0xFFFF8300  }
0x1cb: {  	[spmem:s4] =	stream.indirect.scatter.add.f32 [tilespmem:s13], [sflag:$0x3], $0x10, s11, s12, $0xb8;
	[tilespmem:$0x1CE58] =	vst v63  }
0x1cc: {  	_ = 	snop  }
0x1cd: {  	[spmem:s24] =	stream.indirect.scatter.add.f32 [tilespmem:s10], [sflag:$0x4], $0x8, s11, s12, $0xb8;
	[tilespmem:$0x1CE58] =	vst v63  }
0x1ce: {  	s22 =	simm.s32 $0xD6D8  }
0x1cf: {  	[tilespmem:s22], [sflag:$0x2] =	stream.indirect.gather [hbm4b:s6+s12], $0x10, s30, s12, $0xb8;
	[tilespmem:$0x1CE58] =	vst v63  }
0x1d0: {  	_ =	swait.ge [sflag:s15], $0x7D00  }
0x1d1: {  	[sflag:s15] =	ssyncset.done $0x0  }
0x1d2: {  	[sflag:s15] =	ssyncadd.s32 $0xFFFF8300  }
0x1d3: {  	_ =	swait.ge [sflag:s14], $0x3E80  }
0x1d4: {  	[sflag:s14] =	ssyncset.done $0x0  }
0x1d5: {  	s2 =	rddreg [dreg:$0xa];
	[sflag:s14] =	ssyncadd.s32 $0xFFFFC180  }
0x1d6: {  	[tilespmem:s17], [sflag:$0x5] =	stream.linear.gather [hbm4b:s2+s7], $0x7D0, $0x38;
	[tilespmem:$0x1CE58] =	vst v63  }
0x1d7: {  	_ =	swait.ge [sflag:s18], $0x7D0  }
0x1d8: {  	[sflag:s18] =	ssyncset.done $0x0  }
0x1d9: {  	s2 =	rddreg [dreg:$0xb];
	[sflag:s18] =	ssyncadd.s32 $0xFFFFF830  }
0x1da: {  	[tilespmem:s11], [sflag:$0x5] =	stream.linear.gather [hbm4b:s2+s7], $0x7D0, $0x38;
	[tilespmem:$0x1CE58] =	vst v63  }
0x1db: {  	_ =	swait.ge [sflag:s18], $0x7D0  }
0x1dc: {  	[sflag:s18] =	ssyncset.done $0x0  }
0x1dd: {  	[sflag:s18] =	ssyncadd.s32 $0xFFFFF830  }
0x1de: {  	_ =	swait.ge [sflag:s21], $0x7D00  }
0x1df: {  	[sflag:s21] =	ssyncset.done $0x0  }
0x1e0: {  	[sflag:s21] =	ssyncadd.s32 $0xFFFF8300  }
0x1e1: {  	[spmem:s4] =	stream.indirect.scatter.add.f32 [tilespmem:s22], [sflag:$0x3], $0x10, s19, s12, $0xb8;
	[tilespmem:$0x1CE58] =	vst v63  }
0x1e2: {  	_ = 	snop  }
0x1e3: {  	[spmem:s24] =	stream.indirect.scatter.add.f32 [tilespmem:s10], [sflag:$0x4], $0x8, s19, s12, $0xb8;
	[tilespmem:$0x1CE58] =	vst v63  }
0x1e4: {  	_ = 	snop  }
0x1e5: {  	[tilespmem:s13], [sflag:$0x1] =	stream.indirect.gather [hbm4b:s6+s12], $0x10, s17, s12, $0xb8;
	[tilespmem:$0x1CE58] =	vst v63  }
0x1e6: {  	_ =	swait.ge [sflag:s15], $0x7D00  }
0x1e7: {  	[sflag:s15] =	ssyncset.done $0x0  }
0x1e8: {  	[sflag:s15] =	ssyncadd.s32 $0xFFFF8300  }
0x1e9: {  	_ =	swait.ge [sflag:s14], $0x3E80  }
0x1ea: {  	[sflag:s14] =	ssyncset.done $0x0  }
0x1eb: {  	s2 =	rddreg [dreg:$0xc];
	[sflag:s14] =	ssyncadd.s32 $0xFFFFC180  }
0x1ec: {  	[tilespmem:s30], [sflag:$0x5] =	stream.linear.gather [hbm4b:s2+s7], $0x7D0, $0x38;
	[tilespmem:$0x1CE58] =	vst v63  }
0x1ed: {  	_ =	swait.ge [sflag:s18], $0x7D0  }
0x1ee: {  	[sflag:s18] =	ssyncset.done $0x0  }
0x1ef: {  	s2 =	rddreg [dreg:$0xd];
	[sflag:s18] =	ssyncadd.s32 $0xFFFFF830  }
0x1f0: {  	[tilespmem:s19], [sflag:$0x5] =	stream.linear.gather [hbm4b:s2+s7], $0x7D0, $0x38;
	[tilespmem:$0x1CE58] =	vst v63  }
0x1f1: {  	_ =	swait.ge [sflag:s18], $0x7D0  }
0x1f2: {  	[sflag:s18] =	ssyncset.done $0x0  }
0x1f3: {  	[sflag:s18] =	ssyncadd.s32 $0xFFFFF830  }
0x1f4: {  	_ =	swait.ge [sflag:s16], $0x7D00  }
0x1f5: {  	[sflag:s16] =	ssyncset.done $0x0  }
0x1f6: {  	[sflag:s16] =	ssyncadd.s32 $0xFFFF8300  }
0x1f7: {  	[spmem:s4] =	stream.indirect.scatter.add.f32 [tilespmem:s13], [sflag:$0x3], $0x10, s11, s12, $0xb8;
	[tilespmem:$0x1CE58] =	vst v63  }
0x1f8: {  	_ = 	snop  }
0x1f9: {  	[spmem:s24] =	stream.indirect.scatter.add.f32 [tilespmem:s10], [sflag:$0x4], $0x8, s11, s12, $0xb8;
	[tilespmem:$0x1CE58] =	vst v63  }
0x1fa: {  	_ = 	snop  }
0x1fb: {  	[tilespmem:s22], [sflag:$0x2] =	stream.indirect.gather [hbm4b:s6+s12], $0x10, s30, s12, $0xb8;
	[tilespmem:$0x1CE58] =	vst v63  }
0x1fc: {  	_ =	swait.ge [sflag:s15], $0x7D00  }
0x1fd: {  	[sflag:s15] =	ssyncset.done $0x0  }
0x1fe: {  	[sflag:s15] =	ssyncadd.s32 $0xFFFF8300  }
0x1ff: {  	_ =	swait.ge [sflag:s14], $0x3E80  }
0x200: {  	[sflag:s14] =	ssyncset.done $0x0  }
0x201: {  	s30 =	rddreg [dreg:$0xe];
	[sflag:s14] =	ssyncadd.s32 $0xFFFFC180  }
0x202: {  	[tilespmem:s17], [sflag:$0x5] =	stream.linear.gather [hbm4b:s30+s7], $0x7D0, $0x38;
	[tilespmem:$0x1CE58] =	vst v63  }
0x203: {  	_ =	swait.ge [sflag:s18], $0x7D0  }
0x204: {  	[sflag:s18] =	ssyncset.done $0x0  }
0x205: {  	s30 =	rddreg [dreg:$0xf];
	[sflag:s18] =	ssyncadd.s32 $0xFFFFF830  }
0x206: {  	[tilespmem:s11], [sflag:$0x5] =	stream.linear.gather [hbm4b:s30+s7], $0x7D0, $0x38;
	[tilespmem:$0x1CE58] =	vst v63  }
0x207: {  	_ =	swait.ge [sflag:s18], $0x7D0  }
0x208: {  	[sflag:s18] =	ssyncset.done $0x0  }
0x209: {  	[sflag:s18] =	ssyncadd.s32 $0xFFFFF830  }
0x20a: {  	_ =	swait.ge [sflag:s21], $0x7D00  }
0x20b: {  	[sflag:s21] =	ssyncset.done $0x0  }
0x20c: {  	[sflag:s21] =	ssyncadd.s32 $0xFFFF8300  }
0x20d: {  	[spmem:s4] =	stream.indirect.scatter.add.f32 [tilespmem:s22], [sflag:$0x3], $0x10, s19, s12, $0xb8;
	[tilespmem:$0x1CE58] =	vst v63  }
0x20e: {  	_ = 	snop  }
0x20f: {  	[spmem:s24] =	stream.indirect.scatter.add.f32 [tilespmem:s10], [sflag:$0x4], $0x8, s19, s12, $0xb8;
	[tilespmem:$0x1CE58] =	vst v63  }
0x210: {  	_ = 	snop  }
0x211: {  	[tilespmem:s13], [sflag:$0x1] =	stream.indirect.gather [hbm4b:s6+s12], $0x10, s17, s12, $0xb8;
	[tilespmem:$0x1CE58] =	vst v63  }
0x212: {  	_ =	swait.ge [sflag:s15], $0x7D00  }
0x213: {  	[sflag:s15] =	ssyncset.done $0x0  }
0x214: {  	[sflag:s15] =	ssyncadd.s32 $0xFFFF8300  }
0x215: {  	_ =	swait.ge [sflag:s14], $0x3E80  }
0x216: {  	[sflag:s14] =	ssyncset.done $0x0  }
0x217: {  	[sflag:s14] =	ssyncadd.s32 $0xFFFFC180  }
0x218: {  	_ =	swait.ge [sflag:s16], $0x7D00  }
0x219: {  	[sflag:s16] =	ssyncset.done $0x0  }
0x21a: {  	[sflag:s16] =	ssyncadd.s32 $0xFFFF8300  }
0x21b: {  	[spmem:s4] =	stream.indirect.scatter.add.f32 [tilespmem:s13], [sflag:$0x3], $0x10, s11, s12, $0xb8;
	[tilespmem:$0x1CE58] =	vst v63  }
0x21c: {  	_ = 	snop  }
0x21d: {  	[spmem:s24] =	stream.indirect.scatter.add.f32 [tilespmem:s10], [sflag:$0x4], $0x8, s11, s12, $0xb8;
	[tilespmem:$0x1CE58] =	vst v63  }
0x21e: {  	_ =	swait.ge [sflag:s15], $0x7D00  }
0x21f: {  	[sflag:s15] =	ssyncset.done $0x0  }
0x220: {  	[sflag:s15] =	ssyncadd.s32 $0xFFFF8300  }
0x221: {  	_ =	swait.ge [sflag:s14], $0x3E80  }
0x222: {  	[sflag:s14] =	ssyncset.done $0x0  }
0x223: {  	[sflag:s14] =	ssyncadd.s32 $0xFFFFC180  }
0x224: {  	[bflag:$0x0] =	sbarrier.arrive $0xFFFF  }
0x225: {  	[tilespmem:s26], [sflag:$0x5] =	stream.linear.gather @p0 [spmem:s20], $0x2800, $0x38;
	[tilespmem:$0x1CE58] =	vst v63  }
0x226: {  	_ =	swait.ge @p0 [sflag:s0], $0x2800  }
0x227: {  	[sflag:s0] =	ssyncset.done @p0 $0x0  }
0x228: {  	s2 =	rddreg [dreg:$0x12];
	[sflag:s0] =	ssyncadd.s32 @p0 $0xFFFFD800  }
0x229: {  	[hbm4b:s2+s1] =	stream.linear.scatter @p0 [tilespmem:s26], [sflag:$0x5], $0x2800, $0x38;
	[tilespmem:$0x1CE58] =	vst v63  }
0x22a: {  	_ =	swait.ge @p0 [sflag:s0], $0x2800  }
0x22b: {  	[sflag:s0] =	ssyncset.done @p0 $0x0  }
0x22c: {  	[sflag:s0] =	ssyncadd.s32 @p0 $0xFFFFD800  }
0x22d: {  	[tilespmem:s28], [sflag:$0x5] =	stream.linear.gather @p0 [spmem:s9], $0x1400, $0x38;
	[tilespmem:$0x1CE58] =	vst v63  }
0x22e: {  	_ =	swait.ge @p0 [sflag:s0], $0x1400  }
0x22f: {  	[sflag:s0] =	ssyncset.done @p0 $0x0  }
0x230: {  	s2 =	rddreg [dreg:$0x13];
	[sflag:s0] =	ssyncadd.s32 @p0 $0xFFFFEC00  }
0x231: {  	[hbm4b:s2+s1] =	stream.linear.scatter @p0 [tilespmem:s28], [sflag:$0x5], $0x1400, $0x38;
	[tilespmem:$0x1CE58] =	vst v63  }
0x232: {  	_ =	swait.ge @p0 [sflag:s0], $0x1400  }
0x233: {  	[sflag:s0] =	ssyncset.done @p0 $0x0  }
0x234: {  	[sflag:s0] =	ssyncadd.s32 @p0 $0xFFFFEC00  }
0x235: {  	[tilespmem:s29], [sflag:$0x5] =	stream.linear.gather @!p0 [spmem:s8], $0x2700, $0x38;
	[tilespmem:$0x1CE58] =	vst v63  }
0x236: {  	_ =	swait.ge @!p0 [sflag:s23], $0x2700  }
0x237: {  	[sflag:s23] =	ssyncset.done @!p0 $0x0  }
0x238: {  	s0 =	rddreg [dreg:$0x10];
	[sflag:s23] =	ssyncadd.s32 @!p0 $0xFFFFD900  }
0x239: {  	[hbm4b:s0+s25] =	stream.linear.scatter @!p0 [tilespmem:s29], [sflag:$0x5], $0x2700, $0x38;
	[tilespmem:$0x1CE58] =	vst v63  }
0x23a: {  	_ =	swait.ge @!p0 [sflag:s23], $0x2700  }
0x23b: {  	[sflag:s23] =	ssyncset.done @!p0 $0x0  }
0x23c: {  	[sflag:s23] =	ssyncadd.s32 @!p0 $0xFFFFD900  }
0x23d: {  	[tilespmem:s3], [sflag:$0x5] =	stream.linear.gather @!p0 [spmem:s5], $0x1380, $0x38;
	[tilespmem:$0x1CE58] =	vst v63  }
0x23e: {  	_ =	swait.ge @!p0 [sflag:s23], $0x1380  }
0x23f: {  	[sflag:s23] =	ssyncset.done @!p0 $0x0  }
0x240: {  	s0 =	rddreg [dreg:$0x11];
	[sflag:s23] =	ssyncadd.s32 @!p0 $0xFFFFEC80  }
0x241: {  	[hbm4b:s0+s25] =	stream.linear.scatter @!p0 [tilespmem:s3], [sflag:$0x5], $0x1380, $0x38;
	[tilespmem:$0x1CE58] =	vst v63  }
0x242: {  	_ =	swait.ge @!p0 [sflag:s23], $0x1380  }
0x243: {  	[sflag:s23] =	ssyncset.done @!p0 $0x0  }
0x244: {  	[sflag:s23] =	ssyncadd.s32 @!p0 $0xFFFFEC80  }
0x245: {  	_ =	sfence.sel $0x180000  }
0x246: {  	[bflag:$0x0] =	sbarrier.arrive $0xFFFF  }
0x247: {  	_ =	strace $0x90000047  }
0x248: {  	[bflag:$0x2] =	sbarrier.arrive $0xFFFF  }
0x249: {  	p0 =	sne.s32 s31, $0x0;
	s0 =	rddreg [dreg:$0x4]  }
0x24a: {  	s0 =	sadd.s32 @!p0 $0x100000, s0  }
0x24b: {  	[sflag:s0] =	ssyncadd.tile.s32 @!p0 $0x1;
	_ =	shalt  }
.LBB2_1:
.Ltmp3:
0x24c: {  	(pc) =	sbr.rel .LBB2_6-.Ltmp3, $3  }
0x24d: {  	_ =	sdelay $0x1  }
0x24e: {  	s5 =	rddreg [dreg:$0x15]  }
0x24f: {  	s22 =	smov.u32 s30;
	s8 =	rddreg [dreg:$0x14]  }
.LBB2_7:
.Ltmp4:
0x250: {  	(pc) =	sbr.rel .LBB2_6-.Ltmp4, $4  }
0x251: {  	s22 =	rddreg [dreg:$0x1]  }
0x252: {  	s5 =	rddreg [dreg:$0x15]  }
0x253: {  	s8 =	rddreg [dreg:$0x14]  }
0x254: {  	s31 =	stileid.u32;
	s3 =	rddreg [dreg:$0x16]  }
.Lfunc_end2:
_tile_overlayer_lowered:
.L_overlay_start_2:
0x255: {  	(tag) =	ssettag $0x2  }
0x256: {  	s0 =	rddreg [dreg:$0x0];
	s2 =	stileid.u32  }
0x257: {  	s1 =	rddreg [dreg:$0x1];
	p0 =	sne.s32 s2, $0x0  }
0x258: {  	s3 =	rddreg [dreg:$0x2];
	[bflag:$0x3] =	sbarrier.arrive $0xFFFF;
	s2 =	simm.s32 @!p0 $0x1C05  }
0x259: {  	[timem:s3], [sflag:s2] =	dma.local @!p0 [hbm:s0], s1  }
0x25a: {  	s0 =	simm.s32 @!p0 $0x5  }
0x25b: {  	_ =	swait.ge @!p0 [sflag:s0], s1  }
0x25c: {  	s1 =	ssub.s32 @!p0 $0x0, s1;
	[sflag:s0] =	ssyncset.done @!p0 $0x0  }
0x25d: {  	[sflag:s0] =	ssyncadd.s32 @!p0 s1  }
0x25e: {  	[bflag:$0x3] =	sbarrier.arrive $0xFFFF  }
0x25f: {  	_ =	shalt  }

</sc_bundles>
